<compile_context>
chip_gen: v7x
topology: tpu7x:2x2x1
jax: 0.10.2.dev20260603
libtpu: 0.0.44.dev20260713+nightly
codegen_flags: <defaults>
</compile_context>

<pallas_src>
import jax
import jax.numpy as jnp
from jax import lax
from jax.experimental import pallas as pl
from jax.experimental.pallas import tpu as pltpu
from jax.experimental.pallas import tpu_sc as plsc

N_NODES = 10000
PAD_N = 10112
DEG_R = 80
D = 128
E_TOTAL = 320000
CHUNK = 128

NC = 2
NS = 16
NW = NC * NS

EPT = E_TOTAL // NW
CPT = EPT // CHUNK
TAIL = EPT - CPT * CHUNK
ROWS_PER_TILE = PAD_N // NS


def _sc_body(x_src_hbm, src_hbm, dst_hbm, agg_out, deg_out0, deg_out1,
             sb0, sb1, sb2, sb3, db0, db1, db2, db3, st, dt, degidx,
             rows0, rows1, deg, agg_sh, deg_sh,
             is0, is1, is2, is3, gs0, gs1, ss0, ss1):
    c_id = lax.axis_index("c")
    s_id = lax.axis_index("s")
    wid = s_id * NC + c_id
    ebase = wid * EPT

    sbufs = (sb0, sb1, sb2, sb3)
    dbufs = (db0, db1, db2, db3)
    rows = (rows0, rows1)
    isems = (is0, is1, is2, is3)
    gsems = (gs0, gs1)
    ssems = (ss0, ss1)
    zeros16 = jnp.zeros((16,), jnp.float32)
    ones16 = jnp.ones((16,), jnp.float32)

    def issue_idx(t, slot):
        e0 = ebase + t * CHUNK
        pltpu.async_copy(src_hbm.at[pl.ds(e0, CHUNK)], sbufs[slot],
                         isems[slot])
        pltpu.async_copy(dst_hbm.at[pl.ds(e0, CHUNK)], dbufs[slot],
                         isems[slot])

    def wait_idx(t, slot):
        e0 = ebase + t * CHUNK
        pltpu.make_async_copy(src_hbm.at[pl.ds(e0, CHUNK)], sbufs[slot],
                              isems[slot]).wait()
        pltpu.make_async_copy(dst_hbm.at[pl.ds(e0, CHUNK)], dbufs[slot],
                              isems[slot]).wait()

    def issue_gather(p, slot):
        pltpu.async_copy(x_src_hbm.at[sbufs[slot]], rows[p], gsems[p])

    def wait_gather(p, slot):
        pltpu.make_async_copy(x_src_hbm.at[sbufs[slot]], rows[p],
                              gsems[p]).wait()

    def issue_scatter(p, slot):
        pltpu.async_copy(rows[p], agg_sh.at[dbufs[slot]], ssems[p],
                         add=True)

    def wait_scatter(p, slot):
        pltpu.make_async_copy(rows[p], agg_sh.at[dbufs[slot]],
                              ssems[p]).wait()

    def deg_update(di):
        plsc.addupdate_scatter(
            deg,
            [lax.shift_right_logical(di, 7),
             lax.bitwise_and(di, jnp.int32(127))],
            ones16)

    issue_idx(0, 0)
    issue_idx(1, 1)

    def zrow(r, carry):
        for g in range(D // 16):
            rows0[r, pl.ds(g * 16, 16)] = zeros16
        return carry
    lax.fori_loop(0, CHUNK, zrow, 0)

    base = s_id * ROWS_PER_TILE
    for k in range(4):
        pltpu.sync_copy(rows0, agg_sh.at[pl.ds(base + k * CHUNK, CHUNK)])
    pltpu.sync_copy(rows0.at[pl.ds(0, ROWS_PER_TILE - 4 * CHUNK)],
                    agg_sh.at[pl.ds(base + 4 * CHUNK,
                                    ROWS_PER_TILE - 4 * CHUNK)])

    @pl.when(s_id == 0)
    def _():
        pltpu.sync_copy(rows0.at[pl.ds(0, DEG_R)], deg_sh)

    wait_idx(0, 0)
    issue_gather(0, 0)

    iota16 = lax.iota(jnp.int32, 16)

    def zdeg(r, carry):
        for g in range(D // 16):
            deg[r, pl.ds(g * 16, 16)] = zeros16
        return carry
    lax.fori_loop(0, DEG_R, zdeg, 0)

    for k in range(DEG_R // 16):
        degidx[pl.ds(k * 16, 16)] = iota16 + jnp.int32(k * 16)

    plsc.subcore_barrier()

    def body(t, p, slot, first=False, last=False):
        q = 1 - p
        wait_gather(p, slot)
        issue_scatter(p, slot)
        if not first:
            wait_scatter(q, (slot - 1) % 4)
        if not last:
            wait_idx(t + 1, (slot + 1) % 4)
            issue_gather(q, (slot + 1) % 4)

            @pl.when(t + 2 < CPT)
            def _():
                issue_idx(t + 2, (slot + 2) % 4)
        for g in range(CHUNK // 16):
            deg_update(dbufs[slot][pl.ds(g * 16, 16)])

    body(0, 0, 0, first=True)
    body(1, 1, 1)

    def quad(j, carry):
        t = 2 + 4 * j
        for k in range(4):
            body(t + k, k % 2, (2 + k) % 4)
        return carry
    lax.fori_loop(0, (CPT - 6) // 4, quad, 0)

    body(CPT - 4, 0, 2)
    body(CPT - 3, 1, 3)
    body(CPT - 2, 0, 0)
    body(CPT - 1, 1, 1, last=True)

    e0 = ebase + CPT * CHUNK
    pltpu.sync_copy(src_hbm.at[pl.ds(e0, TAIL)], st)
    pltpu.sync_copy(dst_hbm.at[pl.ds(e0, TAIL)], dt)
    pltpu.async_copy(x_src_hbm.at[st], rows0.at[pl.ds(0, TAIL)],
                     gs0).wait()
    pltpu.async_copy(rows0.at[pl.ds(0, TAIL)], agg_sh.at[dt], ss0,
                     add=True)
    deg_update(dt[...])
    wait_scatter(1, 1)
    pltpu.make_async_copy(rows0.at[pl.ds(0, TAIL)], agg_sh.at[dt],
                          ss0).wait()

    pltpu.sync_copy(deg, deg_sh.at[degidx], add=True)

    plsc.subcore_barrier()

    pltpu.sync_copy(agg_sh.at[pl.ds(base, ROWS_PER_TILE)],
                    agg_out.at[c_id, pl.ds(base, ROWS_PER_TILE)])

    @pl.when(jnp.logical_and(s_id < 5, c_id == 0))
    def _():
        pltpu.sync_copy(deg_sh.at[pl.ds(s_id * 16, 16)],
                        deg_out0.at[pl.ds(s_id * 16, 16)])

    @pl.when(jnp.logical_and(s_id < 5, c_id == 1))
    def _():
        pltpu.sync_copy(deg_sh.at[pl.ds(s_id * 16, 16)],
                        deg_out1.at[pl.ds(s_id * 16, 16)])


@jax.jit
def _sc_agg(x_src, src, dst):
    mesh = plsc.VectorSubcoreMesh(core_axis_name="c", subcore_axis_name="s")
    return pl.kernel(
        _sc_body,
        out_type=(
            jax.ShapeDtypeStruct((NC, PAD_N, D), jnp.float32),
            jax.ShapeDtypeStruct((DEG_R, D), jnp.float32),
            jax.ShapeDtypeStruct((DEG_R, D), jnp.float32),
        ),
        mesh=mesh,
        compiler_params=pltpu.CompilerParams(needs_layout_passes=False),
        scratch_types=[
            pltpu.VMEM((CHUNK,), jnp.int32),
            pltpu.VMEM((CHUNK,), jnp.int32),
            pltpu.VMEM((CHUNK,), jnp.int32),
            pltpu.VMEM((CHUNK,), jnp.int32),
            pltpu.VMEM((CHUNK,), jnp.int32),
            pltpu.VMEM((CHUNK,), jnp.int32),
            pltpu.VMEM((CHUNK,), jnp.int32),
            pltpu.VMEM((CHUNK,), jnp.int32),
            pltpu.VMEM((TAIL,), jnp.int32),
            pltpu.VMEM((TAIL,), jnp.int32),
            pltpu.VMEM((DEG_R,), jnp.int32),
            pltpu.VMEM((CHUNK, D), jnp.float32),
            pltpu.VMEM((CHUNK, D), jnp.float32),
            pltpu.VMEM((DEG_R, D), jnp.float32),
            pltpu.VMEM_SHARED((PAD_N, D), jnp.float32),
            pltpu.VMEM_SHARED((DEG_R, D), jnp.float32),
            pltpu.SemaphoreType.DMA,
            pltpu.SemaphoreType.DMA,
            pltpu.SemaphoreType.DMA,
            pltpu.SemaphoreType.DMA,
            pltpu.SemaphoreType.DMA,
            pltpu.SemaphoreType.DMA,
            pltpu.SemaphoreType.DMA,
            pltpu.SemaphoreType.DMA,
        ],
    )(x_src, src, dst)


def _dst_body(xd_ref, wdst_ref, bdst_ref, o_ref):
    dn = (((1,), (1,)), ((), ()))
    o_ref[...] = lax.dot_general(xd_ref[...], wdst_ref[...], dn,
                                 preferred_element_type=jnp.float32)
    o_ref[...] += bdst_ref[...]


def _tc_body(pa_ref, d0_ref, d1_ref, dt_ref, wsrc_ref, bsrc_ref,
             wm_ref, bm_ref, o_ref):
    agg_raw = pa_ref[0] + pa_ref[1]
    deg_t = d0_ref[...] + d1_ref[...]
    deg_c = jnp.maximum(deg_t, 1.0)
    dn = (((1,), (1,)), ((), ()))
    lin = lax.dot_general(agg_raw, wsrc_ref[...], dn,
                          preferred_element_type=jnp.float32)
    lin = lin + deg_t[:, None] * bsrc_ref[...]
    agg = lin / deg_c[:, None]
    out = lax.dot_general(agg, wm_ref[...], dn,
                          preferred_element_type=jnp.float32) + bm_ref[...]
    out = out + dt_ref[...]
    o_ref[...] = jnp.maximum(out, 0.0)


B = 2048
_GRID = (-(-N_NODES // B),)
_full = lambda i: (0, 0)


@jax.jit
def _tc_dst(x_dst, W_dst, b_dst):
    return pl.pallas_call(
        _dst_body,
        grid=_GRID,
        in_specs=[
            pl.BlockSpec((B, D), lambda i: (i, 0)),
            pl.BlockSpec((D, D), _full),
            pl.BlockSpec((1, D), _full),
        ],
        out_specs=pl.BlockSpec((B, D), lambda i: (i, 0)),
        out_shape=jax.ShapeDtypeStruct((N_NODES, D), jnp.float32),
    )(x_dst, W_dst, b_dst)


@jax.jit
def _tc_dense(partials, deg_a, deg_b, dst_term, W_src, b_src, W_m, b_m):
    return pl.pallas_call(
        _tc_body,
        grid=_GRID,
        in_specs=[
            pl.BlockSpec((NC, B, D), lambda i: (0, i, 0)),
            pl.BlockSpec((B,), lambda i: (i,)),
            pl.BlockSpec((B,), lambda i: (i,)),
            pl.BlockSpec((B, D), lambda i: (i, 0)),
            pl.BlockSpec((D, D), _full),
            pl.BlockSpec((1, D), _full),
            pl.BlockSpec((D, D), _full),
            pl.BlockSpec((1, D), _full),
        ],
        out_specs=pl.BlockSpec((B, D), lambda i: (i, 0)),
        out_shape=jax.ShapeDtypeStruct((N_NODES, D), jnp.float32),
    )(partials, deg_a, deg_b, dst_term, W_src, b_src, W_m, b_m)


@jax.jit
def _run(x_src, x_dst, edge_index, W_src, b_src, W_dst, b_dst, W_m, b_m):
    src = edge_index[0]
    dst = edge_index[1]
    partials, dega, degb = _sc_agg(x_src, src, dst)
    dst_term = _tc_dst(x_dst, W_dst, b_dst.reshape(1, D))
    return _tc_dense(partials,
                     dega.reshape(-1), degb.reshape(-1),
                     dst_term,
                     W_src, b_src.reshape(1, D),
                     W_m, b_m.reshape(1, D))


def kernel(x_src, x_dst, edge_index, W_src, b_src, W_dst, b_dst, W_m, b_m):
    return _run(x_src, x_dst, edge_index, W_src, b_src, W_dst, b_dst,
                W_m, b_m)

# --- scband reference (transcript-rebuilt; emitter-appended) ---
"""Pipeline reference for scband-rel-sageconv-16423954940677 (READ-ONLY COPY).

The authoritative reference and input builder live on the scoring server;
editing this copy changes nothing except your own understanding.
"""

import jax, jax.numpy as jnp
import numpy as np

N_SRC = 10000
N_DST = 10000
E = 320000
D_IN = 128
D_OUT = 128


def setup_inputs(seed: int = 0) -> dict:
    key = jax.random.key(seed)
    ks = jax.random.split(key, 9)
    x_src = jax.random.normal(ks[0], (N_SRC, D_IN), dtype=jnp.float32)
    x_dst = jax.random.normal(ks[1], (N_DST, D_IN), dtype=jnp.float32)
    edge_index = jax.random.randint(ks[2], (2, E), 0, N_DST, dtype=jnp.int32)
    lim_src = 1.0 / np.sqrt(D_IN)
    lim_m = 1.0 / np.sqrt(D_OUT)
    W_src = jax.random.uniform(ks[3], (D_OUT, D_IN), dtype=jnp.float32, minval=-lim_src, maxval=lim_src)
    b_src = jax.random.uniform(ks[4], (D_OUT,), dtype=jnp.float32, minval=-lim_src, maxval=lim_src)
    W_dst = jax.random.uniform(ks[5], (D_OUT, D_IN), dtype=jnp.float32, minval=-lim_src, maxval=lim_src)
    b_dst = jax.random.uniform(ks[6], (D_OUT,), dtype=jnp.float32, minval=-lim_src, maxval=lim_src)
    W_m = jax.random.uniform(ks[7], (D_OUT, D_OUT), dtype=jnp.float32, minval=-lim_m, maxval=lim_m)
    b_m = jax.random.uniform(ks[8], (D_OUT,), dtype=jnp.float32, minval=-lim_m, maxval=lim_m)
    return {"x_src": x_src, "x_dst": x_dst, "edge_index": edge_index,
            "W_src": W_src, "b_src": b_src, "W_dst": W_dst, "b_dst": b_dst,
            "W_m": W_m, "b_m": b_m}


def reference(x_src, x_dst, edge_index, W_src, b_src, W_dst, b_dst, W_m, b_m):
    src = edge_index[0]
    dst = edge_index[1]
    # degree of each dst node, clamped to >= 1 (torch.bincount + clamp_min)
    deg = jnp.clip(jnp.bincount(dst, length=N_DST), 1).astype(x_dst.dtype)
    # message: lin_src applied to gathered source features (chunking in the
    # original is a memory optimization; math is identical done in one shot)
    m = x_src[src] @ W_src.T + b_src
    # scatter-add messages into destination buckets (index_add_)
    agg = jnp.zeros((N_DST, D_OUT), dtype=x_dst.dtype).at[dst].add(m)
    agg = agg / deg[:, None]
    out = agg @ W_m.T + b_m + (x_dst @ W_dst.T + b_dst)
    # dropout with p=0.0 (eval / identity)
    return jax.nn.relu(out)

if __name__ == "__main__":
    import jax
    _d = setup_inputs()
    print(jax.jit(kernel)(*tuple(_d.values())))

</pallas_src>

<mosaic_0001>
#map = affine_map<(d0, d1) -> (0, 0)>
#map1 = affine_map<(d0, d1) -> (0)>
#map2 = affine_map<(d0, d1) -> (0, 0, 0)>
module attributes {stable_mosaic.version = 14 : i64} {
  func.func @_sc_body(%arg0: i32, %arg1: i32, %arg2: memref<10000x128xf32, #tpu.memory_space<hbm>>, %arg3: memref<320000xi32, #tpu.memory_space<hbm>>, %arg4: memref<320000xi32, #tpu.memory_space<hbm>>, %arg5: memref<2x10112x128xf32, #tpu.memory_space<hbm>>, %arg6: memref<80x128xf32, #tpu.memory_space<hbm>>, %arg7: memref<80x128xf32, #tpu.memory_space<hbm>>, %arg8: memref<128xi32, #tpu.memory_space<vmem>>, %arg9: memref<128xi32, #tpu.memory_space<vmem>>, %arg10: memref<128xi32, #tpu.memory_space<vmem>>, %arg11: memref<128xi32, #tpu.memory_space<vmem>>, %arg12: memref<128xi32, #tpu.memory_space<vmem>>, %arg13: memref<128xi32, #tpu.memory_space<vmem>>, %arg14: memref<128xi32, #tpu.memory_space<vmem>>, %arg15: memref<128xi32, #tpu.memory_space<vmem>>, %arg16: memref<16xi32, #tpu.memory_space<vmem>>, %arg17: memref<16xi32, #tpu.memory_space<vmem>>, %arg18: memref<80xi32, #tpu.memory_space<vmem>>, %arg19: memref<128x128xf32, #tpu.memory_space<vmem>>, %arg20: memref<128x128xf32, #tpu.memory_space<vmem>>, %arg21: memref<80x128xf32, #tpu.memory_space<vmem>>, %arg22: memref<10112x128xf32, #tpu.memory_space<vmem_shared>>, %arg23: memref<80x128xf32, #tpu.memory_space<vmem_shared>>, %arg24: memref<!tpu.dma_semaphore, #tpu.memory_space<semaphore_mem>>, %arg25: memref<!tpu.dma_semaphore, #tpu.memory_space<semaphore_mem>>, %arg26: memref<!tpu.dma_semaphore, #tpu.memory_space<semaphore_mem>>, %arg27: memref<!tpu.dma_semaphore, #tpu.memory_space<semaphore_mem>>, %arg28: memref<!tpu.dma_semaphore, #tpu.memory_space<semaphore_mem>>, %arg29: memref<!tpu.dma_semaphore, #tpu.memory_space<semaphore_mem>>, %arg30: memref<!tpu.dma_semaphore, #tpu.memory_space<semaphore_mem>>, %arg31: memref<!tpu.dma_semaphore, #tpu.memory_space<semaphore_mem>>) attributes {dimension_semantics = [#tpu.dimension_semantics<core_parallel>, #tpu.dimension_semantics<subcore_parallel>], iteration_bounds = array<i64: 2, 16>, scalar_prefetch = 0 : i64, scratch_operands = 24 : i64, tpu.core_type = #tpu.core_type<sc_vector_subcore>, window_params = [{transform_indices = #map}, {transform_indices = #map1}, {transform_indices = #map1}, {transform_indices = #map2}, {transform_indices = #map}, {transform_indices = #map}]} {
    %mul3A = arith.constant 2 : i32
    %mul3A_0 = arith.muli %arg1, %mul3A : i32
    %add3A = arith.addi %mul3A_0, %arg0 : i32
    %mul3A_1 = arith.constant 10000 : i32
    %mul3A_2 = arith.muli %add3A, %mul3A_1 : i32
    %broadcast_in_dim3A = arith.constant 0.000000e+00 : f32
    %broadcast_in_dim3A_3 = vector.broadcast %broadcast_in_dim3A : f32 to vector<16xf32>
    %broadcast_in_dim3A_4 = arith.constant 1.000000e+00 : f32
    %broadcast_in_dim3A_5 = vector.broadcast %broadcast_in_dim3A_4 : f32 to vector<16xf32>
    %add3A_6 = arith.constant 0 : i32
    %add3A_7 = arith.addi %mul3A_2, %add3A_6 : i32
    %dma_start3A = tpu.memref_slice %arg3[%add3A_7] : memref<320000xi32, #tpu.memory_space<hbm>> -> memref<128xi32, #tpu.memory_space<hbm>>
    %dma_start3A_8 = tpu.memref_slice %arg3[%add3A_7] : memref<320000xi32, #tpu.memory_space<hbm>> -> memref<128xi32, #tpu.memory_space<hbm>>
    tpu.enqueue_dma source(%dma_start3A_8 : memref<128xi32, #tpu.memory_space<hbm>>) target(%arg8 : memref<128xi32, #tpu.memory_space<vmem>>) target_semaphore(%arg24 : memref<!tpu.dma_semaphore, #tpu.memory_space<semaphore_mem>>)
    %dma_start3A_9 = tpu.memref_slice %arg4[%add3A_7] : memref<320000xi32, #tpu.memory_space<hbm>> -> memref<128xi32, #tpu.memory_space<hbm>>
    %dma_start3A_10 = tpu.memref_slice %arg4[%add3A_7] : memref<320000xi32, #tpu.memory_space<hbm>> -> memref<128xi32, #tpu.memory_space<hbm>>
    tpu.enqueue_dma source(%dma_start3A_10 : memref<128xi32, #tpu.memory_space<hbm>>) target(%arg12 : memref<128xi32, #tpu.memory_space<vmem>>) target_semaphore(%arg24 : memref<!tpu.dma_semaphore, #tpu.memory_space<semaphore_mem>>)
    %add3A_11 = arith.constant 128 : i32
    %add3A_12 = arith.addi %mul3A_2, %add3A_11 : i32
    %dma_start3A_13 = tpu.memref_slice %arg3[%add3A_12] : memref<320000xi32, #tpu.memory_space<hbm>> -> memref<128xi32, #tpu.memory_space<hbm>>
    %dma_start3A_14 = tpu.memref_slice %arg3[%add3A_12] : memref<320000xi32, #tpu.memory_space<hbm>> -> memref<128xi32, #tpu.memory_space<hbm>>
    tpu.enqueue_dma source(%dma_start3A_14 : memref<128xi32, #tpu.memory_space<hbm>>) target(%arg9 : memref<128xi32, #tpu.memory_space<vmem>>) target_semaphore(%arg25 : memref<!tpu.dma_semaphore, #tpu.memory_space<semaphore_mem>>)
    %dma_start3A_15 = tpu.memref_slice %arg4[%add3A_12] : memref<320000xi32, #tpu.memory_space<hbm>> -> memref<128xi32, #tpu.memory_space<hbm>>
    %dma_start3A_16 = tpu.memref_slice %arg4[%add3A_12] : memref<320000xi32, #tpu.memory_space<hbm>> -> memref<128xi32, #tpu.memory_space<hbm>>
    tpu.enqueue_dma source(%dma_start3A_16 : memref<128xi32, #tpu.memory_space<hbm>>) target(%arg13 : memref<128xi32, #tpu.memory_space<vmem>>) target_semaphore(%arg25 : memref<!tpu.dma_semaphore, #tpu.memory_space<semaphore_mem>>)
    %scan3A = arith.constant 0 : i32
    %scan3A_17 = arith.constant 0 : i32
    %scan3A_18 = arith.constant 128 : i32
    %scan3A_19 = arith.addi %scan3A_17, %scan3A_18 : i32
    %scan3A_20 = arith.constant 1 : i32
    scf.for %scan3A_634 = %scan3A_17 to %scan3A_19 step %scan3A_20  : i32 {
      %swap3A_635 = arith.index_cast %scan3A_634 : i32 to index
      %swap3A_636 = arith.constant 0 : index
      %swap3A_637 = tpu.vector_load %arg19[%swap3A_635, %swap3A_636] {strides = array<i32>} : memref<128x128xf32, #tpu.memory_space<vmem>>, vector<16xf32>,
      tpu.vector_store %arg19[%swap3A_635, %swap3A_636], %broadcast_in_dim3A_3 {strides = array<i32>} : memref<128x128xf32, #tpu.memory_space<vmem>>, vector<16xf32>,
      %swap3A_638 = arith.index_cast %scan3A_634 : i32 to index
      %swap3A_639 = arith.constant 16 : index
      %swap3A_640 = tpu.vector_load %arg19[%swap3A_638, %swap3A_639] {strides = array<i32>} : memref<128x128xf32, #tpu.memory_space<vmem>>, vector<16xf32>,
      tpu.vector_store %arg19[%swap3A_638, %swap3A_639], %broadcast_in_dim3A_3 {strides = array<i32>} : memref<128x128xf32, #tpu.memory_space<vmem>>, vector<16xf32>,
      %swap3A_641 = arith.index_cast %scan3A_634 : i32 to index
      %swap3A_642 = arith.constant 32 : index
      %swap3A_643 = tpu.vector_load %arg19[%swap3A_641, %swap3A_642] {strides = array<i32>} : memref<128x128xf32, #tpu.memory_space<vmem>>, vector<16xf32>,
      tpu.vector_store %arg19[%swap3A_641, %swap3A_642], %broadcast_in_dim3A_3 {strides = array<i32>} : memref<128x128xf32, #tpu.memory_space<vmem>>, vector<16xf32>,
      %swap3A_644 = arith.index_cast %scan3A_634 : i32 to index
      %swap3A_645 = arith.constant 48 : index
      %swap3A_646 = tpu.vector_load %arg19[%swap3A_644, %swap3A_645] {strides = array<i32>} : memref<128x128xf32, #tpu.memory_space<vmem>>, vector<16xf32>,
      tpu.vector_store %arg19[%swap3A_644, %swap3A_645], %broadcast_in_dim3A_3 {strides = array<i32>} : memref<128x128xf32, #tpu.memory_space<vmem>>, vector<16xf32>,
      %swap3A_647 = arith.index_cast %scan3A_634 : i32 to index
      %swap3A_648 = arith.constant 64 : index
      %swap3A_649 = tpu.vector_load %arg19[%swap3A_647, %swap3A_648] {strides = array<i32>} : memref<128x128xf32, #tpu.memory_space<vmem>>, vector<16xf32>,
      tpu.vector_store %arg19[%swap3A_647, %swap3A_648], %broadcast_in_dim3A_3 {strides = array<i32>} : memref<128x128xf32, #tpu.memory_space<vmem>>, vector<16xf32>,
      %swap3A_650 = arith.index_cast %scan3A_634 : i32 to index
      %swap3A_651 = arith.constant 80 : index
      %swap3A_652 = tpu.vector_load %arg19[%swap3A_650, %swap3A_651] {strides = array<i32>} : memref<128x128xf32, #tpu.memory_space<vmem>>, vector<16xf32>,
      tpu.vector_store %arg19[%swap3A_650, %swap3A_651], %broadcast_in_dim3A_3 {strides = array<i32>} : memref<128x128xf32, #tpu.memory_space<vmem>>, vector<16xf32>,
      %swap3A_653 = arith.index_cast %scan3A_634 : i32 to index
      %swap3A_654 = arith.constant 96 : index
      %swap3A_655 = tpu.vector_load %arg19[%swap3A_653, %swap3A_654] {strides = array<i32>} : memref<128x128xf32, #tpu.memory_space<vmem>>, vector<16xf32>,
      tpu.vector_store %arg19[%swap3A_653, %swap3A_654], %broadcast_in_dim3A_3 {strides = array<i32>} : memref<128x128xf32, #tpu.memory_space<vmem>>, vector<16xf32>,
      %swap3A_656 = arith.index_cast %scan3A_634 : i32 to index
      %swap3A_657 = arith.constant 112 : index
      %swap3A_658 = tpu.vector_load %arg19[%swap3A_656, %swap3A_657] {strides = array<i32>} : memref<128x128xf32, #tpu.memory_space<vmem>>, vector<16xf32>,
      tpu.vector_store %arg19[%swap3A_656, %swap3A_657], %broadcast_in_dim3A_3 {strides = array<i32>} : memref<128x128xf32, #tpu.memory_space<vmem>>, vector<16xf32>,
    }
    %scan3A_21 = arith.constant 128 : i32
    %mul3A_22 = arith.constant 632 : i32
    %mul3A_23 = arith.muli %arg1, %mul3A_22 : i32
    %add3A_24 = arith.constant 0 : i32
    %add3A_25 = arith.addi %mul3A_23, %add3A_24 : i32
    "tpu.region"() ({
      %run_scoped3A = tpu.sem_alloc : memref<!tpu.dma_semaphore, #tpu.memory_space<semaphore_mem>>
      %dma_start3A_634 = arith.constant 0 : i32
      %dma_start3A_635 = tpu.memref_slice %arg22[%add3A_25, %dma_start3A_634] : memref<10112x128xf32, #tpu.memory_space<vmem_shared>> -> memref<128x128xf32, #tpu.memory_space<vmem_shared>>
      %dma_start3A_636 = arith.constant 0 : i32
      %dma_start3A_637 = tpu.memref_slice %arg22[%add3A_25, %dma_start3A_636] : memref<10112x128xf32, #tpu.memory_space<vmem_shared>> -> memref<128x128xf32, #tpu.memory_space<vmem_shared>>
      tpu.enqueue_dma source(%arg19 : memref<128x128xf32, #tpu.memory_space<vmem>>) target(%dma_start3A_637 : memref<128x128xf32, #tpu.memory_space<vmem_shared>>) target_semaphore(%run_scoped3A : memref<!tpu.dma_semaphore, #tpu.memory_space<semaphore_mem>>)
      %dma_wait3A_638 = arith.constant 0 : i32
      %dma_wait3A_639 = tpu.memref_slice %arg22[%add3A_25, %dma_wait3A_638] : memref<10112x128xf32, #tpu.memory_space<vmem_shared>> -> memref<128x128xf32, #tpu.memory_space<vmem_shared>>
      %dma_wait3A_640 = arith.constant 0 : i32
      %dma_wait3A_641 = tpu.memref_slice %arg22[%add3A_25, %dma_wait3A_640] : memref<10112x128xf32, #tpu.memory_space<vmem_shared>> -> memref<128x128xf32, #tpu.memory_space<vmem_shared>>
      tpu.wait_dma2 semaphore(%run_scoped3A : memref<!tpu.dma_semaphore, #tpu.memory_space<semaphore_mem>>) src(%arg19 : memref<128x128xf32, #tpu.memory_space<vmem>>) dst(%dma_wait3A_641 : memref<128x128xf32, #tpu.memory_space<vmem_shared>>)
      tpu.yield
    }) : () -> ()
    %add3A_26 = arith.constant 128 : i32
    %add3A_27 = arith.addi %mul3A_23, %add3A_26 : i32
    "tpu.region"() ({
      %run_scoped3A = tpu.sem_alloc : memref<!tpu.dma_semaphore, #tpu.memory_space<semaphore_mem>>
      %dma_start3A_634 = arith.constant 0 : i32
      %dma_start3A_635 = tpu.memref_slice %arg22[%add3A_27, %dma_start3A_634] : memref<10112x128xf32, #tpu.memory_space<vmem_shared>> -> memref<128x128xf32, #tpu.memory_space<vmem_shared>>
      %dma_start3A_636 = arith.constant 0 : i32
      %dma_start3A_637 = tpu.memref_slice %arg22[%add3A_27, %dma_start3A_636] : memref<10112x128xf32, #tpu.memory_space<vmem_shared>> -> memref<128x128xf32, #tpu.memory_space<vmem_shared>>
      tpu.enqueue_dma source(%arg19 : memref<128x128xf32, #tpu.memory_space<vmem>>) target(%dma_start3A_637 : memref<128x128xf32, #tpu.memory_space<vmem_shared>>) target_semaphore(%run_scoped3A : memref<!tpu.dma_semaphore, #tpu.memory_space<semaphore_mem>>)
      %dma_wait3A_638 = arith.constant 0 : i32
      %dma_wait3A_639 = tpu.memref_slice %arg22[%add3A_27, %dma_wait3A_638] : memref<10112x128xf32, #tpu.memory_space<vmem_shared>> -> memref<128x128xf32, #tpu.memory_space<vmem_shared>>
      %dma_wait3A_640 = arith.constant 0 : i32
      %dma_wait3A_641 = tpu.memref_slice %arg22[%add3A_27, %dma_wait3A_640] : memref<10112x128xf32, #tpu.memory_space<vmem_shared>> -> memref<128x128xf32, #tpu.memory_space<vmem_shared>>
      tpu.wait_dma2 semaphore(%run_scoped3A : memref<!tpu.dma_semaphore, #tpu.memory_space<semaphore_mem>>) src(%arg19 : memref<128x128xf32, #tpu.memory_space<vmem>>) dst(%dma_wait3A_641 : memref<128x128xf32, #tpu.memory_space<vmem_shared>>)
      tpu.yield
    }) : () -> ()
    %add3A_28 = arith.constant 256 : i32
    %add3A_29 = arith.addi %mul3A_23, %add3A_28 : i32
    "tpu.region"() ({
      %run_scoped3A = tpu.sem_alloc : memref<!tpu.dma_semaphore, #tpu.memory_space<semaphore_mem>>
      %dma_start3A_634 = arith.constant 0 : i32
      %dma_start3A_635 = tpu.memref_slice %arg22[%add3A_29, %dma_start3A_634] : memref<10112x128xf32, #tpu.memory_space<vmem_shared>> -> memref<128x128xf32, #tpu.memory_space<vmem_shared>>
      %dma_start3A_636 = arith.constant 0 : i32
      %dma_start3A_637 = tpu.memref_slice %arg22[%add3A_29, %dma_start3A_636] : memref<10112x128xf32, #tpu.memory_space<vmem_shared>> -> memref<128x128xf32, #tpu.memory_space<vmem_shared>>
      tpu.enqueue_dma source(%arg19 : memref<128x128xf32, #tpu.memory_space<vmem>>) target(%dma_start3A_637 : memref<128x128xf32, #tpu.memory_space<vmem_shared>>) target_semaphore(%run_scoped3A : memref<!tpu.dma_semaphore, #tpu.memory_space<semaphore_mem>>)
      %dma_wait3A_638 = arith.constant 0 : i32
      %dma_wait3A_639 = tpu.memref_slice %arg22[%add3A_29, %dma_wait3A_638] : memref<10112x128xf32, #tpu.memory_space<vmem_shared>> -> memref<128x128xf32, #tpu.memory_space<vmem_shared>>
      %dma_wait3A_640 = arith.constant 0 : i32
      %dma_wait3A_641 = tpu.memref_slice %arg22[%add3A_29, %dma_wait3A_640] : memref<10112x128xf32, #tpu.memory_space<vmem_shared>> -> memref<128x128xf32, #tpu.memory_space<vmem_shared>>
      tpu.wait_dma2 semaphore(%run_scoped3A : memref<!tpu.dma_semaphore, #tpu.memory_space<semaphore_mem>>) src(%arg19 : memref<128x128xf32, #tpu.memory_space<vmem>>) dst(%dma_wait3A_641 : memref<128x128xf32, #tpu.memory_space<vmem_shared>>)
      tpu.yield
    }) : () -> ()
    %add3A_30 = arith.constant 384 : i32
    %add3A_31 = arith.addi %mul3A_23, %add3A_30 : i32
    "tpu.region"() ({
      %run_scoped3A = tpu.sem_alloc : memref<!tpu.dma_semaphore, #tpu.memory_space<semaphore_mem>>
      %dma_start3A_634 = arith.constant 0 : i32
      %dma_start3A_635 = tpu.memref_slice %arg22[%add3A_31, %dma_start3A_634] : memref<10112x128xf32, #tpu.memory_space<vmem_shared>> -> memref<128x128xf32, #tpu.memory_space<vmem_shared>>
      %dma_start3A_636 = arith.constant 0 : i32
      %dma_start3A_637 = tpu.memref_slice %arg22[%add3A_31, %dma_start3A_636] : memref<10112x128xf32, #tpu.memory_space<vmem_shared>> -> memref<128x128xf32, #tpu.memory_space<vmem_shared>>
      tpu.enqueue_dma source(%arg19 : memref<128x128xf32, #tpu.memory_space<vmem>>) target(%dma_start3A_637 : memref<128x128xf32, #tpu.memory_space<vmem_shared>>) target_semaphore(%run_scoped3A : memref<!tpu.dma_semaphore, #tpu.memory_space<semaphore_mem>>)
      %dma_wait3A_638 = arith.constant 0 : i32
      %dma_wait3A_639 = tpu.memref_slice %arg22[%add3A_31, %dma_wait3A_638] : memref<10112x128xf32, #tpu.memory_space<vmem_shared>> -> memref<128x128xf32, #tpu.memory_space<vmem_shared>>
      %dma_wait3A_640 = arith.constant 0 : i32
      %dma_wait3A_641 = tpu.memref_slice %arg22[%add3A_31, %dma_wait3A_640] : memref<10112x128xf32, #tpu.memory_space<vmem_shared>> -> memref<128x128xf32, #tpu.memory_space<vmem_shared>>
      tpu.wait_dma2 semaphore(%run_scoped3A : memref<!tpu.dma_semaphore, #tpu.memory_space<semaphore_mem>>) src(%arg19 : memref<128x128xf32, #tpu.memory_space<vmem>>) dst(%dma_wait3A_641 : memref<128x128xf32, #tpu.memory_space<vmem_shared>>)
      tpu.yield
    }) : () -> ()
    %add3A_32 = arith.constant 512 : i32
    %add3A_33 = arith.addi %mul3A_23, %add3A_32 : i32
    "tpu.region"() ({
      %run_scoped3A = tpu.sem_alloc : memref<!tpu.dma_semaphore, #tpu.memory_space<semaphore_mem>>
      %dma_start3A_634 = arith.constant 0 : i32
      %dma_start3A_635 = arith.constant 0 : i32
      %dma_start3A_636 = tpu.memref_slice %arg19[%dma_start3A_634, %dma_start3A_635] : memref<128x128xf32, #tpu.memory_space<vmem>> -> memref<120x128xf32, #tpu.memory_space<vmem>>
      %dma_start3A_637 = arith.constant 0 : i32
      %dma_start3A_638 = tpu.memref_slice %arg22[%add3A_33, %dma_start3A_637] : memref<10112x128xf32, #tpu.memory_space<vmem_shared>> -> memref<120x128xf32, #tpu.memory_space<vmem_shared>>
      %dma_start3A_639 = arith.constant 0 : i32
      %dma_start3A_640 = tpu.memref_slice %arg22[%add3A_33, %dma_start3A_639] : memref<10112x128xf32, #tpu.memory_space<vmem_shared>> -> memref<120x128xf32, #tpu.memory_space<vmem_shared>>
      %dma_start3A_641 = arith.constant 0 : i32
      %dma_start3A_642 = arith.constant 0 : i32
      %dma_start3A_643 = tpu.memref_slice %arg19[%dma_start3A_641, %dma_start3A_642] : memref<128x128xf32, #tpu.memory_space<vmem>> -> memref<120x128xf32, #tpu.memory_space<vmem>>
      tpu.enqueue_dma source(%dma_start3A_643 : memref<120x128xf32, #tpu.memory_space<vmem>>) target(%dma_start3A_640 : memref<120x128xf32, #tpu.memory_space<vmem_shared>>) target_semaphore(%run_scoped3A : memref<!tpu.dma_semaphore, #tpu.memory_space<semaphore_mem>>)
      %dma_wait3A_644 = arith.constant 0 : i32
      %dma_wait3A_645 = arith.constant 0 : i32
      %dma_wait3A_646 = tpu.memref_slice %arg19[%dma_wait3A_644, %dma_wait3A_645] : memref<128x128xf32, #tpu.memory_space<vmem>> -> memref<120x128xf32, #tpu.memory_space<vmem>>
      %dma_wait3A_647 = arith.constant 0 : i32
      %dma_wait3A_648 = tpu.memref_slice %arg22[%add3A_33, %dma_wait3A_647] : memref<10112x128xf32, #tpu.memory_space<vmem_shared>> -> memref<120x128xf32, #tpu.memory_space<vmem_shared>>
      %dma_wait3A_649 = arith.constant 0 : i32
      %dma_wait3A_650 = tpu.memref_slice %arg22[%add3A_33, %dma_wait3A_649] : memref<10112x128xf32, #tpu.memory_space<vmem_shared>> -> memref<120x128xf32, #tpu.memory_space<vmem_shared>>
      %dma_wait3A_651 = arith.constant 0 : i32
      %dma_wait3A_652 = arith.constant 0 : i32
      %dma_wait3A_653 = tpu.memref_slice %arg19[%dma_wait3A_651, %dma_wait3A_652] : memref<128x128xf32, #tpu.memory_space<vmem>> -> memref<120x128xf32, #tpu.memory_space<vmem>>
      tpu.wait_dma2 semaphore(%run_scoped3A : memref<!tpu.dma_semaphore, #tpu.memory_space<semaphore_mem>>) src(%dma_wait3A_653 : memref<120x128xf32, #tpu.memory_space<vmem>>) dst(%dma_wait3A_650 : memref<120x128xf32, #tpu.memory_space<vmem_shared>>)
      tpu.yield
    }) : () -> ()
    %eq3A = arith.constant 0 : i32
    %eq3A_34 = arith.cmpi eq, %arg1, %eq3A : i32
    %convert_element_type3A = arith.extui %eq3A_34 : i1 to i32
    %cond3A = arith.constant 0 : i32
    %cond3A_35 = arith.cmpi ne, %convert_element_type3A, %cond3A : i32
    scf.if %cond3A_35 {
      "tpu.region"() ({
        %run_scoped3A = tpu.sem_alloc : memref<!tpu.dma_semaphore, #tpu.memory_space<semaphore_mem>>
        %dma_start3A_634 = arith.constant 0 : i32
        %dma_start3A_635 = arith.constant 0 : i32
        %dma_start3A_636 = tpu.memref_slice %arg19[%dma_start3A_634, %dma_start3A_635] : memref<128x128xf32, #tpu.memory_space<vmem>> -> memref<80x128xf32, #tpu.memory_space<vmem>>
        %dma_start3A_637 = arith.constant 0 : i32
        %dma_start3A_638 = arith.constant 0 : i32
        %dma_start3A_639 = tpu.memref_slice %arg19[%dma_start3A_637, %dma_start3A_638] : memref<128x128xf32, #tpu.memory_space<vmem>> -> memref<80x128xf32, #tpu.memory_space<vmem>>
        tpu.enqueue_dma source(%dma_start3A_639 : memref<80x128xf32, #tpu.memory_space<vmem>>) target(%arg23 : memref<80x128xf32, #tpu.memory_space<vmem_shared>>) target_semaphore(%run_scoped3A : memref<!tpu.dma_semaphore, #tpu.memory_space<semaphore_mem>>)
        %dma_wait3A_640 = arith.constant 0 : i32
        %dma_wait3A_641 = arith.constant 0 : i32
        %dma_wait3A_642 = tpu.memref_slice %arg19[%dma_wait3A_640, %dma_wait3A_641] : memref<128x128xf32, #tpu.memory_space<vmem>> -> memref<80x128xf32, #tpu.memory_space<vmem>>
        %dma_wait3A_643 = arith.constant 0 : i32
        %dma_wait3A_644 = arith.constant 0 : i32
        %dma_wait3A_645 = tpu.memref_slice %arg19[%dma_wait3A_643, %dma_wait3A_644] : memref<128x128xf32, #tpu.memory_space<vmem>> -> memref<80x128xf32, #tpu.memory_space<vmem>>
        tpu.wait_dma2 semaphore(%run_scoped3A : memref<!tpu.dma_semaphore, #tpu.memory_space<semaphore_mem>>) src(%dma_wait3A_645 : memref<80x128xf32, #tpu.memory_space<vmem>>) dst(%arg23 : memref<80x128xf32, #tpu.memory_space<vmem_shared>>)
        tpu.yield
      }) : () -> ()
    } else {
    }
    %add3A_36 = arith.constant 0 : i32
    %add3A_37 = arith.addi %mul3A_2, %add3A_36 : i32
    %dma_wait3A = tpu.memref_slice %arg3[%add3A_37] : memref<320000xi32, #tpu.memory_space<hbm>> -> memref<128xi32, #tpu.memory_space<hbm>>
    %dma_wait3A_38 = tpu.memref_slice %arg3[%add3A_37] : memref<320000xi32, #tpu.memory_space<hbm>> -> memref<128xi32, #tpu.memory_space<hbm>>
    tpu.wait_dma2 semaphore(%arg24 : memref<!tpu.dma_semaphore, #tpu.memory_space<semaphore_mem>>) src(%dma_wait3A_38 : memref<128xi32, #tpu.memory_space<hbm>>) dst(%arg8 : memref<128xi32, #tpu.memory_space<vmem>>)
    %dma_wait3A_39 = tpu.memref_slice %arg4[%add3A_37] : memref<320000xi32, #tpu.memory_space<hbm>> -> memref<128xi32, #tpu.memory_space<hbm>>
    %dma_wait3A_40 = tpu.memref_slice %arg4[%add3A_37] : memref<320000xi32, #tpu.memory_space<hbm>> -> memref<128xi32, #tpu.memory_space<hbm>>
    tpu.wait_dma2 semaphore(%arg24 : memref<!tpu.dma_semaphore, #tpu.memory_space<semaphore_mem>>) src(%dma_wait3A_40 : memref<128xi32, #tpu.memory_space<hbm>>) dst(%arg12 : memref<128xi32, #tpu.memory_space<vmem>>)
    %dma_start3A_41 = arith.constant 0 : i32
    %dma_start3A_42 = arith.constant 0 : i32
    %dma_start3A_43 = tpu.memref_slice %arg2[%dma_start3A_41, %dma_start3A_42] : memref<10000x128xf32, #tpu.memory_space<hbm>> -> memref<10000x128xf32, #tpu.memory_space<hbm>>
    tpu.enqueue_indirect_dma source(%dma_start3A_43 : memref<10000x128xf32, #tpu.memory_space<hbm>>) target(%arg19 : memref<128x128xf32, #tpu.memory_space<vmem>>) offsets(%arg8 : memref<128xi32, #tpu.memory_space<vmem>>) semaphore(%arg28 : memref<!tpu.dma_semaphore, #tpu.memory_space<semaphore_mem>>)
    %iota3A = tpu.iota {dimensions = array<i32: 0>} : vector<16xi32>
    %scan3A_44 = arith.constant 0 : i32
    %scan3A_45 = arith.constant 0 : i32
    %scan3A_46 = arith.constant 80 : i32
    %scan3A_47 = arith.addi %scan3A_45, %scan3A_46 : i32
    %scan3A_48 = arith.constant 1 : i32
    scf.for %scan3A_634 = %scan3A_45 to %scan3A_47 step %scan3A_48  : i32 {
      %swap3A_635 = arith.index_cast %scan3A_634 : i32 to index
      %swap3A_636 = arith.constant 0 : index
      %swap3A_637 = tpu.vector_load %arg21[%swap3A_635, %swap3A_636] {strides = array<i32>} : memref<80x128xf32, #tpu.memory_space<vmem>>, vector<16xf32>,
      tpu.vector_store %arg21[%swap3A_635, %swap3A_636], %broadcast_in_dim3A_3 {strides = array<i32>} : memref<80x128xf32, #tpu.memory_space<vmem>>, vector<16xf32>,
      %swap3A_638 = arith.index_cast %scan3A_634 : i32 to index
      %swap3A_639 = arith.constant 16 : index
      %swap3A_640 = tpu.vector_load %arg21[%swap3A_638, %swap3A_639] {strides = array<i32>} : memref<80x128xf32, #tpu.memory_space<vmem>>, vector<16xf32>,
      tpu.vector_store %arg21[%swap3A_638, %swap3A_639], %broadcast_in_dim3A_3 {strides = array<i32>} : memref<80x128xf32, #tpu.memory_space<vmem>>, vector<16xf32>,
      %swap3A_641 = arith.index_cast %scan3A_634 : i32 to index
      %swap3A_642 = arith.constant 32 : index
      %swap3A_643 = tpu.vector_load %arg21[%swap3A_641, %swap3A_642] {strides = array<i32>} : memref<80x128xf32, #tpu.memory_space<vmem>>, vector<16xf32>,
      tpu.vector_store %arg21[%swap3A_641, %swap3A_642], %broadcast_in_dim3A_3 {strides = array<i32>} : memref<80x128xf32, #tpu.memory_space<vmem>>, vector<16xf32>,
      %swap3A_644 = arith.index_cast %scan3A_634 : i32 to index
      %swap3A_645 = arith.constant 48 : index
      %swap3A_646 = tpu.vector_load %arg21[%swap3A_644, %swap3A_645] {strides = array<i32>} : memref<80x128xf32, #tpu.memory_space<vmem>>, vector<16xf32>,
      tpu.vector_store %arg21[%swap3A_644, %swap3A_645], %broadcast_in_dim3A_3 {strides = array<i32>} : memref<80x128xf32, #tpu.memory_space<vmem>>, vector<16xf32>,
      %swap3A_647 = arith.index_cast %scan3A_634 : i32 to index
      %swap3A_648 = arith.constant 64 : index
      %swap3A_649 = tpu.vector_load %arg21[%swap3A_647, %swap3A_648] {strides = array<i32>} : memref<80x128xf32, #tpu.memory_space<vmem>>, vector<16xf32>,
      tpu.vector_store %arg21[%swap3A_647, %swap3A_648], %broadcast_in_dim3A_3 {strides = array<i32>} : memref<80x128xf32, #tpu.memory_space<vmem>>, vector<16xf32>,
      %swap3A_650 = arith.index_cast %scan3A_634 : i32 to index
      %swap3A_651 = arith.constant 80 : index
      %swap3A_652 = tpu.vector_load %arg21[%swap3A_650, %swap3A_651] {strides = array<i32>} : memref<80x128xf32, #tpu.memory_space<vmem>>, vector<16xf32>,
      tpu.vector_store %arg21[%swap3A_650, %swap3A_651], %broadcast_in_dim3A_3 {strides = array<i32>} : memref<80x128xf32, #tpu.memory_space<vmem>>, vector<16xf32>,
      %swap3A_653 = arith.index_cast %scan3A_634 : i32 to index
      %swap3A_654 = arith.constant 96 : index
      %swap3A_655 = tpu.vector_load %arg21[%swap3A_653, %swap3A_654] {strides = array<i32>} : memref<80x128xf32, #tpu.memory_space<vmem>>, vector<16xf32>,
      tpu.vector_store %arg21[%swap3A_653, %swap3A_654], %broadcast_in_dim3A_3 {strides = array<i32>} : memref<80x128xf32, #tpu.memory_space<vmem>>, vector<16xf32>,
      %swap3A_656 = arith.index_cast %scan3A_634 : i32 to index
      %swap3A_657 = arith.constant 112 : index
      %swap3A_658 = tpu.vector_load %arg21[%swap3A_656, %swap3A_657] {strides = array<i32>} : memref<80x128xf32, #tpu.memory_space<vmem>>, vector<16xf32>,
      tpu.vector_store %arg21[%swap3A_656, %swap3A_657], %broadcast_in_dim3A_3 {strides = array<i32>} : memref<80x128xf32, #tpu.memory_space<vmem>>, vector<16xf32>,
    }
    %scan3A_49 = arith.constant 80 : i32
    %add3A_50 = arith.constant 0 : i32
    %add3A_51 = vector.broadcast %add3A_50 : i32 to vector<16xi32>
    %add3A_52 = arith.addi %iota3A, %add3A_51 : vector<16xi32>
    %swap3A = arith.constant 0 : index
    %swap3A_53 = tpu.vector_load %arg18[%swap3A] {strides = array<i32>} : memref<80xi32, #tpu.memory_space<vmem>>, vector<16xi32>,
    tpu.vector_store %arg18[%swap3A], %add3A_52 {strides = array<i32>} : memref<80xi32, #tpu.memory_space<vmem>>, vector<16xi32>,
    %add3A_54 = arith.constant 16 : i32
    %add3A_55 = vector.broadcast %add3A_54 : i32 to vector<16xi32>
    %add3A_56 = arith.addi %iota3A, %add3A_55 : vector<16xi32>
    %swap3A_57 = arith.constant 16 : index
    %swap3A_58 = tpu.vector_load %arg18[%swap3A_57] {strides = array<i32>} : memref<80xi32, #tpu.memory_space<vmem>>, vector<16xi32>,
    tpu.vector_store %arg18[%swap3A_57], %add3A_56 {strides = array<i32>} : memref<80xi32, #tpu.memory_space<vmem>>, vector<16xi32>,
    %add3A_59 = arith.constant 32 : i32
    %add3A_60 = vector.broadcast %add3A_59 : i32 to vector<16xi32>
    %add3A_61 = arith.addi %iota3A, %add3A_60 : vector<16xi32>
    %swap3A_62 = arith.constant 32 : index
    %swap3A_63 = tpu.vector_load %arg18[%swap3A_62] {strides = array<i32>} : memref<80xi32, #tpu.memory_space<vmem>>, vector<16xi32>,
    tpu.vector_store %arg18[%swap3A_62], %add3A_61 {strides = array<i32>} : memref<80xi32, #tpu.memory_space<vmem>>, vector<16xi32>,
    %add3A_64 = arith.constant 48 : i32
    %add3A_65 = vector.broadcast %add3A_64 : i32 to vector<16xi32>
    %add3A_66 = arith.addi %iota3A, %add3A_65 : vector<16xi32>
    %swap3A_67 = arith.constant 48 : index
    %swap3A_68 = tpu.vector_load %arg18[%swap3A_67] {strides = array<i32>} : memref<80xi32, #tpu.memory_space<vmem>>, vector<16xi32>,
    tpu.vector_store %arg18[%swap3A_67], %add3A_66 {strides = array<i32>} : memref<80xi32, #tpu.memory_space<vmem>>, vector<16xi32>,
    %add3A_69 = arith.constant 64 : i32
    %add3A_70 = vector.broadcast %add3A_69 : i32 to vector<16xi32>
    %add3A_71 = arith.addi %iota3A, %add3A_70 : vector<16xi32>
    %swap3A_72 = arith.constant 64 : index
    %swap3A_73 = tpu.vector_load %arg18[%swap3A_72] {strides = array<i32>} : memref<80xi32, #tpu.memory_space<vmem>>, vector<16xi32>,
    tpu.vector_store %arg18[%swap3A_72], %add3A_71 {strides = array<i32>} : memref<80xi32, #tpu.memory_space<vmem>>, vector<16xi32>,
    %barrier3A = arith.constant 0 : index
    tpu.barrier barrier_id(%barrier3A)
    %dma_wait3A_74 = arith.constant 0 : i32
    %dma_wait3A_75 = arith.constant 0 : i32
    %dma_wait3A_76 = tpu.memref_slice %arg2[%dma_wait3A_74, %dma_wait3A_75] : memref<10000x128xf32, #tpu.memory_space<hbm>> -> memref<10000x128xf32, #tpu.memory_space<hbm>>
    tpu.wait_indirect_dma semaphore(%arg28 : memref<!tpu.dma_semaphore, #tpu.memory_space<semaphore_mem>>) src(%dma_wait3A_76 : memref<10000x128xf32, #tpu.memory_space<hbm>>) dst(%arg19 : memref<128x128xf32, #tpu.memory_space<vmem>>)
    %dma_start3A_77 = arith.constant 0 : i32
    %dma_start3A_78 = arith.constant 0 : i32
    %dma_start3A_79 = tpu.memref_slice %arg22[%dma_start3A_77, %dma_start3A_78] : memref<10112x128xf32, #tpu.memory_space<vmem_shared>> -> memref<10112x128xf32, #tpu.memory_space<vmem_shared>>
    tpu.enqueue_indirect_dma source(%arg19 : memref<128x128xf32, #tpu.memory_space<vmem>>) target(%dma_start3A_79 : memref<10112x128xf32, #tpu.memory_space<vmem_shared>>) offsets(%arg12 : memref<128xi32, #tpu.memory_space<vmem>>) semaphore(%arg30 : memref<!tpu.dma_semaphore, #tpu.memory_space<semaphore_mem>>) {add = true}
    %add3A_80 = arith.constant 128 : i32
    %add3A_81 = arith.addi %mul3A_2, %add3A_80 : i32
    %dma_wait3A_82 = tpu.memref_slice %arg3[%add3A_81] : memref<320000xi32, #tpu.memory_space<hbm>> -> memref<128xi32, #tpu.memory_space<hbm>>
    %dma_wait3A_83 = tpu.memref_slice %arg3[%add3A_81] : memref<320000xi32, #tpu.memory_space<hbm>> -> memref<128xi32, #tpu.memory_space<hbm>>
    tpu.wait_dma2 semaphore(%arg25 : memref<!tpu.dma_semaphore, #tpu.memory_space<semaphore_mem>>) src(%dma_wait3A_83 : memref<128xi32, #tpu.memory_space<hbm>>) dst(%arg9 : memref<128xi32, #tpu.memory_space<vmem>>)
    %dma_wait3A_84 = tpu.memref_slice %arg4[%add3A_81] : memref<320000xi32, #tpu.memory_space<hbm>> -> memref<128xi32, #tpu.memory_space<hbm>>
    %dma_wait3A_85 = tpu.memref_slice %arg4[%add3A_81] : memref<320000xi32, #tpu.memory_space<hbm>> -> memref<128xi32, #tpu.memory_space<hbm>>
    tpu.wait_dma2 semaphore(%arg25 : memref<!tpu.dma_semaphore, #tpu.memory_space<semaphore_mem>>) src(%dma_wait3A_85 : memref<128xi32, #tpu.memory_space<hbm>>) dst(%arg13 : memref<128xi32, #tpu.memory_space<vmem>>)
    %dma_start3A_86 = arith.constant 0 : i32
    %dma_start3A_87 = arith.constant 0 : i32
    %dma_start3A_88 = tpu.memref_slice %arg2[%dma_start3A_86, %dma_start3A_87] : memref<10000x128xf32, #tpu.memory_space<hbm>> -> memref<10000x128xf32, #tpu.memory_space<hbm>>
    tpu.enqueue_indirect_dma source(%dma_start3A_88 : memref<10000x128xf32, #tpu.memory_space<hbm>>) target(%arg20 : memref<128x128xf32, #tpu.memory_space<vmem>>) offsets(%arg9 : memref<128xi32, #tpu.memory_space<vmem>>) semaphore(%arg29 : memref<!tpu.dma_semaphore, #tpu.memory_space<semaphore_mem>>)
    %add3A_89 = arith.constant 256 : i32
    %add3A_90 = arith.addi %mul3A_2, %add3A_89 : i32
    %dma_start3A_91 = tpu.memref_slice %arg3[%add3A_90] : memref<320000xi32, #tpu.memory_space<hbm>> -> memref<128xi32, #tpu.memory_space<hbm>>
    %dma_start3A_92 = tpu.memref_slice %arg3[%add3A_90] : memref<320000xi32, #tpu.memory_space<hbm>> -> memref<128xi32, #tpu.memory_space<hbm>>
    tpu.enqueue_dma source(%dma_start3A_92 : memref<128xi32, #tpu.memory_space<hbm>>) target(%arg10 : memref<128xi32, #tpu.memory_space<vmem>>) target_semaphore(%arg26 : memref<!tpu.dma_semaphore, #tpu.memory_space<semaphore_mem>>)
    %dma_start3A_93 = tpu.memref_slice %arg4[%add3A_90] : memref<320000xi32, #tpu.memory_space<hbm>> -> memref<128xi32, #tpu.memory_space<hbm>>
    %dma_start3A_94 = tpu.memref_slice %arg4[%add3A_90] : memref<320000xi32, #tpu.memory_space<hbm>> -> memref<128xi32, #tpu.memory_space<hbm>>
    tpu.enqueue_dma source(%dma_start3A_94 : memref<128xi32, #tpu.memory_space<hbm>>) target(%arg14 : memref<128xi32, #tpu.memory_space<vmem>>) target_semaphore(%arg26 : memref<!tpu.dma_semaphore, #tpu.memory_space<semaphore_mem>>)
    %get3A = arith.constant 0 : index
    %get3A_95 = tpu.vector_load %arg12[%get3A] {strides = array<i32>} : memref<128xi32, #tpu.memory_space<vmem>>, vector<16xi32>,
    %shift_right_logical3A = arith.constant 7 : i32
    %shift_right_logical3A_96 = vector.broadcast %shift_right_logical3A : i32 to vector<16xi32>
    %shift_right_logical3A_97 = arith.shrui %get3A_95, %shift_right_logical3A_96 : vector<16xi32>
    %and3A = arith.constant 127 : i32
    %and3A_98 = vector.broadcast %and3A : i32 to vector<16xi32>
    %and3A_99 = arith.andi %get3A_95, %and3A_98 : vector<16xi32>
    tpu.vector_store_idx %arg21[%shift_right_logical3A_97, %and3A_99], %broadcast_in_dim3A_5 {add = true} : memref<80x128xf32, #tpu.memory_space<vmem>>[vector<16xi32>, vector<16xi32>], vector<16xf32>,
    %get3A_100 = arith.constant 16 : index
    %get3A_101 = tpu.vector_load %arg12[%get3A_100] {strides = array<i32>} : memref<128xi32, #tpu.memory_space<vmem>>, vector<16xi32>,
    %shift_right_logical3A_102 = arith.constant 7 : i32
    %shift_right_logical3A_103 = vector.broadcast %shift_right_logical3A_102 : i32 to vector<16xi32>
    %shift_right_logical3A_104 = arith.shrui %get3A_101, %shift_right_logical3A_103 : vector<16xi32>
    %and3A_105 = arith.constant 127 : i32
    %and3A_106 = vector.broadcast %and3A_105 : i32 to vector<16xi32>
    %and3A_107 = arith.andi %get3A_101, %and3A_106 : vector<16xi32>
    tpu.vector_store_idx %arg21[%shift_right_logical3A_104, %and3A_107], %broadcast_in_dim3A_5 {add = true} : memref<80x128xf32, #tpu.memory_space<vmem>>[vector<16xi32>, vector<16xi32>], vector<16xf32>,
    %get3A_108 = arith.constant 32 : index
    %get3A_109 = tpu.vector_load %arg12[%get3A_108] {strides = array<i32>} : memref<128xi32, #tpu.memory_space<vmem>>, vector<16xi32>,
    %shift_right_logical3A_110 = arith.constant 7 : i32
    %shift_right_logical3A_111 = vector.broadcast %shift_right_logical3A_110 : i32 to vector<16xi32>
    %shift_right_logical3A_112 = arith.shrui %get3A_109, %shift_right_logical3A_111 : vector<16xi32>
    %and3A_113 = arith.constant 127 : i32
    %and3A_114 = vector.broadcast %and3A_113 : i32 to vector<16xi32>
    %and3A_115 = arith.andi %get3A_109, %and3A_114 : vector<16xi32>
    tpu.vector_store_idx %arg21[%shift_right_logical3A_112, %and3A_115], %broadcast_in_dim3A_5 {add = true} : memref<80x128xf32, #tpu.memory_space<vmem>>[vector<16xi32>, vector<16xi32>], vector<16xf32>,
    %get3A_116 = arith.constant 48 : index
    %get3A_117 = tpu.vector_load %arg12[%get3A_116] {strides = array<i32>} : memref<128xi32, #tpu.memory_space<vmem>>, vector<16xi32>,
    %shift_right_logical3A_118 = arith.constant 7 : i32
    %shift_right_logical3A_119 = vector.broadcast %shift_right_logical3A_118 : i32 to vector<16xi32>
    %shift_right_logical3A_120 = arith.shrui %get3A_117, %shift_right_logical3A_119 : vector<16xi32>
    %and3A_121 = arith.constant 127 : i32
    %and3A_122 = vector.broadcast %and3A_121 : i32 to vector<16xi32>
    %and3A_123 = arith.andi %get3A_117, %and3A_122 : vector<16xi32>
    tpu.vector_store_idx %arg21[%shift_right_logical3A_120, %and3A_123], %broadcast_in_dim3A_5 {add = true} : memref<80x128xf32, #tpu.memory_space<vmem>>[vector<16xi32>, vector<16xi32>], vector<16xf32>,
    %get3A_124 = arith.constant 64 : index
    %get3A_125 = tpu.vector_load %arg12[%get3A_124] {strides = array<i32>} : memref<128xi32, #tpu.memory_space<vmem>>, vector<16xi32>,
    %shift_right_logical3A_126 = arith.constant 7 : i32
    %shift_right_logical3A_127 = vector.broadcast %shift_right_logical3A_126 : i32 to vector<16xi32>
    %shift_right_logical3A_128 = arith.shrui %get3A_125, %shift_right_logical3A_127 : vector<16xi32>
    %and3A_129 = arith.constant 127 : i32
    %and3A_130 = vector.broadcast %and3A_129 : i32 to vector<16xi32>
    %and3A_131 = arith.andi %get3A_125, %and3A_130 : vector<16xi32>
    tpu.vector_store_idx %arg21[%shift_right_logical3A_128, %and3A_131], %broadcast_in_dim3A_5 {add = true} : memref<80x128xf32, #tpu.memory_space<vmem>>[vector<16xi32>, vector<16xi32>], vector<16xf32>,
    %get3A_132 = arith.constant 80 : index
    %get3A_133 = tpu.vector_load %arg12[%get3A_132] {strides = array<i32>} : memref<128xi32, #tpu.memory_space<vmem>>, vector<16xi32>,
    %shift_right_logical3A_134 = arith.constant 7 : i32
    %shift_right_logical3A_135 = vector.broadcast %shift_right_logical3A_134 : i32 to vector<16xi32>
    %shift_right_logical3A_136 = arith.shrui %get3A_133, %shift_right_logical3A_135 : vector<16xi32>
    %and3A_137 = arith.constant 127 : i32
    %and3A_138 = vector.broadcast %and3A_137 : i32 to vector<16xi32>
    %and3A_139 = arith.andi %get3A_133, %and3A_138 : vector<16xi32>
    tpu.vector_store_idx %arg21[%shift_right_logical3A_136, %and3A_139], %broadcast_in_dim3A_5 {add = true} : memref<80x128xf32, #tpu.memory_space<vmem>>[vector<16xi32>, vector<16xi32>], vector<16xf32>,
    %get3A_140 = arith.constant 96 : index
    %get3A_141 = tpu.vector_load %arg12[%get3A_140] {strides = array<i32>} : memref<128xi32, #tpu.memory_space<vmem>>, vector<16xi32>,
    %shift_right_logical3A_142 = arith.constant 7 : i32
    %shift_right_logical3A_143 = vector.broadcast %shift_right_logical3A_142 : i32 to vector<16xi32>
    %shift_right_logical3A_144 = arith.shrui %get3A_141, %shift_right_logical3A_143 : vector<16xi32>
    %and3A_145 = arith.constant 127 : i32
    %and3A_146 = vector.broadcast %and3A_145 : i32 to vector<16xi32>
    %and3A_147 = arith.andi %get3A_141, %and3A_146 : vector<16xi32>
    tpu.vector_store_idx %arg21[%shift_right_logical3A_144, %and3A_147], %broadcast_in_dim3A_5 {add = true} : memref<80x128xf32, #tpu.memory_space<vmem>>[vector<16xi32>, vector<16xi32>], vector<16xf32>,
    %get3A_148 = arith.constant 112 : index
    %get3A_149 = tpu.vector_load %arg12[%get3A_148] {strides = array<i32>} : memref<128xi32, #tpu.memory_space<vmem>>, vector<16xi32>,
    %shift_right_logical3A_150 = arith.constant 7 : i32
    %shift_right_logical3A_151 = vector.broadcast %shift_right_logical3A_150 : i32 to vector<16xi32>
    %shift_right_logical3A_152 = arith.shrui %get3A_149, %shift_right_logical3A_151 : vector<16xi32>
    %and3A_153 = arith.constant 127 : i32
    %and3A_154 = vector.broadcast %and3A_153 : i32 to vector<16xi32>
    %and3A_155 = arith.andi %get3A_149, %and3A_154 : vector<16xi32>
    tpu.vector_store_idx %arg21[%shift_right_logical3A_152, %and3A_155], %broadcast_in_dim3A_5 {add = true} : memref<80x128xf32, #tpu.memory_space<vmem>>[vector<16xi32>, vector<16xi32>], vector<16xf32>,
    %dma_wait3A_156 = arith.constant 0 : i32
    %dma_wait3A_157 = arith.constant 0 : i32
    %dma_wait3A_158 = tpu.memref_slice %arg2[%dma_wait3A_156, %dma_wait3A_157] : memref<10000x128xf32, #tpu.memory_space<hbm>> -> memref<10000x128xf32, #tpu.memory_space<hbm>>
    tpu.wait_indirect_dma semaphore(%arg29 : memref<!tpu.dma_semaphore, #tpu.memory_space<semaphore_mem>>) src(%dma_wait3A_158 : memref<10000x128xf32, #tpu.memory_space<hbm>>) dst(%arg20 : memref<128x128xf32, #tpu.memory_space<vmem>>)
    %dma_start3A_159 = arith.constant 0 : i32
    %dma_start3A_160 = arith.constant 0 : i32
    %dma_start3A_161 = tpu.memref_slice %arg22[%dma_start3A_159, %dma_start3A_160] : memref<10112x128xf32, #tpu.memory_space<vmem_shared>> -> memref<10112x128xf32, #tpu.memory_space<vmem_shared>>
    tpu.enqueue_indirect_dma source(%arg20 : memref<128x128xf32, #tpu.memory_space<vmem>>) target(%dma_start3A_161 : memref<10112x128xf32, #tpu.memory_space<vmem_shared>>) offsets(%arg13 : memref<128xi32, #tpu.memory_space<vmem>>) semaphore(%arg31 : memref<!tpu.dma_semaphore, #tpu.memory_space<semaphore_mem>>) {add = true}
    %dma_wait3A_162 = arith.constant 0 : i32
    %dma_wait3A_163 = arith.constant 0 : i32
    %dma_wait3A_164 = tpu.memref_slice %arg22[%dma_wait3A_162, %dma_wait3A_163] : memref<10112x128xf32, #tpu.memory_space<vmem_shared>> -> memref<10112x128xf32, #tpu.memory_space<vmem_shared>>
    tpu.wait_indirect_dma semaphore(%arg30 : memref<!tpu.dma_semaphore, #tpu.memory_space<semaphore_mem>>) src(%arg19 : memref<128x128xf32, #tpu.memory_space<vmem>>) dst(%dma_wait3A_164 : memref<10112x128xf32, #tpu.memory_space<vmem_shared>>)
    %add3A_165 = arith.constant 256 : i32
    %add3A_166 = arith.addi %mul3A_2, %add3A_165 : i32
    %dma_wait3A_167 = tpu.memref_slice %arg3[%add3A_166] : memref<320000xi32, #tpu.memory_space<hbm>> -> memref<128xi32, #tpu.memory_space<hbm>>
    %dma_wait3A_168 = tpu.memref_slice %arg3[%add3A_166] : memref<320000xi32, #tpu.memory_space<hbm>> -> memref<128xi32, #tpu.memory_space<hbm>>
    tpu.wait_dma2 semaphore(%arg26 : memref<!tpu.dma_semaphore, #tpu.memory_space<semaphore_mem>>) src(%dma_wait3A_168 : memref<128xi32, #tpu.memory_space<hbm>>) dst(%arg10 : memref<128xi32, #tpu.memory_space<vmem>>)
    %dma_wait3A_169 = tpu.memref_slice %arg4[%add3A_166] : memref<320000xi32, #tpu.memory_space<hbm>> -> memref<128xi32, #tpu.memory_space<hbm>>
    %dma_wait3A_170 = tpu.memref_slice %arg4[%add3A_166] : memref<320000xi32, #tpu.memory_space<hbm>> -> memref<128xi32, #tpu.memory_space<hbm>>
    tpu.wait_dma2 semaphore(%arg26 : memref<!tpu.dma_semaphore, #tpu.memory_space<semaphore_mem>>) src(%dma_wait3A_170 : memref<128xi32, #tpu.memory_space<hbm>>) dst(%arg14 : memref<128xi32, #tpu.memory_space<vmem>>)
    %dma_start3A_171 = arith.constant 0 : i32
    %dma_start3A_172 = arith.constant 0 : i32
    %dma_start3A_173 = tpu.memref_slice %arg2[%dma_start3A_171, %dma_start3A_172] : memref<10000x128xf32, #tpu.memory_space<hbm>> -> memref<10000x128xf32, #tpu.memory_space<hbm>>
    tpu.enqueue_indirect_dma source(%dma_start3A_173 : memref<10000x128xf32, #tpu.memory_space<hbm>>) target(%arg19 : memref<128x128xf32, #tpu.memory_space<vmem>>) offsets(%arg10 : memref<128xi32, #tpu.memory_space<vmem>>) semaphore(%arg28 : memref<!tpu.dma_semaphore, #tpu.memory_space<semaphore_mem>>)
    %add3A_174 = arith.constant 384 : i32
    %add3A_175 = arith.addi %mul3A_2, %add3A_174 : i32
    %dma_start3A_176 = tpu.memref_slice %arg3[%add3A_175] : memref<320000xi32, #tpu.memory_space<hbm>> -> memref<128xi32, #tpu.memory_space<hbm>>
    %dma_start3A_177 = tpu.memref_slice %arg3[%add3A_175] : memref<320000xi32, #tpu.memory_space<hbm>> -> memref<128xi32, #tpu.memory_space<hbm>>
    tpu.enqueue_dma source(%dma_start3A_177 : memref<128xi32, #tpu.memory_space<hbm>>) target(%arg11 : memref<128xi32, #tpu.memory_space<vmem>>) target_semaphore(%arg27 : memref<!tpu.dma_semaphore, #tpu.memory_space<semaphore_mem>>)
    %dma_start3A_178 = tpu.memref_slice %arg4[%add3A_175] : memref<320000xi32, #tpu.memory_space<hbm>> -> memref<128xi32, #tpu.memory_space<hbm>>
    %dma_start3A_179 = tpu.memref_slice %arg4[%add3A_175] : memref<320000xi32, #tpu.memory_space<hbm>> -> memref<128xi32, #tpu.memory_space<hbm>>
    tpu.enqueue_dma source(%dma_start3A_179 : memref<128xi32, #tpu.memory_space<hbm>>) target(%arg15 : memref<128xi32, #tpu.memory_space<vmem>>) target_semaphore(%arg27 : memref<!tpu.dma_semaphore, #tpu.memory_space<semaphore_mem>>)
    %get3A_180 = arith.constant 0 : index
    %get3A_181 = tpu.vector_load %arg13[%get3A_180] {strides = array<i32>} : memref<128xi32, #tpu.memory_space<vmem>>, vector<16xi32>,
    %shift_right_logical3A_182 = arith.constant 7 : i32
    %shift_right_logical3A_183 = vector.broadcast %shift_right_logical3A_182 : i32 to vector<16xi32>
    %shift_right_logical3A_184 = arith.shrui %get3A_181, %shift_right_logical3A_183 : vector<16xi32>
    %and3A_185 = arith.constant 127 : i32
    %and3A_186 = vector.broadcast %and3A_185 : i32 to vector<16xi32>
    %and3A_187 = arith.andi %get3A_181, %and3A_186 : vector<16xi32>
    tpu.vector_store_idx %arg21[%shift_right_logical3A_184, %and3A_187], %broadcast_in_dim3A_5 {add = true} : memref<80x128xf32, #tpu.memory_space<vmem>>[vector<16xi32>, vector<16xi32>], vector<16xf32>,
    %get3A_188 = arith.constant 16 : index
    %get3A_189 = tpu.vector_load %arg13[%get3A_188] {strides = array<i32>} : memref<128xi32, #tpu.memory_space<vmem>>, vector<16xi32>,
    %shift_right_logical3A_190 = arith.constant 7 : i32
    %shift_right_logical3A_191 = vector.broadcast %shift_right_logical3A_190 : i32 to vector<16xi32>
    %shift_right_logical3A_192 = arith.shrui %get3A_189, %shift_right_logical3A_191 : vector<16xi32>
    %and3A_193 = arith.constant 127 : i32
    %and3A_194 = vector.broadcast %and3A_193 : i32 to vector<16xi32>
    %and3A_195 = arith.andi %get3A_189, %and3A_194 : vector<16xi32>
    tpu.vector_store_idx %arg21[%shift_right_logical3A_192, %and3A_195], %broadcast_in_dim3A_5 {add = true} : memref<80x128xf32, #tpu.memory_space<vmem>>[vector<16xi32>, vector<16xi32>], vector<16xf32>,
    %get3A_196 = arith.constant 32 : index
    %get3A_197 = tpu.vector_load %arg13[%get3A_196] {strides = array<i32>} : memref<128xi32, #tpu.memory_space<vmem>>, vector<16xi32>,
    %shift_right_logical3A_198 = arith.constant 7 : i32
    %shift_right_logical3A_199 = vector.broadcast %shift_right_logical3A_198 : i32 to vector<16xi32>
    %shift_right_logical3A_200 = arith.shrui %get3A_197, %shift_right_logical3A_199 : vector<16xi32>
    %and3A_201 = arith.constant 127 : i32
    %and3A_202 = vector.broadcast %and3A_201 : i32 to vector<16xi32>
    %and3A_203 = arith.andi %get3A_197, %and3A_202 : vector<16xi32>
    tpu.vector_store_idx %arg21[%shift_right_logical3A_200, %and3A_203], %broadcast_in_dim3A_5 {add = true} : memref<80x128xf32, #tpu.memory_space<vmem>>[vector<16xi32>, vector<16xi32>], vector<16xf32>,
    %get3A_204 = arith.constant 48 : index
    %get3A_205 = tpu.vector_load %arg13[%get3A_204] {strides = array<i32>} : memref<128xi32, #tpu.memory_space<vmem>>, vector<16xi32>,
    %shift_right_logical3A_206 = arith.constant 7 : i32
    %shift_right_logical3A_207 = vector.broadcast %shift_right_logical3A_206 : i32 to vector<16xi32>
    %shift_right_logical3A_208 = arith.shrui %get3A_205, %shift_right_logical3A_207 : vector<16xi32>
    %and3A_209 = arith.constant 127 : i32
    %and3A_210 = vector.broadcast %and3A_209 : i32 to vector<16xi32>
    %and3A_211 = arith.andi %get3A_205, %and3A_210 : vector<16xi32>
    tpu.vector_store_idx %arg21[%shift_right_logical3A_208, %and3A_211], %broadcast_in_dim3A_5 {add = true} : memref<80x128xf32, #tpu.memory_space<vmem>>[vector<16xi32>, vector<16xi32>], vector<16xf32>,
    %get3A_212 = arith.constant 64 : index
    %get3A_213 = tpu.vector_load %arg13[%get3A_212] {strides = array<i32>} : memref<128xi32, #tpu.memory_space<vmem>>, vector<16xi32>,
    %shift_right_logical3A_214 = arith.constant 7 : i32
    %shift_right_logical3A_215 = vector.broadcast %shift_right_logical3A_214 : i32 to vector<16xi32>
    %shift_right_logical3A_216 = arith.shrui %get3A_213, %shift_right_logical3A_215 : vector<16xi32>
    %and3A_217 = arith.constant 127 : i32
    %and3A_218 = vector.broadcast %and3A_217 : i32 to vector<16xi32>
    %and3A_219 = arith.andi %get3A_213, %and3A_218 : vector<16xi32>
    tpu.vector_store_idx %arg21[%shift_right_logical3A_216, %and3A_219], %broadcast_in_dim3A_5 {add = true} : memref<80x128xf32, #tpu.memory_space<vmem>>[vector<16xi32>, vector<16xi32>], vector<16xf32>,
    %get3A_220 = arith.constant 80 : index
    %get3A_221 = tpu.vector_load %arg13[%get3A_220] {strides = array<i32>} : memref<128xi32, #tpu.memory_space<vmem>>, vector<16xi32>,
    %shift_right_logical3A_222 = arith.constant 7 : i32
    %shift_right_logical3A_223 = vector.broadcast %shift_right_logical3A_222 : i32 to vector<16xi32>
    %shift_right_logical3A_224 = arith.shrui %get3A_221, %shift_right_logical3A_223 : vector<16xi32>
    %and3A_225 = arith.constant 127 : i32
    %and3A_226 = vector.broadcast %and3A_225 : i32 to vector<16xi32>
    %and3A_227 = arith.andi %get3A_221, %and3A_226 : vector<16xi32>
    tpu.vector_store_idx %arg21[%shift_right_logical3A_224, %and3A_227], %broadcast_in_dim3A_5 {add = true} : memref<80x128xf32, #tpu.memory_space<vmem>>[vector<16xi32>, vector<16xi32>], vector<16xf32>,
    %get3A_228 = arith.constant 96 : index
    %get3A_229 = tpu.vector_load %arg13[%get3A_228] {strides = array<i32>} : memref<128xi32, #tpu.memory_space<vmem>>, vector<16xi32>,
    %shift_right_logical3A_230 = arith.constant 7 : i32
    %shift_right_logical3A_231 = vector.broadcast %shift_right_logical3A_230 : i32 to vector<16xi32>
    %shift_right_logical3A_232 = arith.shrui %get3A_229, %shift_right_logical3A_231 : vector<16xi32>
    %and3A_233 = arith.constant 127 : i32
    %and3A_234 = vector.broadcast %and3A_233 : i32 to vector<16xi32>
    %and3A_235 = arith.andi %get3A_229, %and3A_234 : vector<16xi32>
    tpu.vector_store_idx %arg21[%shift_right_logical3A_232, %and3A_235], %broadcast_in_dim3A_5 {add = true} : memref<80x128xf32, #tpu.memory_space<vmem>>[vector<16xi32>, vector<16xi32>], vector<16xf32>,
    %get3A_236 = arith.constant 112 : index
    %get3A_237 = tpu.vector_load %arg13[%get3A_236] {strides = array<i32>} : memref<128xi32, #tpu.memory_space<vmem>>, vector<16xi32>,
    %shift_right_logical3A_238 = arith.constant 7 : i32
    %shift_right_logical3A_239 = vector.broadcast %shift_right_logical3A_238 : i32 to vector<16xi32>
    %shift_right_logical3A_240 = arith.shrui %get3A_237, %shift_right_logical3A_239 : vector<16xi32>
    %and3A_241 = arith.constant 127 : i32
    %and3A_242 = vector.broadcast %and3A_241 : i32 to vector<16xi32>
    %and3A_243 = arith.andi %get3A_237, %and3A_242 : vector<16xi32>
    tpu.vector_store_idx %arg21[%shift_right_logical3A_240, %and3A_243], %broadcast_in_dim3A_5 {add = true} : memref<80x128xf32, #tpu.memory_space<vmem>>[vector<16xi32>, vector<16xi32>], vector<16xf32>,
    %scan3A_244 = arith.constant 0 : i32
    %scan3A_245 = arith.constant 0 : i32
    %scan3A_246 = arith.constant 18 : i32
    %scan3A_247 = arith.addi %scan3A_245, %scan3A_246 : i32
    %scan3A_248 = arith.constant 1 : i32
    scf.for %scan3A_634 = %scan3A_245 to %scan3A_247 step %scan3A_248  : i32 {
      %mul3A_635 = arith.constant 4 : i32
      %mul3A_636 = arith.muli %mul3A_635, %scan3A_634 : i32
      %add3A_637 = arith.constant 2 : i32
      %add3A_638 = arith.addi %add3A_637, %mul3A_636 : i32
      %add3A_639 = arith.constant 0 : i32
      %add3A_640 = arith.addi %add3A_638, %add3A_639 : i32
      %dma_wait3A_641 = arith.constant 0 : i32
      %dma_wait3A_642 = arith.constant 0 : i32
      %dma_wait3A_643 = tpu.memref_slice %arg2[%dma_wait3A_641, %dma_wait3A_642] : memref<10000x128xf32, #tpu.memory_space<hbm>> -> memref<10000x128xf32, #tpu.memory_space<hbm>>
      tpu.wait_indirect_dma semaphore(%arg28 : memref<!tpu.dma_semaphore, #tpu.memory_space<semaphore_mem>>) src(%dma_wait3A_643 : memref<10000x128xf32, #tpu.memory_space<hbm>>) dst(%arg19 : memref<128x128xf32, #tpu.memory_space<vmem>>)
      %dma_start3A_644 = arith.constant 0 : i32
      %dma_start3A_645 = arith.constant 0 : i32
      %dma_start3A_646 = tpu.memref_slice %arg22[%dma_start3A_644, %dma_start3A_645] : memref<10112x128xf32, #tpu.memory_space<vmem_shared>> -> memref<10112x128xf32, #tpu.memory_space<vmem_shared>>
      tpu.enqueue_indirect_dma source(%arg19 : memref<128x128xf32, #tpu.memory_space<vmem>>) target(%dma_start3A_646 : memref<10112x128xf32, #tpu.memory_space<vmem_shared>>) offsets(%arg14 : memref<128xi32, #tpu.memory_space<vmem>>) semaphore(%arg30 : memref<!tpu.dma_semaphore, #tpu.memory_space<semaphore_mem>>) {add = true}
      %dma_wait3A_647 = arith.constant 0 : i32
      %dma_wait3A_648 = arith.constant 0 : i32
      %dma_wait3A_649 = tpu.memref_slice %arg22[%dma_wait3A_647, %dma_wait3A_648] : memref<10112x128xf32, #tpu.memory_space<vmem_shared>> -> memref<10112x128xf32, #tpu.memory_space<vmem_shared>>
      tpu.wait_indirect_dma semaphore(%arg31 : memref<!tpu.dma_semaphore, #tpu.memory_space<semaphore_mem>>) src(%arg20 : memref<128x128xf32, #tpu.memory_space<vmem>>) dst(%dma_wait3A_649 : memref<10112x128xf32, #tpu.memory_space<vmem_shared>>)
      %add3A_650 = arith.constant 1 : i32
      %add3A_651 = arith.addi %add3A_640, %add3A_650 : i32
      %mul3A_652 = arith.constant 128 : i32
      %mul3A_653 = arith.muli %add3A_651, %mul3A_652 : i32
      %add3A_654 = arith.addi %mul3A_2, %mul3A_653 : i32
      %dma_wait3A_655 = tpu.memref_slice %arg3[%add3A_654] : memref<320000xi32, #tpu.memory_space<hbm>> -> memref<128xi32, #tpu.memory_space<hbm>>
      %dma_wait3A_656 = tpu.memref_slice %arg3[%add3A_654] : memref<320000xi32, #tpu.memory_space<hbm>> -> memref<128xi32, #tpu.memory_space<hbm>>
      tpu.wait_dma2 semaphore(%arg27 : memref<!tpu.dma_semaphore, #tpu.memory_space<semaphore_mem>>) src(%dma_wait3A_656 : memref<128xi32, #tpu.memory_space<hbm>>) dst(%arg11 : memref<128xi32, #tpu.memory_space<vmem>>)
      %dma_wait3A_657 = tpu.memref_slice %arg4[%add3A_654] : memref<320000xi32, #tpu.memory_space<hbm>> -> memref<128xi32, #tpu.memory_space<hbm>>
      %dma_wait3A_658 = tpu.memref_slice %arg4[%add3A_654] : memref<320000xi32, #tpu.memory_space<hbm>> -> memref<128xi32, #tpu.memory_space<hbm>>
      tpu.wait_dma2 semaphore(%arg27 : memref<!tpu.dma_semaphore, #tpu.memory_space<semaphore_mem>>) src(%dma_wait3A_658 : memref<128xi32, #tpu.memory_space<hbm>>) dst(%arg15 : memref<128xi32, #tpu.memory_space<vmem>>)
      %dma_start3A_659 = arith.constant 0 : i32
      %dma_start3A_660 = arith.constant 0 : i32
      %dma_start3A_661 = tpu.memref_slice %arg2[%dma_start3A_659, %dma_start3A_660] : memref<10000x128xf32, #tpu.memory_space<hbm>> -> memref<10000x128xf32, #tpu.memory_space<hbm>>
      tpu.enqueue_indirect_dma source(%dma_start3A_661 : memref<10000x128xf32, #tpu.memory_space<hbm>>) target(%arg20 : memref<128x128xf32, #tpu.memory_space<vmem>>) offsets(%arg11 : memref<128xi32, #tpu.memory_space<vmem>>) semaphore(%arg29 : memref<!tpu.dma_semaphore, #tpu.memory_space<semaphore_mem>>)
      %add3A_662 = arith.constant 2 : i32
      %add3A_663 = arith.addi %add3A_640, %add3A_662 : i32
      %lt3A_664 = arith.constant 78 : i32
      %lt3A_665 = arith.cmpi slt, %add3A_663, %lt3A_664 : i32
      %convert_element_type3A_666 = arith.extui %lt3A_665 : i1 to i32
      %cond3A_667 = arith.constant 0 : i32
      %cond3A_668 = arith.cmpi ne, %convert_element_type3A_666, %cond3A_667 : i32
      scf.if %cond3A_668 {
        %add3A_1015 = arith.constant 2 : i32
        %add3A_1016 = arith.addi %add3A_640, %add3A_1015 : i32
        %mul3A_1017 = arith.constant 128 : i32
        %mul3A_1018 = arith.muli %add3A_1016, %mul3A_1017 : i32
        %add3A_1019 = arith.addi %mul3A_2, %mul3A_1018 : i32
        %dma_start3A_1020 = tpu.memref_slice %arg3[%add3A_1019] : memref<320000xi32, #tpu.memory_space<hbm>> -> memref<128xi32, #tpu.memory_space<hbm>>
        %dma_start3A_1021 = tpu.memref_slice %arg3[%add3A_1019] : memref<320000xi32, #tpu.memory_space<hbm>> -> memref<128xi32, #tpu.memory_space<hbm>>
        tpu.enqueue_dma source(%dma_start3A_1021 : memref<128xi32, #tpu.memory_space<hbm>>) target(%arg8 : memref<128xi32, #tpu.memory_space<vmem>>) target_semaphore(%arg24 : memref<!tpu.dma_semaphore, #tpu.memory_space<semaphore_mem>>)
        %dma_start3A_1022 = tpu.memref_slice %arg4[%add3A_1019] : memref<320000xi32, #tpu.memory_space<hbm>> -> memref<128xi32, #tpu.memory_space<hbm>>
        %dma_start3A_1023 = tpu.memref_slice %arg4[%add3A_1019] : memref<320000xi32, #tpu.memory_space<hbm>> -> memref<128xi32, #tpu.memory_space<hbm>>
        tpu.enqueue_dma source(%dma_start3A_1023 : memref<128xi32, #tpu.memory_space<hbm>>) target(%arg12 : memref<128xi32, #tpu.memory_space<vmem>>) target_semaphore(%arg24 : memref<!tpu.dma_semaphore, #tpu.memory_space<semaphore_mem>>)
      } else {
      }
      %get3A_669 = arith.constant 0 : index
      %get3A_670 = tpu.vector_load %arg14[%get3A_669] {strides = array<i32>} : memref<128xi32, #tpu.memory_space<vmem>>, vector<16xi32>,
      %shift_right_logical3A_671 = arith.constant 7 : i32
      %shift_right_logical3A_672 = vector.broadcast %shift_right_logical3A_671 : i32 to vector<16xi32>
      %shift_right_logical3A_673 = arith.shrui %get3A_670, %shift_right_logical3A_672 : vector<16xi32>
      %and3A_674 = arith.constant 127 : i32
      %and3A_675 = vector.broadcast %and3A_674 : i32 to vector<16xi32>
      %and3A_676 = arith.andi %get3A_670, %and3A_675 : vector<16xi32>
      tpu.vector_store_idx %arg21[%shift_right_logical3A_673, %and3A_676], %broadcast_in_dim3A_5 {add = true} : memref<80x128xf32, #tpu.memory_space<vmem>>[vector<16xi32>, vector<16xi32>], vector<16xf32>,
      %get3A_677 = arith.constant 16 : index
      %get3A_678 = tpu.vector_load %arg14[%get3A_677] {strides = array<i32>} : memref<128xi32, #tpu.memory_space<vmem>>, vector<16xi32>,
      %shift_right_logical3A_679 = arith.constant 7 : i32
      %shift_right_logical3A_680 = vector.broadcast %shift_right_logical3A_679 : i32 to vector<16xi32>
      %shift_right_logical3A_681 = arith.shrui %get3A_678, %shift_right_logical3A_680 : vector<16xi32>
      %and3A_682 = arith.constant 127 : i32
      %and3A_683 = vector.broadcast %and3A_682 : i32 to vector<16xi32>
      %and3A_684 = arith.andi %get3A_678, %and3A_683 : vector<16xi32>
      tpu.vector_store_idx %arg21[%shift_right_logical3A_681, %and3A_684], %broadcast_in_dim3A_5 {add = true} : memref<80x128xf32, #tpu.memory_space<vmem>>[vector<16xi32>, vector<16xi32>], vector<16xf32>,
      %get3A_685 = arith.constant 32 : index
      %get3A_686 = tpu.vector_load %arg14[%get3A_685] {strides = array<i32>} : memref<128xi32, #tpu.memory_space<vmem>>, vector<16xi32>,
      %shift_right_logical3A_687 = arith.constant 7 : i32
      %shift_right_logical3A_688 = vector.broadcast %shift_right_logical3A_687 : i32 to vector<16xi32>
      %shift_right_logical3A_689 = arith.shrui %get3A_686, %shift_right_logical3A_688 : vector<16xi32>
      %and3A_690 = arith.constant 127 : i32
      %and3A_691 = vector.broadcast %and3A_690 : i32 to vector<16xi32>
      %and3A_692 = arith.andi %get3A_686, %and3A_691 : vector<16xi32>
      tpu.vector_store_idx %arg21[%shift_right_logical3A_689, %and3A_692], %broadcast_in_dim3A_5 {add = true} : memref<80x128xf32, #tpu.memory_space<vmem>>[vector<16xi32>, vector<16xi32>], vector<16xf32>,
      %get3A_693 = arith.constant 48 : index
      %get3A_694 = tpu.vector_load %arg14[%get3A_693] {strides = array<i32>} : memref<128xi32, #tpu.memory_space<vmem>>, vector<16xi32>,
      %shift_right_logical3A_695 = arith.constant 7 : i32
      %shift_right_logical3A_696 = vector.broadcast %shift_right_logical3A_695 : i32 to vector<16xi32>
      %shift_right_logical3A_697 = arith.shrui %get3A_694, %shift_right_logical3A_696 : vector<16xi32>
      %and3A_698 = arith.constant 127 : i32
      %and3A_699 = vector.broadcast %and3A_698 : i32 to vector<16xi32>
      %and3A_700 = arith.andi %get3A_694, %and3A_699 : vector<16xi32>
      tpu.vector_store_idx %arg21[%shift_right_logical3A_697, %and3A_700], %broadcast_in_dim3A_5 {add = true} : memref<80x128xf32, #tpu.memory_space<vmem>>[vector<16xi32>, vector<16xi32>], vector<16xf32>,
      %get3A_701 = arith.constant 64 : index
      %get3A_702 = tpu.vector_load %arg14[%get3A_701] {strides = array<i32>} : memref<128xi32, #tpu.memory_space<vmem>>, vector<16xi32>,
      %shift_right_logical3A_703 = arith.constant 7 : i32
      %shift_right_logical3A_704 = vector.broadcast %shift_right_logical3A_703 : i32 to vector<16xi32>
      %shift_right_logical3A_705 = arith.shrui %get3A_702, %shift_right_logical3A_704 : vector<16xi32>
      %and3A_706 = arith.constant 127 : i32
      %and3A_707 = vector.broadcast %and3A_706 : i32 to vector<16xi32>
      %and3A_708 = arith.andi %get3A_702, %and3A_707 : vector<16xi32>
      tpu.vector_store_idx %arg21[%shift_right_logical3A_705, %and3A_708], %broadcast_in_dim3A_5 {add = true} : memref<80x128xf32, #tpu.memory_space<vmem>>[vector<16xi32>, vector<16xi32>], vector<16xf32>,
      %get3A_709 = arith.constant 80 : index
      %get3A_710 = tpu.vector_load %arg14[%get3A_709] {strides = array<i32>} : memref<128xi32, #tpu.memory_space<vmem>>, vector<16xi32>,
      %shift_right_logical3A_711 = arith.constant 7 : i32
      %shift_right_logical3A_712 = vector.broadcast %shift_right_logical3A_711 : i32 to vector<16xi32>
      %shift_right_logical3A_713 = arith.shrui %get3A_710, %shift_right_logical3A_712 : vector<16xi32>
      %and3A_714 = arith.constant 127 : i32
      %and3A_715 = vector.broadcast %and3A_714 : i32 to vector<16xi32>
      %and3A_716 = arith.andi %get3A_710, %and3A_715 : vector<16xi32>
      tpu.vector_store_idx %arg21[%shift_right_logical3A_713, %and3A_716], %broadcast_in_dim3A_5 {add = true} : memref<80x128xf32, #tpu.memory_space<vmem>>[vector<16xi32>, vector<16xi32>], vector<16xf32>,
      %get3A_717 = arith.constant 96 : index
      %get3A_718 = tpu.vector_load %arg14[%get3A_717] {strides = array<i32>} : memref<128xi32, #tpu.memory_space<vmem>>, vector<16xi32>,
      %shift_right_logical3A_719 = arith.constant 7 : i32
      %shift_right_logical3A_720 = vector.broadcast %shift_right_logical3A_719 : i32 to vector<16xi32>
      %shift_right_logical3A_721 = arith.shrui %get3A_718, %shift_right_logical3A_720 : vector<16xi32>
      %and3A_722 = arith.constant 127 : i32
      %and3A_723 = vector.broadcast %and3A_722 : i32 to vector<16xi32>
      %and3A_724 = arith.andi %get3A_718, %and3A_723 : vector<16xi32>
      tpu.vector_store_idx %arg21[%shift_right_logical3A_721, %and3A_724], %broadcast_in_dim3A_5 {add = true} : memref<80x128xf32, #tpu.memory_space<vmem>>[vector<16xi32>, vector<16xi32>], vector<16xf32>,
      %get3A_725 = arith.constant 112 : index
      %get3A_726 = tpu.vector_load %arg14[%get3A_725] {strides = array<i32>} : memref<128xi32, #tpu.memory_space<vmem>>, vector<16xi32>,
      %shift_right_logical3A_727 = arith.constant 7 : i32
      %shift_right_logical3A_728 = vector.broadcast %shift_right_logical3A_727 : i32 to vector<16xi32>
      %shift_right_logical3A_729 = arith.shrui %get3A_726, %shift_right_logical3A_728 : vector<16xi32>
      %and3A_730 = arith.constant 127 : i32
      %and3A_731 = vector.broadcast %and3A_730 : i32 to vector<16xi32>
      %and3A_732 = arith.andi %get3A_726, %and3A_731 : vector<16xi32>
      tpu.vector_store_idx %arg21[%shift_right_logical3A_729, %and3A_732], %broadcast_in_dim3A_5 {add = true} : memref<80x128xf32, #tpu.memory_space<vmem>>[vector<16xi32>, vector<16xi32>], vector<16xf32>,
      %add3A_733 = arith.constant 1 : i32
      %add3A_734 = arith.addi %add3A_638, %add3A_733 : i32
      %dma_wait3A_735 = arith.constant 0 : i32
      %dma_wait3A_736 = arith.constant 0 : i32
      %dma_wait3A_737 = tpu.memref_slice %arg2[%dma_wait3A_735, %dma_wait3A_736] : memref<10000x128xf32, #tpu.memory_space<hbm>> -> memref<10000x128xf32, #tpu.memory_space<hbm>>
      tpu.wait_indirect_dma semaphore(%arg29 : memref<!tpu.dma_semaphore, #tpu.memory_space<semaphore_mem>>) src(%dma_wait3A_737 : memref<10000x128xf32, #tpu.memory_space<hbm>>) dst(%arg20 : memref<128x128xf32, #tpu.memory_space<vmem>>)
      %dma_start3A_738 = arith.constant 0 : i32
      %dma_start3A_739 = arith.constant 0 : i32
      %dma_start3A_740 = tpu.memref_slice %arg22[%dma_start3A_738, %dma_start3A_739] : memref<10112x128xf32, #tpu.memory_space<vmem_shared>> -> memref<10112x128xf32, #tpu.memory_space<vmem_shared>>
      tpu.enqueue_indirect_dma source(%arg20 : memref<128x128xf32, #tpu.memory_space<vmem>>) target(%dma_start3A_740 : memref<10112x128xf32, #tpu.memory_space<vmem_shared>>) offsets(%arg15 : memref<128xi32, #tpu.memory_space<vmem>>) semaphore(%arg31 : memref<!tpu.dma_semaphore, #tpu.memory_space<semaphore_mem>>) {add = true}
      %dma_wait3A_741 = arith.constant 0 : i32
      %dma_wait3A_742 = arith.constant 0 : i32
      %dma_wait3A_743 = tpu.memref_slice %arg22[%dma_wait3A_741, %dma_wait3A_742] : memref<10112x128xf32, #tpu.memory_space<vmem_shared>> -> memref<10112x128xf32, #tpu.memory_space<vmem_shared>>
      tpu.wait_indirect_dma semaphore(%arg30 : memref<!tpu.dma_semaphore, #tpu.memory_space<semaphore_mem>>) src(%arg19 : memref<128x128xf32, #tpu.memory_space<vmem>>) dst(%dma_wait3A_743 : memref<10112x128xf32, #tpu.memory_space<vmem_shared>>)
      %add3A_744 = arith.constant 1 : i32
      %add3A_745 = arith.addi %add3A_734, %add3A_744 : i32
      %mul3A_746 = arith.constant 128 : i32
      %mul3A_747 = arith.muli %add3A_745, %mul3A_746 : i32
      %add3A_748 = arith.addi %mul3A_2, %mul3A_747 : i32
      %dma_wait3A_749 = tpu.memref_slice %arg3[%add3A_748] : memref<320000xi32, #tpu.memory_space<hbm>> -> memref<128xi32, #tpu.memory_space<hbm>>
      %dma_wait3A_750 = tpu.memref_slice %arg3[%add3A_748] : memref<320000xi32, #tpu.memory_space<hbm>> -> memref<128xi32, #tpu.memory_space<hbm>>
      tpu.wait_dma2 semaphore(%arg24 : memref<!tpu.dma_semaphore, #tpu.memory_space<semaphore_mem>>) src(%dma_wait3A_750 : memref<128xi32, #tpu.memory_space<hbm>>) dst(%arg8 : memref<128xi32, #tpu.memory_space<vmem>>)
      %dma_wait3A_751 = tpu.memref_slice %arg4[%add3A_748] : memref<320000xi32, #tpu.memory_space<hbm>> -> memref<128xi32, #tpu.memory_space<hbm>>
      %dma_wait3A_752 = tpu.memref_slice %arg4[%add3A_748] : memref<320000xi32, #tpu.memory_space<hbm>> -> memref<128xi32, #tpu.memory_space<hbm>>
      tpu.wait_dma2 semaphore(%arg24 : memref<!tpu.dma_semaphore, #tpu.memory_space<semaphore_mem>>) src(%dma_wait3A_752 : memref<128xi32, #tpu.memory_space<hbm>>) dst(%arg12 : memref<128xi32, #tpu.memory_space<vmem>>)
      %dma_start3A_753 = arith.constant 0 : i32
      %dma_start3A_754 = arith.constant 0 : i32
      %dma_start3A_755 = tpu.memref_slice %arg2[%dma_start3A_753, %dma_start3A_754] : memref<10000x128xf32, #tpu.memory_space<hbm>> -> memref<10000x128xf32, #tpu.memory_space<hbm>>
      tpu.enqueue_indirect_dma source(%dma_start3A_755 : memref<10000x128xf32, #tpu.memory_space<hbm>>) target(%arg19 : memref<128x128xf32, #tpu.memory_space<vmem>>) offsets(%arg8 : memref<128xi32, #tpu.memory_space<vmem>>) semaphore(%arg28 : memref<!tpu.dma_semaphore, #tpu.memory_space<semaphore_mem>>)
      %add3A_756 = arith.constant 2 : i32
      %add3A_757 = arith.addi %add3A_734, %add3A_756 : i32
      %lt3A_758 = arith.constant 78 : i32
      %lt3A_759 = arith.cmpi slt, %add3A_757, %lt3A_758 : i32
      %convert_element_type3A_760 = arith.extui %lt3A_759 : i1 to i32
      %cond3A_761 = arith.constant 0 : i32
      %cond3A_762 = arith.cmpi ne, %convert_element_type3A_760, %cond3A_761 : i32
      scf.if %cond3A_762 {
        %add3A_1015 = arith.constant 2 : i32
        %add3A_1016 = arith.addi %add3A_734, %add3A_1015 : i32
        %mul3A_1017 = arith.constant 128 : i32
        %mul3A_1018 = arith.muli %add3A_1016, %mul3A_1017 : i32
        %add3A_1019 = arith.addi %mul3A_2, %mul3A_1018 : i32
        %dma_start3A_1020 = tpu.memref_slice %arg3[%add3A_1019] : memref<320000xi32, #tpu.memory_space<hbm>> -> memref<128xi32, #tpu.memory_space<hbm>>
        %dma_start3A_1021 = tpu.memref_slice %arg3[%add3A_1019] : memref<320000xi32, #tpu.memory_space<hbm>> -> memref<128xi32, #tpu.memory_space<hbm>>
        tpu.enqueue_dma source(%dma_start3A_1021 : memref<128xi32, #tpu.memory_space<hbm>>) target(%arg9 : memref<128xi32, #tpu.memory_space<vmem>>) target_semaphore(%arg25 : memref<!tpu.dma_semaphore, #tpu.memory_space<semaphore_mem>>)
        %dma_start3A_1022 = tpu.memref_slice %arg4[%add3A_1019] : memref<320000xi32, #tpu.memory_space<hbm>> -> memref<128xi32, #tpu.memory_space<hbm>>
        %dma_start3A_1023 = tpu.memref_slice %arg4[%add3A_1019] : memref<320000xi32, #tpu.memory_space<hbm>> -> memref<128xi32, #tpu.memory_space<hbm>>
        tpu.enqueue_dma source(%dma_start3A_1023 : memref<128xi32, #tpu.memory_space<hbm>>) target(%arg13 : memref<128xi32, #tpu.memory_space<vmem>>) target_semaphore(%arg25 : memref<!tpu.dma_semaphore, #tpu.memory_space<semaphore_mem>>)
      } else {
      }
      %get3A_763 = arith.constant 0 : index
      %get3A_764 = tpu.vector_load %arg15[%get3A_763] {strides = array<i32>} : memref<128xi32, #tpu.memory_space<vmem>>, vector<16xi32>,
      %shift_right_logical3A_765 = arith.constant 7 : i32
      %shift_right_logical3A_766 = vector.broadcast %shift_right_logical3A_765 : i32 to vector<16xi32>
      %shift_right_logical3A_767 = arith.shrui %get3A_764, %shift_right_logical3A_766 : vector<16xi32>
      %and3A_768 = arith.constant 127 : i32
      %and3A_769 = vector.broadcast %and3A_768 : i32 to vector<16xi32>
      %and3A_770 = arith.andi %get3A_764, %and3A_769 : vector<16xi32>
      tpu.vector_store_idx %arg21[%shift_right_logical3A_767, %and3A_770], %broadcast_in_dim3A_5 {add = true} : memref<80x128xf32, #tpu.memory_space<vmem>>[vector<16xi32>, vector<16xi32>], vector<16xf32>,
      %get3A_771 = arith.constant 16 : index
      %get3A_772 = tpu.vector_load %arg15[%get3A_771] {strides = array<i32>} : memref<128xi32, #tpu.memory_space<vmem>>, vector<16xi32>,
      %shift_right_logical3A_773 = arith.constant 7 : i32
      %shift_right_logical3A_774 = vector.broadcast %shift_right_logical3A_773 : i32 to vector<16xi32>
      %shift_right_logical3A_775 = arith.shrui %get3A_772, %shift_right_logical3A_774 : vector<16xi32>
      %and3A_776 = arith.constant 127 : i32
      %and3A_777 = vector.broadcast %and3A_776 : i32 to vector<16xi32>
      %and3A_778 = arith.andi %get3A_772, %and3A_777 : vector<16xi32>
      tpu.vector_store_idx %arg21[%shift_right_logical3A_775, %and3A_778], %broadcast_in_dim3A_5 {add = true} : memref<80x128xf32, #tpu.memory_space<vmem>>[vector<16xi32>, vector<16xi32>], vector<16xf32>,
      %get3A_779 = arith.constant 32 : index
      %get3A_780 = tpu.vector_load %arg15[%get3A_779] {strides = array<i32>} : memref<128xi32, #tpu.memory_space<vmem>>, vector<16xi32>,
      %shift_right_logical3A_781 = arith.constant 7 : i32
      %shift_right_logical3A_782 = vector.broadcast %shift_right_logical3A_781 : i32 to vector<16xi32>
      %shift_right_logical3A_783 = arith.shrui %get3A_780, %shift_right_logical3A_782 : vector<16xi32>
      %and3A_784 = arith.constant 127 : i32
      %and3A_785 = vector.broadcast %and3A_784 : i32 to vector<16xi32>
      %and3A_786 = arith.andi %get3A_780, %and3A_785 : vector<16xi32>
      tpu.vector_store_idx %arg21[%shift_right_logical3A_783, %and3A_786], %broadcast_in_dim3A_5 {add = true} : memref<80x128xf32, #tpu.memory_space<vmem>>[vector<16xi32>, vector<16xi32>], vector<16xf32>,
      %get3A_787 = arith.constant 48 : index
      %get3A_788 = tpu.vector_load %arg15[%get3A_787] {strides = array<i32>} : memref<128xi32, #tpu.memory_space<vmem>>, vector<16xi32>,
      %shift_right_logical3A_789 = arith.constant 7 : i32
      %shift_right_logical3A_790 = vector.broadcast %shift_right_logical3A_789 : i32 to vector<16xi32>
      %shift_right_logical3A_791 = arith.shrui %get3A_788, %shift_right_logical3A_790 : vector<16xi32>
      %and3A_792 = arith.constant 127 : i32
      %and3A_793 = vector.broadcast %and3A_792 : i32 to vector<16xi32>
      %and3A_794 = arith.andi %get3A_788, %and3A_793 : vector<16xi32>
      tpu.vector_store_idx %arg21[%shift_right_logical3A_791, %and3A_794], %broadcast_in_dim3A_5 {add = true} : memref<80x128xf32, #tpu.memory_space<vmem>>[vector<16xi32>, vector<16xi32>], vector<16xf32>,
      %get3A_795 = arith.constant 64 : index
      %get3A_796 = tpu.vector_load %arg15[%get3A_795] {strides = array<i32>} : memref<128xi32, #tpu.memory_space<vmem>>, vector<16xi32>,
      %shift_right_logical3A_797 = arith.constant 7 : i32
      %shift_right_logical3A_798 = vector.broadcast %shift_right_logical3A_797 : i32 to vector<16xi32>
      %shift_right_logical3A_799 = arith.shrui %get3A_796, %shift_right_logical3A_798 : vector<16xi32>
      %and3A_800 = arith.constant 127 : i32
      %and3A_801 = vector.broadcast %and3A_800 : i32 to vector<16xi32>
      %and3A_802 = arith.andi %get3A_796, %and3A_801 : vector<16xi32>
      tpu.vector_store_idx %arg21[%shift_right_logical3A_799, %and3A_802], %broadcast_in_dim3A_5 {add = true} : memref<80x128xf32, #tpu.memory_space<vmem>>[vector<16xi32>, vector<16xi32>], vector<16xf32>,
      %get3A_803 = arith.constant 80 : index
      %get3A_804 = tpu.vector_load %arg15[%get3A_803] {strides = array<i32>} : memref<128xi32, #tpu.memory_space<vmem>>, vector<16xi32>,
      %shift_right_logical3A_805 = arith.constant 7 : i32
      %shift_right_logical3A_806 = vector.broadcast %shift_right_logical3A_805 : i32 to vector<16xi32>
      %shift_right_logical3A_807 = arith.shrui %get3A_804, %shift_right_logical3A_806 : vector<16xi32>
      %and3A_808 = arith.constant 127 : i32
      %and3A_809 = vector.broadcast %and3A_808 : i32 to vector<16xi32>
      %and3A_810 = arith.andi %get3A_804, %and3A_809 : vector<16xi32>
      tpu.vector_store_idx %arg21[%shift_right_logical3A_807, %and3A_810], %broadcast_in_dim3A_5 {add = true} : memref<80x128xf32, #tpu.memory_space<vmem>>[vector<16xi32>, vector<16xi32>], vector<16xf32>,
      %get3A_811 = arith.constant 96 : index
      %get3A_812 = tpu.vector_load %arg15[%get3A_811] {strides = array<i32>} : memref<128xi32, #tpu.memory_space<vmem>>, vector<16xi32>,
      %shift_right_logical3A_813 = arith.constant 7 : i32
      %shift_right_logical3A_814 = vector.broadcast %shift_right_logical3A_813 : i32 to vector<16xi32>
      %shift_right_logical3A_815 = arith.shrui %get3A_812, %shift_right_logical3A_814 : vector<16xi32>
      %and3A_816 = arith.constant 127 : i32
      %and3A_817 = vector.broadcast %and3A_816 : i32 to vector<16xi32>
      %and3A_818 = arith.andi %get3A_812, %and3A_817 : vector<16xi32>
      tpu.vector_store_idx %arg21[%shift_right_logical3A_815, %and3A_818], %broadcast_in_dim3A_5 {add = true} : memref<80x128xf32, #tpu.memory_space<vmem>>[vector<16xi32>, vector<16xi32>], vector<16xf32>,
      %get3A_819 = arith.constant 112 : index
      %get3A_820 = tpu.vector_load %arg15[%get3A_819] {strides = array<i32>} : memref<128xi32, #tpu.memory_space<vmem>>, vector<16xi32>,
      %shift_right_logical3A_821 = arith.constant 7 : i32
      %shift_right_logical3A_822 = vector.broadcast %shift_right_logical3A_821 : i32 to vector<16xi32>
      %shift_right_logical3A_823 = arith.shrui %get3A_820, %shift_right_logical3A_822 : vector<16xi32>
      %and3A_824 = arith.constant 127 : i32
      %and3A_825 = vector.broadcast %and3A_824 : i32 to vector<16xi32>
      %and3A_826 = arith.andi %get3A_820, %and3A_825 : vector<16xi32>
      tpu.vector_store_idx %arg21[%shift_right_logical3A_823, %and3A_826], %broadcast_in_dim3A_5 {add = true} : memref<80x128xf32, #tpu.memory_space<vmem>>[vector<16xi32>, vector<16xi32>], vector<16xf32>,
      %add3A_827 = arith.constant 2 : i32
      %add3A_828 = arith.addi %add3A_638, %add3A_827 : i32
      %dma_wait3A_829 = arith.constant 0 : i32
      %dma_wait3A_830 = arith.constant 0 : i32
      %dma_wait3A_831 = tpu.memref_slice %arg2[%dma_wait3A_829, %dma_wait3A_830] : memref<10000x128xf32, #tpu.memory_space<hbm>> -> memref<10000x128xf32, #tpu.memory_space<hbm>>
      tpu.wait_indirect_dma semaphore(%arg28 : memref<!tpu.dma_semaphore, #tpu.memory_space<semaphore_mem>>) src(%dma_wait3A_831 : memref<10000x128xf32, #tpu.memory_space<hbm>>) dst(%arg19 : memref<128x128xf32, #tpu.memory_space<vmem>>)
      %dma_start3A_832 = arith.constant 0 : i32
      %dma_start3A_833 = arith.constant 0 : i32
      %dma_start3A_834 = tpu.memref_slice %arg22[%dma_start3A_832, %dma_start3A_833] : memref<10112x128xf32, #tpu.memory_space<vmem_shared>> -> memref<10112x128xf32, #tpu.memory_space<vmem_shared>>
      tpu.enqueue_indirect_dma source(%arg19 : memref<128x128xf32, #tpu.memory_space<vmem>>) target(%dma_start3A_834 : memref<10112x128xf32, #tpu.memory_space<vmem_shared>>) offsets(%arg12 : memref<128xi32, #tpu.memory_space<vmem>>) semaphore(%arg30 : memref<!tpu.dma_semaphore, #tpu.memory_space<semaphore_mem>>) {add = true}
      %dma_wait3A_835 = arith.constant 0 : i32
      %dma_wait3A_836 = arith.constant 0 : i32
      %dma_wait3A_837 = tpu.memref_slice %arg22[%dma_wait3A_835, %dma_wait3A_836] : memref<10112x128xf32, #tpu.memory_space<vmem_shared>> -> memref<10112x128xf32, #tpu.memory_space<vmem_shared>>
      tpu.wait_indirect_dma semaphore(%arg31 : memref<!tpu.dma_semaphore, #tpu.memory_space<semaphore_mem>>) src(%arg20 : memref<128x128xf32, #tpu.memory_space<vmem>>) dst(%dma_wait3A_837 : memref<10112x128xf32, #tpu.memory_space<vmem_shared>>)
      %add3A_838 = arith.constant 1 : i32
      %add3A_839 = arith.addi %add3A_828, %add3A_838 : i32
      %mul3A_840 = arith.constant 128 : i32
      %mul3A_841 = arith.muli %add3A_839, %mul3A_840 : i32
      %add3A_842 = arith.addi %mul3A_2, %mul3A_841 : i32
      %dma_wait3A_843 = tpu.memref_slice %arg3[%add3A_842] : memref<320000xi32, #tpu.memory_space<hbm>> -> memref<128xi32, #tpu.memory_space<hbm>>
      %dma_wait3A_844 = tpu.memref_slice %arg3[%add3A_842] : memref<320000xi32, #tpu.memory_space<hbm>> -> memref<128xi32, #tpu.memory_space<hbm>>
      tpu.wait_dma2 semaphore(%arg25 : memref<!tpu.dma_semaphore, #tpu.memory_space<semaphore_mem>>) src(%dma_wait3A_844 : memref<128xi32, #tpu.memory_space<hbm>>) dst(%arg9 : memref<128xi32, #tpu.memory_space<vmem>>)
      %dma_wait3A_845 = tpu.memref_slice %arg4[%add3A_842] : memref<320000xi32, #tpu.memory_space<hbm>> -> memref<128xi32, #tpu.memory_space<hbm>>
      %dma_wait3A_846 = tpu.memref_slice %arg4[%add3A_842] : memref<320000xi32, #tpu.memory_space<hbm>> -> memref<128xi32, #tpu.memory_space<hbm>>
      tpu.wait_dma2 semaphore(%arg25 : memref<!tpu.dma_semaphore, #tpu.memory_space<semaphore_mem>>) src(%dma_wait3A_846 : memref<128xi32, #tpu.memory_space<hbm>>) dst(%arg13 : memref<128xi32, #tpu.memory_space<vmem>>)
      %dma_start3A_847 = arith.constant 0 : i32
      %dma_start3A_848 = arith.constant 0 : i32
      %dma_start3A_849 = tpu.memref_slice %arg2[%dma_start3A_847, %dma_start3A_848] : memref<10000x128xf32, #tpu.memory_space<hbm>> -> memref<10000x128xf32, #tpu.memory_space<hbm>>
      tpu.enqueue_indirect_dma source(%dma_start3A_849 : memref<10000x128xf32, #tpu.memory_space<hbm>>) target(%arg20 : memref<128x128xf32, #tpu.memory_space<vmem>>) offsets(%arg9 : memref<128xi32, #tpu.memory_space<vmem>>) semaphore(%arg29 : memref<!tpu.dma_semaphore, #tpu.memory_space<semaphore_mem>>)
      %add3A_850 = arith.constant 2 : i32
      %add3A_851 = arith.addi %add3A_828, %add3A_850 : i32
      %lt3A_852 = arith.constant 78 : i32
      %lt3A_853 = arith.cmpi slt, %add3A_851, %lt3A_852 : i32
      %convert_element_type3A_854 = arith.extui %lt3A_853 : i1 to i32
      %cond3A_855 = arith.constant 0 : i32
      %cond3A_856 = arith.cmpi ne, %convert_element_type3A_854, %cond3A_855 : i32
      scf.if %cond3A_856 {
        %add3A_1015 = arith.constant 2 : i32
        %add3A_1016 = arith.addi %add3A_828, %add3A_1015 : i32
        %mul3A_1017 = arith.constant 128 : i32
        %mul3A_1018 = arith.muli %add3A_1016, %mul3A_1017 : i32
        %add3A_1019 = arith.addi %mul3A_2, %mul3A_1018 : i32
        %dma_start3A_1020 = tpu.memref_slice %arg3[%add3A_1019] : memref<320000xi32, #tpu.memory_space<hbm>> -> memref<128xi32, #tpu.memory_space<hbm>>
        %dma_start3A_1021 = tpu.memref_slice %arg3[%add3A_1019] : memref<320000xi32, #tpu.memory_space<hbm>> -> memref<128xi32, #tpu.memory_space<hbm>>
        tpu.enqueue_dma source(%dma_start3A_1021 : memref<128xi32, #tpu.memory_space<hbm>>) target(%arg10 : memref<128xi32, #tpu.memory_space<vmem>>) target_semaphore(%arg26 : memref<!tpu.dma_semaphore, #tpu.memory_space<semaphore_mem>>)
        %dma_start3A_1022 = tpu.memref_slice %arg4[%add3A_1019] : memref<320000xi32, #tpu.memory_space<hbm>> -> memref<128xi32, #tpu.memory_space<hbm>>
        %dma_start3A_1023 = tpu.memref_slice %arg4[%add3A_1019] : memref<320000xi32, #tpu.memory_space<hbm>> -> memref<128xi32, #tpu.memory_space<hbm>>
        tpu.enqueue_dma source(%dma_start3A_1023 : memref<128xi32, #tpu.memory_space<hbm>>) target(%arg14 : memref<128xi32, #tpu.memory_space<vmem>>) target_semaphore(%arg26 : memref<!tpu.dma_semaphore, #tpu.memory_space<semaphore_mem>>)
      } else {
      }
      %get3A_857 = arith.constant 0 : index
      %get3A_858 = tpu.vector_load %arg12[%get3A_857] {strides = array<i32>} : memref<128xi32, #tpu.memory_space<vmem>>, vector<16xi32>,
      %shift_right_logical3A_859 = arith.constant 7 : i32
      %shift_right_logical3A_860 = vector.broadcast %shift_right_logical3A_859 : i32 to vector<16xi32>
      %shift_right_logical3A_861 = arith.shrui %get3A_858, %shift_right_logical3A_860 : vector<16xi32>
      %and3A_862 = arith.constant 127 : i32
      %and3A_863 = vector.broadcast %and3A_862 : i32 to vector<16xi32>
      %and3A_864 = arith.andi %get3A_858, %and3A_863 : vector<16xi32>
      tpu.vector_store_idx %arg21[%shift_right_logical3A_861, %and3A_864], %broadcast_in_dim3A_5 {add = true} : memref<80x128xf32, #tpu.memory_space<vmem>>[vector<16xi32>, vector<16xi32>], vector<16xf32>,
      %get3A_865 = arith.constant 16 : index
      %get3A_866 = tpu.vector_load %arg12[%get3A_865] {strides = array<i32>} : memref<128xi32, #tpu.memory_space<vmem>>, vector<16xi32>,
      %shift_right_logical3A_867 = arith.constant 7 : i32
      %shift_right_logical3A_868 = vector.broadcast %shift_right_logical3A_867 : i32 to vector<16xi32>
      %shift_right_logical3A_869 = arith.shrui %get3A_866, %shift_right_logical3A_868 : vector<16xi32>
      %and3A_870 = arith.constant 127 : i32
      %and3A_871 = vector.broadcast %and3A_870 : i32 to vector<16xi32>
      %and3A_872 = arith.andi %get3A_866, %and3A_871 : vector<16xi32>
      tpu.vector_store_idx %arg21[%shift_right_logical3A_869, %and3A_872], %broadcast_in_dim3A_5 {add = true} : memref<80x128xf32, #tpu.memory_space<vmem>>[vector<16xi32>, vector<16xi32>], vector<16xf32>,
      %get3A_873 = arith.constant 32 : index
      %get3A_874 = tpu.vector_load %arg12[%get3A_873] {strides = array<i32>} : memref<128xi32, #tpu.memory_space<vmem>>, vector<16xi32>,
      %shift_right_logical3A_875 = arith.constant 7 : i32
      %shift_right_logical3A_876 = vector.broadcast %shift_right_logical3A_875 : i32 to vector<16xi32>
      %shift_right_logical3A_877 = arith.shrui %get3A_874, %shift_right_logical3A_876 : vector<16xi32>
      %and3A_878 = arith.constant 127 : i32
      %and3A_879 = vector.broadcast %and3A_878 : i32 to vector<16xi32>
      %and3A_880 = arith.andi %get3A_874, %and3A_879 : vector<16xi32>
      tpu.vector_store_idx %arg21[%shift_right_logical3A_877, %and3A_880], %broadcast_in_dim3A_5 {add = true} : memref<80x128xf32, #tpu.memory_space<vmem>>[vector<16xi32>, vector<16xi32>], vector<16xf32>,
      %get3A_881 = arith.constant 48 : index
      %get3A_882 = tpu.vector_load %arg12[%get3A_881] {strides = array<i32>} : memref<128xi32, #tpu.memory_space<vmem>>, vector<16xi32>,
      %shift_right_logical3A_883 = arith.constant 7 : i32
      %shift_right_logical3A_884 = vector.broadcast %shift_right_logical3A_883 : i32 to vector<16xi32>
      %shift_right_logical3A_885 = arith.shrui %get3A_882, %shift_right_logical3A_884 : vector<16xi32>
      %and3A_886 = arith.constant 127 : i32
      %and3A_887 = vector.broadcast %and3A_886 : i32 to vector<16xi32>
      %and3A_888 = arith.andi %get3A_882, %and3A_887 : vector<16xi32>
      tpu.vector_store_idx %arg21[%shift_right_logical3A_885, %and3A_888], %broadcast_in_dim3A_5 {add = true} : memref<80x128xf32, #tpu.memory_space<vmem>>[vector<16xi32>, vector<16xi32>], vector<16xf32>,
      %get3A_889 = arith.constant 64 : index
      %get3A_890 = tpu.vector_load %arg12[%get3A_889] {strides = array<i32>} : memref<128xi32, #tpu.memory_space<vmem>>, vector<16xi32>,
      %shift_right_logical3A_891 = arith.constant 7 : i32
      %shift_right_logical3A_892 = vector.broadcast %shift_right_logical3A_891 : i32 to vector<16xi32>
      %shift_right_logical3A_893 = arith.shrui %get3A_890, %shift_right_logical3A_892 : vector<16xi32>
      %and3A_894 = arith.constant 127 : i32
      %and3A_895 = vector.broadcast %and3A_894 : i32 to vector<16xi32>
      %and3A_896 = arith.andi %get3A_890, %and3A_895 : vector<16xi32>
      tpu.vector_store_idx %arg21[%shift_right_logical3A_893, %and3A_896], %broadcast_in_dim3A_5 {add = true} : memref<80x128xf32, #tpu.memory_space<vmem>>[vector<16xi32>, vector<16xi32>], vector<16xf32>,
      %get3A_897 = arith.constant 80 : index
      %get3A_898 = tpu.vector_load %arg12[%get3A_897] {strides = array<i32>} : memref<128xi32, #tpu.memory_space<vmem>>, vector<16xi32>,
      %shift_right_logical3A_899 = arith.constant 7 : i32
      %shift_right_logical3A_900 = vector.broadcast %shift_right_logical3A_899 : i32 to vector<16xi32>
      %shift_right_logical3A_901 = arith.shrui %get3A_898, %shift_right_logical3A_900 : vector<16xi32>
      %and3A_902 = arith.constant 127 : i32
      %and3A_903 = vector.broadcast %and3A_902 : i32 to vector<16xi32>
      %and3A_904 = arith.andi %get3A_898, %and3A_903 : vector<16xi32>
      tpu.vector_store_idx %arg21[%shift_right_logical3A_901, %and3A_904], %broadcast_in_dim3A_5 {add = true} : memref<80x128xf32, #tpu.memory_space<vmem>>[vector<16xi32>, vector<16xi32>], vector<16xf32>,
      %get3A_905 = arith.constant 96 : index
      %get3A_906 = tpu.vector_load %arg12[%get3A_905] {strides = array<i32>} : memref<128xi32, #tpu.memory_space<vmem>>, vector<16xi32>,
      %shift_right_logical3A_907 = arith.constant 7 : i32
      %shift_right_logical3A_908 = vector.broadcast %shift_right_logical3A_907 : i32 to vector<16xi32>
      %shift_right_logical3A_909 = arith.shrui %get3A_906, %shift_right_logical3A_908 : vector<16xi32>
      %and3A_910 = arith.constant 127 : i32
      %and3A_911 = vector.broadcast %and3A_910 : i32 to vector<16xi32>
      %and3A_912 = arith.andi %get3A_906, %and3A_911 : vector<16xi32>
      tpu.vector_store_idx %arg21[%shift_right_logical3A_909, %and3A_912], %broadcast_in_dim3A_5 {add = true} : memref<80x128xf32, #tpu.memory_space<vmem>>[vector<16xi32>, vector<16xi32>], vector<16xf32>,
      %get3A_913 = arith.constant 112 : index
      %get3A_914 = tpu.vector_load %arg12[%get3A_913] {strides = array<i32>} : memref<128xi32, #tpu.memory_space<vmem>>, vector<16xi32>,
      %shift_right_logical3A_915 = arith.constant 7 : i32
      %shift_right_logical3A_916 = vector.broadcast %shift_right_logical3A_915 : i32 to vector<16xi32>
      %shift_right_logical3A_917 = arith.shrui %get3A_914, %shift_right_logical3A_916 : vector<16xi32>
      %and3A_918 = arith.constant 127 : i32
      %and3A_919 = vector.broadcast %and3A_918 : i32 to vector<16xi32>
      %and3A_920 = arith.andi %get3A_914, %and3A_919 : vector<16xi32>
      tpu.vector_store_idx %arg21[%shift_right_logical3A_917, %and3A_920], %broadcast_in_dim3A_5 {add = true} : memref<80x128xf32, #tpu.memory_space<vmem>>[vector<16xi32>, vector<16xi32>], vector<16xf32>,
      %add3A_921 = arith.constant 3 : i32
      %add3A_922 = arith.addi %add3A_638, %add3A_921 : i32
      %dma_wait3A_923 = arith.constant 0 : i32
      %dma_wait3A_924 = arith.constant 0 : i32
      %dma_wait3A_925 = tpu.memref_slice %arg2[%dma_wait3A_923, %dma_wait3A_924] : memref<10000x128xf32, #tpu.memory_space<hbm>> -> memref<10000x128xf32, #tpu.memory_space<hbm>>
      tpu.wait_indirect_dma semaphore(%arg29 : memref<!tpu.dma_semaphore, #tpu.memory_space<semaphore_mem>>) src(%dma_wait3A_925 : memref<10000x128xf32, #tpu.memory_space<hbm>>) dst(%arg20 : memref<128x128xf32, #tpu.memory_space<vmem>>)
      %dma_start3A_926 = arith.constant 0 : i32
      %dma_start3A_927 = arith.constant 0 : i32
      %dma_start3A_928 = tpu.memref_slice %arg22[%dma_start3A_926, %dma_start3A_927] : memref<10112x128xf32, #tpu.memory_space<vmem_shared>> -> memref<10112x128xf32, #tpu.memory_space<vmem_shared>>
      tpu.enqueue_indirect_dma source(%arg20 : memref<128x128xf32, #tpu.memory_space<vmem>>) target(%dma_start3A_928 : memref<10112x128xf32, #tpu.memory_space<vmem_shared>>) offsets(%arg13 : memref<128xi32, #tpu.memory_space<vmem>>) semaphore(%arg31 : memref<!tpu.dma_semaphore, #tpu.memory_space<semaphore_mem>>) {add = true}
      %dma_wait3A_929 = arith.constant 0 : i32
      %dma_wait3A_930 = arith.constant 0 : i32
      %dma_wait3A_931 = tpu.memref_slice %arg22[%dma_wait3A_929, %dma_wait3A_930] : memref<10112x128xf32, #tpu.memory_space<vmem_shared>> -> memref<10112x128xf32, #tpu.memory_space<vmem_shared>>
      tpu.wait_indirect_dma semaphore(%arg30 : memref<!tpu.dma_semaphore, #tpu.memory_space<semaphore_mem>>) src(%arg19 : memref<128x128xf32, #tpu.memory_space<vmem>>) dst(%dma_wait3A_931 : memref<10112x128xf32, #tpu.memory_space<vmem_shared>>)
      %add3A_932 = arith.constant 1 : i32
      %add3A_933 = arith.addi %add3A_922, %add3A_932 : i32
      %mul3A_934 = arith.constant 128 : i32
      %mul3A_935 = arith.muli %add3A_933, %mul3A_934 : i32
      %add3A_936 = arith.addi %mul3A_2, %mul3A_935 : i32
      %dma_wait3A_937 = tpu.memref_slice %arg3[%add3A_936] : memref<320000xi32, #tpu.memory_space<hbm>> -> memref<128xi32, #tpu.memory_space<hbm>>
      %dma_wait3A_938 = tpu.memref_slice %arg3[%add3A_936] : memref<320000xi32, #tpu.memory_space<hbm>> -> memref<128xi32, #tpu.memory_space<hbm>>
      tpu.wait_dma2 semaphore(%arg26 : memref<!tpu.dma_semaphore, #tpu.memory_space<semaphore_mem>>) src(%dma_wait3A_938 : memref<128xi32, #tpu.memory_space<hbm>>) dst(%arg10 : memref<128xi32, #tpu.memory_space<vmem>>)
      %dma_wait3A_939 = tpu.memref_slice %arg4[%add3A_936] : memref<320000xi32, #tpu.memory_space<hbm>> -> memref<128xi32, #tpu.memory_space<hbm>>
      %dma_wait3A_940 = tpu.memref_slice %arg4[%add3A_936] : memref<320000xi32, #tpu.memory_space<hbm>> -> memref<128xi32, #tpu.memory_space<hbm>>
      tpu.wait_dma2 semaphore(%arg26 : memref<!tpu.dma_semaphore, #tpu.memory_space<semaphore_mem>>) src(%dma_wait3A_940 : memref<128xi32, #tpu.memory_space<hbm>>) dst(%arg14 : memref<128xi32, #tpu.memory_space<vmem>>)
      %dma_start3A_941 = arith.constant 0 : i32
      %dma_start3A_942 = arith.constant 0 : i32
      %dma_start3A_943 = tpu.memref_slice %arg2[%dma_start3A_941, %dma_start3A_942] : memref<10000x128xf32, #tpu.memory_space<hbm>> -> memref<10000x128xf32, #tpu.memory_space<hbm>>
      tpu.enqueue_indirect_dma source(%dma_start3A_943 : memref<10000x128xf32, #tpu.memory_space<hbm>>) target(%arg19 : memref<128x128xf32, #tpu.memory_space<vmem>>) offsets(%arg10 : memref<128xi32, #tpu.memory_space<vmem>>) semaphore(%arg28 : memref<!tpu.dma_semaphore, #tpu.memory_space<semaphore_mem>>)
      %add3A_944 = arith.constant 2 : i32
      %add3A_945 = arith.addi %add3A_922, %add3A_944 : i32
      %lt3A_946 = arith.constant 78 : i32
      %lt3A_947 = arith.cmpi slt, %add3A_945, %lt3A_946 : i32
      %convert_element_type3A_948 = arith.extui %lt3A_947 : i1 to i32
      %cond3A_949 = arith.constant 0 : i32
      %cond3A_950 = arith.cmpi ne, %convert_element_type3A_948, %cond3A_949 : i32
      scf.if %cond3A_950 {
        %add3A_1015 = arith.constant 2 : i32
        %add3A_1016 = arith.addi %add3A_922, %add3A_1015 : i32
        %mul3A_1017 = arith.constant 128 : i32
        %mul3A_1018 = arith.muli %add3A_1016, %mul3A_1017 : i32
        %add3A_1019 = arith.addi %mul3A_2, %mul3A_1018 : i32
        %dma_start3A_1020 = tpu.memref_slice %arg3[%add3A_1019] : memref<320000xi32, #tpu.memory_space<hbm>> -> memref<128xi32, #tpu.memory_space<hbm>>
        %dma_start3A_1021 = tpu.memref_slice %arg3[%add3A_1019] : memref<320000xi32, #tpu.memory_space<hbm>> -> memref<128xi32, #tpu.memory_space<hbm>>
        tpu.enqueue_dma source(%dma_start3A_1021 : memref<128xi32, #tpu.memory_space<hbm>>) target(%arg11 : memref<128xi32, #tpu.memory_space<vmem>>) target_semaphore(%arg27 : memref<!tpu.dma_semaphore, #tpu.memory_space<semaphore_mem>>)
        %dma_start3A_1022 = tpu.memref_slice %arg4[%add3A_1019] : memref<320000xi32, #tpu.memory_space<hbm>> -> memref<128xi32, #tpu.memory_space<hbm>>
        %dma_start3A_1023 = tpu.memref_slice %arg4[%add3A_1019] : memref<320000xi32, #tpu.memory_space<hbm>> -> memref<128xi32, #tpu.memory_space<hbm>>
        tpu.enqueue_dma source(%dma_start3A_1023 : memref<128xi32, #tpu.memory_space<hbm>>) target(%arg15 : memref<128xi32, #tpu.memory_space<vmem>>) target_semaphore(%arg27 : memref<!tpu.dma_semaphore, #tpu.memory_space<semaphore_mem>>)
      } else {
      }
      %get3A_951 = arith.constant 0 : index
      %get3A_952 = tpu.vector_load %arg13[%get3A_951] {strides = array<i32>} : memref<128xi32, #tpu.memory_space<vmem>>, vector<16xi32>,
      %shift_right_logical3A_953 = arith.constant 7 : i32
      %shift_right_logical3A_954 = vector.broadcast %shift_right_logical3A_953 : i32 to vector<16xi32>
      %shift_right_logical3A_955 = arith.shrui %get3A_952, %shift_right_logical3A_954 : vector<16xi32>
      %and3A_956 = arith.constant 127 : i32
      %and3A_957 = vector.broadcast %and3A_956 : i32 to vector<16xi32>
      %and3A_958 = arith.andi %get3A_952, %and3A_957 : vector<16xi32>
      tpu.vector_store_idx %arg21[%shift_right_logical3A_955, %and3A_958], %broadcast_in_dim3A_5 {add = true} : memref<80x128xf32, #tpu.memory_space<vmem>>[vector<16xi32>, vector<16xi32>], vector<16xf32>,
      %get3A_959 = arith.constant 16 : index
      %get3A_960 = tpu.vector_load %arg13[%get3A_959] {strides = array<i32>} : memref<128xi32, #tpu.memory_space<vmem>>, vector<16xi32>,
      %shift_right_logical3A_961 = arith.constant 7 : i32
      %shift_right_logical3A_962 = vector.broadcast %shift_right_logical3A_961 : i32 to vector<16xi32>
      %shift_right_logical3A_963 = arith.shrui %get3A_960, %shift_right_logical3A_962 : vector<16xi32>
      %and3A_964 = arith.constant 127 : i32
      %and3A_965 = vector.broadcast %and3A_964 : i32 to vector<16xi32>
      %and3A_966 = arith.andi %get3A_960, %and3A_965 : vector<16xi32>
      tpu.vector_store_idx %arg21[%shift_right_logical3A_963, %and3A_966], %broadcast_in_dim3A_5 {add = true} : memref<80x128xf32, #tpu.memory_space<vmem>>[vector<16xi32>, vector<16xi32>], vector<16xf32>,
      %get3A_967 = arith.constant 32 : index
      %get3A_968 = tpu.vector_load %arg13[%get3A_967] {strides = array<i32>} : memref<128xi32, #tpu.memory_space<vmem>>, vector<16xi32>,
      %shift_right_logical3A_969 = arith.constant 7 : i32
      %shift_right_logical3A_970 = vector.broadcast %shift_right_logical3A_969 : i32 to vector<16xi32>
      %shift_right_logical3A_971 = arith.shrui %get3A_968, %shift_right_logical3A_970 : vector<16xi32>
      %and3A_972 = arith.constant 127 : i32
      %and3A_973 = vector.broadcast %and3A_972 : i32 to vector<16xi32>
      %and3A_974 = arith.andi %get3A_968, %and3A_973 : vector<16xi32>
      tpu.vector_store_idx %arg21[%shift_right_logical3A_971, %and3A_974], %broadcast_in_dim3A_5 {add = true} : memref<80x128xf32, #tpu.memory_space<vmem>>[vector<16xi32>, vector<16xi32>], vector<16xf32>,
      %get3A_975 = arith.constant 48 : index
      %get3A_976 = tpu.vector_load %arg13[%get3A_975] {strides = array<i32>} : memref<128xi32, #tpu.memory_space<vmem>>, vector<16xi32>,
      %shift_right_logical3A_977 = arith.constant 7 : i32
      %shift_right_logical3A_978 = vector.broadcast %shift_right_logical3A_977 : i32 to vector<16xi32>
      %shift_right_logical3A_979 = arith.shrui %get3A_976, %shift_right_logical3A_978 : vector<16xi32>
      %and3A_980 = arith.constant 127 : i32
      %and3A_981 = vector.broadcast %and3A_980 : i32 to vector<16xi32>
      %and3A_982 = arith.andi %get3A_976, %and3A_981 : vector<16xi32>
      tpu.vector_store_idx %arg21[%shift_right_logical3A_979, %and3A_982], %broadcast_in_dim3A_5 {add = true} : memref<80x128xf32, #tpu.memory_space<vmem>>[vector<16xi32>, vector<16xi32>], vector<16xf32>,
      %get3A_983 = arith.constant 64 : index
      %get3A_984 = tpu.vector_load %arg13[%get3A_983] {strides = array<i32>} : memref<128xi32, #tpu.memory_space<vmem>>, vector<16xi32>,
      %shift_right_logical3A_985 = arith.constant 7 : i32
      %shift_right_logical3A_986 = vector.broadcast %shift_right_logical3A_985 : i32 to vector<16xi32>
      %shift_right_logical3A_987 = arith.shrui %get3A_984, %shift_right_logical3A_986 : vector<16xi32>
      %and3A_988 = arith.constant 127 : i32
      %and3A_989 = vector.broadcast %and3A_988 : i32 to vector<16xi32>
      %and3A_990 = arith.andi %get3A_984, %and3A_989 : vector<16xi32>
      tpu.vector_store_idx %arg21[%shift_right_logical3A_987, %and3A_990], %broadcast_in_dim3A_5 {add = true} : memref<80x128xf32, #tpu.memory_space<vmem>>[vector<16xi32>, vector<16xi32>], vector<16xf32>,
      %get3A_991 = arith.constant 80 : index
      %get3A_992 = tpu.vector_load %arg13[%get3A_991] {strides = array<i32>} : memref<128xi32, #tpu.memory_space<vmem>>, vector<16xi32>,
      %shift_right_logical3A_993 = arith.constant 7 : i32
      %shift_right_logical3A_994 = vector.broadcast %shift_right_logical3A_993 : i32 to vector<16xi32>
      %shift_right_logical3A_995 = arith.shrui %get3A_992, %shift_right_logical3A_994 : vector<16xi32>
      %and3A_996 = arith.constant 127 : i32
      %and3A_997 = vector.broadcast %and3A_996 : i32 to vector<16xi32>
      %and3A_998 = arith.andi %get3A_992, %and3A_997 : vector<16xi32>
      tpu.vector_store_idx %arg21[%shift_right_logical3A_995, %and3A_998], %broadcast_in_dim3A_5 {add = true} : memref<80x128xf32, #tpu.memory_space<vmem>>[vector<16xi32>, vector<16xi32>], vector<16xf32>,
      %get3A_999 = arith.constant 96 : index
      %get3A_1000 = tpu.vector_load %arg13[%get3A_999] {strides = array<i32>} : memref<128xi32, #tpu.memory_space<vmem>>, vector<16xi32>,
      %shift_right_logical3A_1001 = arith.constant 7 : i32
      %shift_right_logical3A_1002 = vector.broadcast %shift_right_logical3A_1001 : i32 to vector<16xi32>
      %shift_right_logical3A_1003 = arith.shrui %get3A_1000, %shift_right_logical3A_1002 : vector<16xi32>
      %and3A_1004 = arith.constant 127 : i32
      %and3A_1005 = vector.broadcast %and3A_1004 : i32 to vector<16xi32>
      %and3A_1006 = arith.andi %get3A_1000, %and3A_1005 : vector<16xi32>
      tpu.vector_store_idx %arg21[%shift_right_logical3A_1003, %and3A_1006], %broadcast_in_dim3A_5 {add = true} : memref<80x128xf32, #tpu.memory_space<vmem>>[vector<16xi32>, vector<16xi32>], vector<16xf32>,
      %get3A_1007 = arith.constant 112 : index
      %get3A_1008 = tpu.vector_load %arg13[%get3A_1007] {strides = array<i32>} : memref<128xi32, #tpu.memory_space<vmem>>, vector<16xi32>,
      %shift_right_logical3A_1009 = arith.constant 7 : i32
      %shift_right_logical3A_1010 = vector.broadcast %shift_right_logical3A_1009 : i32 to vector<16xi32>
      %shift_right_logical3A_1011 = arith.shrui %get3A_1008, %shift_right_logical3A_1010 : vector<16xi32>
      %and3A_1012 = arith.constant 127 : i32
      %and3A_1013 = vector.broadcast %and3A_1012 : i32 to vector<16xi32>
      %and3A_1014 = arith.andi %get3A_1008, %and3A_1013 : vector<16xi32>
      tpu.vector_store_idx %arg21[%shift_right_logical3A_1011, %and3A_1014], %broadcast_in_dim3A_5 {add = true} : memref<80x128xf32, #tpu.memory_space<vmem>>[vector<16xi32>, vector<16xi32>], vector<16xf32>,
    }
    %scan3A_249 = arith.constant 18 : i32
    %dma_wait3A_250 = arith.constant 0 : i32
    %dma_wait3A_251 = arith.constant 0 : i32
    %dma_wait3A_252 = tpu.memref_slice %arg2[%dma_wait3A_250, %dma_wait3A_251] : memref<10000x128xf32, #tpu.memory_space<hbm>> -> memref<10000x128xf32, #tpu.memory_space<hbm>>
    tpu.wait_indirect_dma semaphore(%arg28 : memref<!tpu.dma_semaphore, #tpu.memory_space<semaphore_mem>>) src(%dma_wait3A_252 : memref<10000x128xf32, #tpu.memory_space<hbm>>) dst(%arg19 : memref<128x128xf32, #tpu.memory_space<vmem>>)
    %dma_start3A_253 = arith.constant 0 : i32
    %dma_start3A_254 = arith.constant 0 : i32
    %dma_start3A_255 = tpu.memref_slice %arg22[%dma_start3A_253, %dma_start3A_254] : memref<10112x128xf32, #tpu.memory_space<vmem_shared>> -> memref<10112x128xf32, #tpu.memory_space<vmem_shared>>
    tpu.enqueue_indirect_dma source(%arg19 : memref<128x128xf32, #tpu.memory_space<vmem>>) target(%dma_start3A_255 : memref<10112x128xf32, #tpu.memory_space<vmem_shared>>) offsets(%arg14 : memref<128xi32, #tpu.memory_space<vmem>>) semaphore(%arg30 : memref<!tpu.dma_semaphore, #tpu.memory_space<semaphore_mem>>) {add = true}
    %dma_wait3A_256 = arith.constant 0 : i32
    %dma_wait3A_257 = arith.constant 0 : i32
    %dma_wait3A_258 = tpu.memref_slice %arg22[%dma_wait3A_256, %dma_wait3A_257] : memref<10112x128xf32, #tpu.memory_space<vmem_shared>> -> memref<10112x128xf32, #tpu.memory_space<vmem_shared>>
    tpu.wait_indirect_dma semaphore(%arg31 : memref<!tpu.dma_semaphore, #tpu.memory_space<semaphore_mem>>) src(%arg20 : memref<128x128xf32, #tpu.memory_space<vmem>>) dst(%dma_wait3A_258 : memref<10112x128xf32, #tpu.memory_space<vmem_shared>>)
    %add3A_259 = arith.constant 9600 : i32
    %add3A_260 = arith.addi %mul3A_2, %add3A_259 : i32
    %dma_wait3A_261 = tpu.memref_slice %arg3[%add3A_260] : memref<320000xi32, #tpu.memory_space<hbm>> -> memref<128xi32, #tpu.memory_space<hbm>>
    %dma_wait3A_262 = tpu.memref_slice %arg3[%add3A_260] : memref<320000xi32, #tpu.memory_space<hbm>> -> memref<128xi32, #tpu.memory_space<hbm>>
    tpu.wait_dma2 semaphore(%arg27 : memref<!tpu.dma_semaphore, #tpu.memory_space<semaphore_mem>>) src(%dma_wait3A_262 : memref<128xi32, #tpu.memory_space<hbm>>) dst(%arg11 : memref<128xi32, #tpu.memory_space<vmem>>)
    %dma_wait3A_263 = tpu.memref_slice %arg4[%add3A_260] : memref<320000xi32, #tpu.memory_space<hbm>> -> memref<128xi32, #tpu.memory_space<hbm>>
    %dma_wait3A_264 = tpu.memref_slice %arg4[%add3A_260] : memref<320000xi32, #tpu.memory_space<hbm>> -> memref<128xi32, #tpu.memory_space<hbm>>
    tpu.wait_dma2 semaphore(%arg27 : memref<!tpu.dma_semaphore, #tpu.memory_space<semaphore_mem>>) src(%dma_wait3A_264 : memref<128xi32, #tpu.memory_space<hbm>>) dst(%arg15 : memref<128xi32, #tpu.memory_space<vmem>>)
    %dma_start3A_265 = arith.constant 0 : i32
    %dma_start3A_266 = arith.constant 0 : i32
    %dma_start3A_267 = tpu.memref_slice %arg2[%dma_start3A_265, %dma_start3A_266] : memref<10000x128xf32, #tpu.memory_space<hbm>> -> memref<10000x128xf32, #tpu.memory_space<hbm>>
    tpu.enqueue_indirect_dma source(%dma_start3A_267 : memref<10000x128xf32, #tpu.memory_space<hbm>>) target(%arg20 : memref<128x128xf32, #tpu.memory_space<vmem>>) offsets(%arg11 : memref<128xi32, #tpu.memory_space<vmem>>) semaphore(%arg29 : memref<!tpu.dma_semaphore, #tpu.memory_space<semaphore_mem>>)
    %add3A_268 = arith.constant 9728 : i32
    %add3A_269 = arith.addi %mul3A_2, %add3A_268 : i32
    %dma_start3A_270 = tpu.memref_slice %arg3[%add3A_269] : memref<320000xi32, #tpu.memory_space<hbm>> -> memref<128xi32, #tpu.memory_space<hbm>>
    %dma_start3A_271 = tpu.memref_slice %arg3[%add3A_269] : memref<320000xi32, #tpu.memory_space<hbm>> -> memref<128xi32, #tpu.memory_space<hbm>>
    tpu.enqueue_dma source(%dma_start3A_271 : memref<128xi32, #tpu.memory_space<hbm>>) target(%arg8 : memref<128xi32, #tpu.memory_space<vmem>>) target_semaphore(%arg24 : memref<!tpu.dma_semaphore, #tpu.memory_space<semaphore_mem>>)
    %dma_start3A_272 = tpu.memref_slice %arg4[%add3A_269] : memref<320000xi32, #tpu.memory_space<hbm>> -> memref<128xi32, #tpu.memory_space<hbm>>
    %dma_start3A_273 = tpu.memref_slice %arg4[%add3A_269] : memref<320000xi32, #tpu.memory_space<hbm>> -> memref<128xi32, #tpu.memory_space<hbm>>
    tpu.enqueue_dma source(%dma_start3A_273 : memref<128xi32, #tpu.memory_space<hbm>>) target(%arg12 : memref<128xi32, #tpu.memory_space<vmem>>) target_semaphore(%arg24 : memref<!tpu.dma_semaphore, #tpu.memory_space<semaphore_mem>>)
    %get3A_274 = arith.constant 0 : index
    %get3A_275 = tpu.vector_load %arg14[%get3A_274] {strides = array<i32>} : memref<128xi32, #tpu.memory_space<vmem>>, vector<16xi32>,
    %shift_right_logical3A_276 = arith.constant 7 : i32
    %shift_right_logical3A_277 = vector.broadcast %shift_right_logical3A_276 : i32 to vector<16xi32>
    %shift_right_logical3A_278 = arith.shrui %get3A_275, %shift_right_logical3A_277 : vector<16xi32>
    %and3A_279 = arith.constant 127 : i32
    %and3A_280 = vector.broadcast %and3A_279 : i32 to vector<16xi32>
    %and3A_281 = arith.andi %get3A_275, %and3A_280 : vector<16xi32>
    tpu.vector_store_idx %arg21[%shift_right_logical3A_278, %and3A_281], %broadcast_in_dim3A_5 {add = true} : memref<80x128xf32, #tpu.memory_space<vmem>>[vector<16xi32>, vector<16xi32>], vector<16xf32>,
    %get3A_282 = arith.constant 16 : index
    %get3A_283 = tpu.vector_load %arg14[%get3A_282] {strides = array<i32>} : memref<128xi32, #tpu.memory_space<vmem>>, vector<16xi32>,
    %shift_right_logical3A_284 = arith.constant 7 : i32
    %shift_right_logical3A_285 = vector.broadcast %shift_right_logical3A_284 : i32 to vector<16xi32>
    %shift_right_logical3A_286 = arith.shrui %get3A_283, %shift_right_logical3A_285 : vector<16xi32>
    %and3A_287 = arith.constant 127 : i32
    %and3A_288 = vector.broadcast %and3A_287 : i32 to vector<16xi32>
    %and3A_289 = arith.andi %get3A_283, %and3A_288 : vector<16xi32>
    tpu.vector_store_idx %arg21[%shift_right_logical3A_286, %and3A_289], %broadcast_in_dim3A_5 {add = true} : memref<80x128xf32, #tpu.memory_space<vmem>>[vector<16xi32>, vector<16xi32>], vector<16xf32>,
    %get3A_290 = arith.constant 32 : index
    %get3A_291 = tpu.vector_load %arg14[%get3A_290] {strides = array<i32>} : memref<128xi32, #tpu.memory_space<vmem>>, vector<16xi32>,
    %shift_right_logical3A_292 = arith.constant 7 : i32
    %shift_right_logical3A_293 = vector.broadcast %shift_right_logical3A_292 : i32 to vector<16xi32>
    %shift_right_logical3A_294 = arith.shrui %get3A_291, %shift_right_logical3A_293 : vector<16xi32>
    %and3A_295 = arith.constant 127 : i32
    %and3A_296 = vector.broadcast %and3A_295 : i32 to vector<16xi32>
    %and3A_297 = arith.andi %get3A_291, %and3A_296 : vector<16xi32>
    tpu.vector_store_idx %arg21[%shift_right_logical3A_294, %and3A_297], %broadcast_in_dim3A_5 {add = true} : memref<80x128xf32, #tpu.memory_space<vmem>>[vector<16xi32>, vector<16xi32>], vector<16xf32>,
    %get3A_298 = arith.constant 48 : index
    %get3A_299 = tpu.vector_load %arg14[%get3A_298] {strides = array<i32>} : memref<128xi32, #tpu.memory_space<vmem>>, vector<16xi32>,
    %shift_right_logical3A_300 = arith.constant 7 : i32
    %shift_right_logical3A_301 = vector.broadcast %shift_right_logical3A_300 : i32 to vector<16xi32>
    %shift_right_logical3A_302 = arith.shrui %get3A_299, %shift_right_logical3A_301 : vector<16xi32>
    %and3A_303 = arith.constant 127 : i32
    %and3A_304 = vector.broadcast %and3A_303 : i32 to vector<16xi32>
    %and3A_305 = arith.andi %get3A_299, %and3A_304 : vector<16xi32>
    tpu.vector_store_idx %arg21[%shift_right_logical3A_302, %and3A_305], %broadcast_in_dim3A_5 {add = true} : memref<80x128xf32, #tpu.memory_space<vmem>>[vector<16xi32>, vector<16xi32>], vector<16xf32>,
    %get3A_306 = arith.constant 64 : index
    %get3A_307 = tpu.vector_load %arg14[%get3A_306] {strides = array<i32>} : memref<128xi32, #tpu.memory_space<vmem>>, vector<16xi32>,
    %shift_right_logical3A_308 = arith.constant 7 : i32
    %shift_right_logical3A_309 = vector.broadcast %shift_right_logical3A_308 : i32 to vector<16xi32>
    %shift_right_logical3A_310 = arith.shrui %get3A_307, %shift_right_logical3A_309 : vector<16xi32>
    %and3A_311 = arith.constant 127 : i32
    %and3A_312 = vector.broadcast %and3A_311 : i32 to vector<16xi32>
    %and3A_313 = arith.andi %get3A_307, %and3A_312 : vector<16xi32>
    tpu.vector_store_idx %arg21[%shift_right_logical3A_310, %and3A_313], %broadcast_in_dim3A_5 {add = true} : memref<80x128xf32, #tpu.memory_space<vmem>>[vector<16xi32>, vector<16xi32>], vector<16xf32>,
    %get3A_314 = arith.constant 80 : index
    %get3A_315 = tpu.vector_load %arg14[%get3A_314] {strides = array<i32>} : memref<128xi32, #tpu.memory_space<vmem>>, vector<16xi32>,
    %shift_right_logical3A_316 = arith.constant 7 : i32
    %shift_right_logical3A_317 = vector.broadcast %shift_right_logical3A_316 : i32 to vector<16xi32>
    %shift_right_logical3A_318 = arith.shrui %get3A_315, %shift_right_logical3A_317 : vector<16xi32>
    %and3A_319 = arith.constant 127 : i32
    %and3A_320 = vector.broadcast %and3A_319 : i32 to vector<16xi32>
    %and3A_321 = arith.andi %get3A_315, %and3A_320 : vector<16xi32>
    tpu.vector_store_idx %arg21[%shift_right_logical3A_318, %and3A_321], %broadcast_in_dim3A_5 {add = true} : memref<80x128xf32, #tpu.memory_space<vmem>>[vector<16xi32>, vector<16xi32>], vector<16xf32>,
    %get3A_322 = arith.constant 96 : index
    %get3A_323 = tpu.vector_load %arg14[%get3A_322] {strides = array<i32>} : memref<128xi32, #tpu.memory_space<vmem>>, vector<16xi32>,
    %shift_right_logical3A_324 = arith.constant 7 : i32
    %shift_right_logical3A_325 = vector.broadcast %shift_right_logical3A_324 : i32 to vector<16xi32>
    %shift_right_logical3A_326 = arith.shrui %get3A_323, %shift_right_logical3A_325 : vector<16xi32>
    %and3A_327 = arith.constant 127 : i32
    %and3A_328 = vector.broadcast %and3A_327 : i32 to vector<16xi32>
    %and3A_329 = arith.andi %get3A_323, %and3A_328 : vector<16xi32>
    tpu.vector_store_idx %arg21[%shift_right_logical3A_326, %and3A_329], %broadcast_in_dim3A_5 {add = true} : memref<80x128xf32, #tpu.memory_space<vmem>>[vector<16xi32>, vector<16xi32>], vector<16xf32>,
    %get3A_330 = arith.constant 112 : index
    %get3A_331 = tpu.vector_load %arg14[%get3A_330] {strides = array<i32>} : memref<128xi32, #tpu.memory_space<vmem>>, vector<16xi32>,
    %shift_right_logical3A_332 = arith.constant 7 : i32
    %shift_right_logical3A_333 = vector.broadcast %shift_right_logical3A_332 : i32 to vector<16xi32>
    %shift_right_logical3A_334 = arith.shrui %get3A_331, %shift_right_logical3A_333 : vector<16xi32>
    %and3A_335 = arith.constant 127 : i32
    %and3A_336 = vector.broadcast %and3A_335 : i32 to vector<16xi32>
    %and3A_337 = arith.andi %get3A_331, %and3A_336 : vector<16xi32>
    tpu.vector_store_idx %arg21[%shift_right_logical3A_334, %and3A_337], %broadcast_in_dim3A_5 {add = true} : memref<80x128xf32, #tpu.memory_space<vmem>>[vector<16xi32>, vector<16xi32>], vector<16xf32>,
    %dma_wait3A_338 = arith.constant 0 : i32
    %dma_wait3A_339 = arith.constant 0 : i32
    %dma_wait3A_340 = tpu.memref_slice %arg2[%dma_wait3A_338, %dma_wait3A_339] : memref<10000x128xf32, #tpu.memory_space<hbm>> -> memref<10000x128xf32, #tpu.memory_space<hbm>>
    tpu.wait_indirect_dma semaphore(%arg29 : memref<!tpu.dma_semaphore, #tpu.memory_space<semaphore_mem>>) src(%dma_wait3A_340 : memref<10000x128xf32, #tpu.memory_space<hbm>>) dst(%arg20 : memref<128x128xf32, #tpu.memory_space<vmem>>)
    %dma_start3A_341 = arith.constant 0 : i32
    %dma_start3A_342 = arith.constant 0 : i32
    %dma_start3A_343 = tpu.memref_slice %arg22[%dma_start3A_341, %dma_start3A_342] : memref<10112x128xf32, #tpu.memory_space<vmem_shared>> -> memref<10112x128xf32, #tpu.memory_space<vmem_shared>>
    tpu.enqueue_indirect_dma source(%arg20 : memref<128x128xf32, #tpu.memory_space<vmem>>) target(%dma_start3A_343 : memref<10112x128xf32, #tpu.memory_space<vmem_shared>>) offsets(%arg15 : memref<128xi32, #tpu.memory_space<vmem>>) semaphore(%arg31 : memref<!tpu.dma_semaphore, #tpu.memory_space<semaphore_mem>>) {add = true}
    %dma_wait3A_344 = arith.constant 0 : i32
    %dma_wait3A_345 = arith.constant 0 : i32
    %dma_wait3A_346 = tpu.memref_slice %arg22[%dma_wait3A_344, %dma_wait3A_345] : memref<10112x128xf32, #tpu.memory_space<vmem_shared>> -> memref<10112x128xf32, #tpu.memory_space<vmem_shared>>
    tpu.wait_indirect_dma semaphore(%arg30 : memref<!tpu.dma_semaphore, #tpu.memory_space<semaphore_mem>>) src(%arg19 : memref<128x128xf32, #tpu.memory_space<vmem>>) dst(%dma_wait3A_346 : memref<10112x128xf32, #tpu.memory_space<vmem_shared>>)
    %add3A_347 = arith.constant 9728 : i32
    %add3A_348 = arith.addi %mul3A_2, %add3A_347 : i32
    %dma_wait3A_349 = tpu.memref_slice %arg3[%add3A_348] : memref<320000xi32, #tpu.memory_space<hbm>> -> memref<128xi32, #tpu.memory_space<hbm>>
    %dma_wait3A_350 = tpu.memref_slice %arg3[%add3A_348] : memref<320000xi32, #tpu.memory_space<hbm>> -> memref<128xi32, #tpu.memory_space<hbm>>
    tpu.wait_dma2 semaphore(%arg24 : memref<!tpu.dma_semaphore, #tpu.memory_space<semaphore_mem>>) src(%dma_wait3A_350 : memref<128xi32, #tpu.memory_space<hbm>>) dst(%arg8 : memref<128xi32, #tpu.memory_space<vmem>>)
    %dma_wait3A_351 = tpu.memref_slice %arg4[%add3A_348] : memref<320000xi32, #tpu.memory_space<hbm>> -> memref<128xi32, #tpu.memory_space<hbm>>
    %dma_wait3A_352 = tpu.memref_slice %arg4[%add3A_348] : memref<320000xi32, #tpu.memory_space<hbm>> -> memref<128xi32, #tpu.memory_space<hbm>>
    tpu.wait_dma2 semaphore(%arg24 : memref<!tpu.dma_semaphore, #tpu.memory_space<semaphore_mem>>) src(%dma_wait3A_352 : memref<128xi32, #tpu.memory_space<hbm>>) dst(%arg12 : memref<128xi32, #tpu.memory_space<vmem>>)
    %dma_start3A_353 = arith.constant 0 : i32
    %dma_start3A_354 = arith.constant 0 : i32
    %dma_start3A_355 = tpu.memref_slice %arg2[%dma_start3A_353, %dma_start3A_354] : memref<10000x128xf32, #tpu.memory_space<hbm>> -> memref<10000x128xf32, #tpu.memory_space<hbm>>
    tpu.enqueue_indirect_dma source(%dma_start3A_355 : memref<10000x128xf32, #tpu.memory_space<hbm>>) target(%arg19 : memref<128x128xf32, #tpu.memory_space<vmem>>) offsets(%arg8 : memref<128xi32, #tpu.memory_space<vmem>>) semaphore(%arg28 : memref<!tpu.dma_semaphore, #tpu.memory_space<semaphore_mem>>)
    %add3A_356 = arith.constant 9856 : i32
    %add3A_357 = arith.addi %mul3A_2, %add3A_356 : i32
    %dma_start3A_358 = tpu.memref_slice %arg3[%add3A_357] : memref<320000xi32, #tpu.memory_space<hbm>> -> memref<128xi32, #tpu.memory_space<hbm>>
    %dma_start3A_359 = tpu.memref_slice %arg3[%add3A_357] : memref<320000xi32, #tpu.memory_space<hbm>> -> memref<128xi32, #tpu.memory_space<hbm>>
    tpu.enqueue_dma source(%dma_start3A_359 : memref<128xi32, #tpu.memory_space<hbm>>) target(%arg9 : memref<128xi32, #tpu.memory_space<vmem>>) target_semaphore(%arg25 : memref<!tpu.dma_semaphore, #tpu.memory_space<semaphore_mem>>)
    %dma_start3A_360 = tpu.memref_slice %arg4[%add3A_357] : memref<320000xi32, #tpu.memory_space<hbm>> -> memref<128xi32, #tpu.memory_space<hbm>>
    %dma_start3A_361 = tpu.memref_slice %arg4[%add3A_357] : memref<320000xi32, #tpu.memory_space<hbm>> -> memref<128xi32, #tpu.memory_space<hbm>>
    tpu.enqueue_dma source(%dma_start3A_361 : memref<128xi32, #tpu.memory_space<hbm>>) target(%arg13 : memref<128xi32, #tpu.memory_space<vmem>>) target_semaphore(%arg25 : memref<!tpu.dma_semaphore, #tpu.memory_space<semaphore_mem>>)
    %get3A_362 = arith.constant 0 : index
    %get3A_363 = tpu.vector_load %arg15[%get3A_362] {strides = array<i32>} : memref<128xi32, #tpu.memory_space<vmem>>, vector<16xi32>,
    %shift_right_logical3A_364 = arith.constant 7 : i32
    %shift_right_logical3A_365 = vector.broadcast %shift_right_logical3A_364 : i32 to vector<16xi32>
    %shift_right_logical3A_366 = arith.shrui %get3A_363, %shift_right_logical3A_365 : vector<16xi32>
    %and3A_367 = arith.constant 127 : i32
    %and3A_368 = vector.broadcast %and3A_367 : i32 to vector<16xi32>
    %and3A_369 = arith.andi %get3A_363, %and3A_368 : vector<16xi32>
    tpu.vector_store_idx %arg21[%shift_right_logical3A_366, %and3A_369], %broadcast_in_dim3A_5 {add = true} : memref<80x128xf32, #tpu.memory_space<vmem>>[vector<16xi32>, vector<16xi32>], vector<16xf32>,
    %get3A_370 = arith.constant 16 : index
    %get3A_371 = tpu.vector_load %arg15[%get3A_370] {strides = array<i32>} : memref<128xi32, #tpu.memory_space<vmem>>, vector<16xi32>,
    %shift_right_logical3A_372 = arith.constant 7 : i32
    %shift_right_logical3A_373 = vector.broadcast %shift_right_logical3A_372 : i32 to vector<16xi32>
    %shift_right_logical3A_374 = arith.shrui %get3A_371, %shift_right_logical3A_373 : vector<16xi32>
    %and3A_375 = arith.constant 127 : i32
    %and3A_376 = vector.broadcast %and3A_375 : i32 to vector<16xi32>
    %and3A_377 = arith.andi %get3A_371, %and3A_376 : vector<16xi32>
    tpu.vector_store_idx %arg21[%shift_right_logical3A_374, %and3A_377], %broadcast_in_dim3A_5 {add = true} : memref<80x128xf32, #tpu.memory_space<vmem>>[vector<16xi32>, vector<16xi32>], vector<16xf32>,
    %get3A_378 = arith.constant 32 : index
    %get3A_379 = tpu.vector_load %arg15[%get3A_378] {strides = array<i32>} : memref<128xi32, #tpu.memory_space<vmem>>, vector<16xi32>,
    %shift_right_logical3A_380 = arith.constant 7 : i32
    %shift_right_logical3A_381 = vector.broadcast %shift_right_logical3A_380 : i32 to vector<16xi32>
    %shift_right_logical3A_382 = arith.shrui %get3A_379, %shift_right_logical3A_381 : vector<16xi32>
    %and3A_383 = arith.constant 127 : i32
    %and3A_384 = vector.broadcast %and3A_383 : i32 to vector<16xi32>
    %and3A_385 = arith.andi %get3A_379, %and3A_384 : vector<16xi32>
    tpu.vector_store_idx %arg21[%shift_right_logical3A_382, %and3A_385], %broadcast_in_dim3A_5 {add = true} : memref<80x128xf32, #tpu.memory_space<vmem>>[vector<16xi32>, vector<16xi32>], vector<16xf32>,
    %get3A_386 = arith.constant 48 : index
    %get3A_387 = tpu.vector_load %arg15[%get3A_386] {strides = array<i32>} : memref<128xi32, #tpu.memory_space<vmem>>, vector<16xi32>,
    %shift_right_logical3A_388 = arith.constant 7 : i32
    %shift_right_logical3A_389 = vector.broadcast %shift_right_logical3A_388 : i32 to vector<16xi32>
    %shift_right_logical3A_390 = arith.shrui %get3A_387, %shift_right_logical3A_389 : vector<16xi32>
    %and3A_391 = arith.constant 127 : i32
    %and3A_392 = vector.broadcast %and3A_391 : i32 to vector<16xi32>
    %and3A_393 = arith.andi %get3A_387, %and3A_392 : vector<16xi32>
    tpu.vector_store_idx %arg21[%shift_right_logical3A_390, %and3A_393], %broadcast_in_dim3A_5 {add = true} : memref<80x128xf32, #tpu.memory_space<vmem>>[vector<16xi32>, vector<16xi32>], vector<16xf32>,
    %get3A_394 = arith.constant 64 : index
    %get3A_395 = tpu.vector_load %arg15[%get3A_394] {strides = array<i32>} : memref<128xi32, #tpu.memory_space<vmem>>, vector<16xi32>,
    %shift_right_logical3A_396 = arith.constant 7 : i32
    %shift_right_logical3A_397 = vector.broadcast %shift_right_logical3A_396 : i32 to vector<16xi32>
    %shift_right_logical3A_398 = arith.shrui %get3A_395, %shift_right_logical3A_397 : vector<16xi32>
    %and3A_399 = arith.constant 127 : i32
    %and3A_400 = vector.broadcast %and3A_399 : i32 to vector<16xi32>
    %and3A_401 = arith.andi %get3A_395, %and3A_400 : vector<16xi32>
    tpu.vector_store_idx %arg21[%shift_right_logical3A_398, %and3A_401], %broadcast_in_dim3A_5 {add = true} : memref<80x128xf32, #tpu.memory_space<vmem>>[vector<16xi32>, vector<16xi32>], vector<16xf32>,
    %get3A_402 = arith.constant 80 : index
    %get3A_403 = tpu.vector_load %arg15[%get3A_402] {strides = array<i32>} : memref<128xi32, #tpu.memory_space<vmem>>, vector<16xi32>,
    %shift_right_logical3A_404 = arith.constant 7 : i32
    %shift_right_logical3A_405 = vector.broadcast %shift_right_logical3A_404 : i32 to vector<16xi32>
    %shift_right_logical3A_406 = arith.shrui %get3A_403, %shift_right_logical3A_405 : vector<16xi32>
    %and3A_407 = arith.constant 127 : i32
    %and3A_408 = vector.broadcast %and3A_407 : i32 to vector<16xi32>
    %and3A_409 = arith.andi %get3A_403, %and3A_408 : vector<16xi32>
    tpu.vector_store_idx %arg21[%shift_right_logical3A_406, %and3A_409], %broadcast_in_dim3A_5 {add = true} : memref<80x128xf32, #tpu.memory_space<vmem>>[vector<16xi32>, vector<16xi32>], vector<16xf32>,
    %get3A_410 = arith.constant 96 : index
    %get3A_411 = tpu.vector_load %arg15[%get3A_410] {strides = array<i32>} : memref<128xi32, #tpu.memory_space<vmem>>, vector<16xi32>,
    %shift_right_logical3A_412 = arith.constant 7 : i32
    %shift_right_logical3A_413 = vector.broadcast %shift_right_logical3A_412 : i32 to vector<16xi32>
    %shift_right_logical3A_414 = arith.shrui %get3A_411, %shift_right_logical3A_413 : vector<16xi32>
    %and3A_415 = arith.constant 127 : i32
    %and3A_416 = vector.broadcast %and3A_415 : i32 to vector<16xi32>
    %and3A_417 = arith.andi %get3A_411, %and3A_416 : vector<16xi32>
    tpu.vector_store_idx %arg21[%shift_right_logical3A_414, %and3A_417], %broadcast_in_dim3A_5 {add = true} : memref<80x128xf32, #tpu.memory_space<vmem>>[vector<16xi32>, vector<16xi32>], vector<16xf32>,
    %get3A_418 = arith.constant 112 : index
    %get3A_419 = tpu.vector_load %arg15[%get3A_418] {strides = array<i32>} : memref<128xi32, #tpu.memory_space<vmem>>, vector<16xi32>,
    %shift_right_logical3A_420 = arith.constant 7 : i32
    %shift_right_logical3A_421 = vector.broadcast %shift_right_logical3A_420 : i32 to vector<16xi32>
    %shift_right_logical3A_422 = arith.shrui %get3A_419, %shift_right_logical3A_421 : vector<16xi32>
    %and3A_423 = arith.constant 127 : i32
    %and3A_424 = vector.broadcast %and3A_423 : i32 to vector<16xi32>
    %and3A_425 = arith.andi %get3A_419, %and3A_424 : vector<16xi32>
    tpu.vector_store_idx %arg21[%shift_right_logical3A_422, %and3A_425], %broadcast_in_dim3A_5 {add = true} : memref<80x128xf32, #tpu.memory_space<vmem>>[vector<16xi32>, vector<16xi32>], vector<16xf32>,
    %dma_wait3A_426 = arith.constant 0 : i32
    %dma_wait3A_427 = arith.constant 0 : i32
    %dma_wait3A_428 = tpu.memref_slice %arg2[%dma_wait3A_426, %dma_wait3A_427] : memref<10000x128xf32, #tpu.memory_space<hbm>> -> memref<10000x128xf32, #tpu.memory_space<hbm>>
    tpu.wait_indirect_dma semaphore(%arg28 : memref<!tpu.dma_semaphore, #tpu.memory_space<semaphore_mem>>) src(%dma_wait3A_428 : memref<10000x128xf32, #tpu.memory_space<hbm>>) dst(%arg19 : memref<128x128xf32, #tpu.memory_space<vmem>>)
    %dma_start3A_429 = arith.constant 0 : i32
    %dma_start3A_430 = arith.constant 0 : i32
    %dma_start3A_431 = tpu.memref_slice %arg22[%dma_start3A_429, %dma_start3A_430] : memref<10112x128xf32, #tpu.memory_space<vmem_shared>> -> memref<10112x128xf32, #tpu.memory_space<vmem_shared>>
    tpu.enqueue_indirect_dma source(%arg19 : memref<128x128xf32, #tpu.memory_space<vmem>>) target(%dma_start3A_431 : memref<10112x128xf32, #tpu.memory_space<vmem_shared>>) offsets(%arg12 : memref<128xi32, #tpu.memory_space<vmem>>) semaphore(%arg30 : memref<!tpu.dma_semaphore, #tpu.memory_space<semaphore_mem>>) {add = true}
    %dma_wait3A_432 = arith.constant 0 : i32
    %dma_wait3A_433 = arith.constant 0 : i32
    %dma_wait3A_434 = tpu.memref_slice %arg22[%dma_wait3A_432, %dma_wait3A_433] : memref<10112x128xf32, #tpu.memory_space<vmem_shared>> -> memref<10112x128xf32, #tpu.memory_space<vmem_shared>>
    tpu.wait_indirect_dma semaphore(%arg31 : memref<!tpu.dma_semaphore, #tpu.memory_space<semaphore_mem>>) src(%arg20 : memref<128x128xf32, #tpu.memory_space<vmem>>) dst(%dma_wait3A_434 : memref<10112x128xf32, #tpu.memory_space<vmem_shared>>)
    %add3A_435 = arith.constant 9856 : i32
    %add3A_436 = arith.addi %mul3A_2, %add3A_435 : i32
    %dma_wait3A_437 = tpu.memref_slice %arg3[%add3A_436] : memref<320000xi32, #tpu.memory_space<hbm>> -> memref<128xi32, #tpu.memory_space<hbm>>
    %dma_wait3A_438 = tpu.memref_slice %arg3[%add3A_436] : memref<320000xi32, #tpu.memory_space<hbm>> -> memref<128xi32, #tpu.memory_space<hbm>>
    tpu.wait_dma2 semaphore(%arg25 : memref<!tpu.dma_semaphore, #tpu.memory_space<semaphore_mem>>) src(%dma_wait3A_438 : memref<128xi32, #tpu.memory_space<hbm>>) dst(%arg9 : memref<128xi32, #tpu.memory_space<vmem>>)
    %dma_wait3A_439 = tpu.memref_slice %arg4[%add3A_436] : memref<320000xi32, #tpu.memory_space<hbm>> -> memref<128xi32, #tpu.memory_space<hbm>>
    %dma_wait3A_440 = tpu.memref_slice %arg4[%add3A_436] : memref<320000xi32, #tpu.memory_space<hbm>> -> memref<128xi32, #tpu.memory_space<hbm>>
    tpu.wait_dma2 semaphore(%arg25 : memref<!tpu.dma_semaphore, #tpu.memory_space<semaphore_mem>>) src(%dma_wait3A_440 : memref<128xi32, #tpu.memory_space<hbm>>) dst(%arg13 : memref<128xi32, #tpu.memory_space<vmem>>)
    %dma_start3A_441 = arith.constant 0 : i32
    %dma_start3A_442 = arith.constant 0 : i32
    %dma_start3A_443 = tpu.memref_slice %arg2[%dma_start3A_441, %dma_start3A_442] : memref<10000x128xf32, #tpu.memory_space<hbm>> -> memref<10000x128xf32, #tpu.memory_space<hbm>>
    tpu.enqueue_indirect_dma source(%dma_start3A_443 : memref<10000x128xf32, #tpu.memory_space<hbm>>) target(%arg20 : memref<128x128xf32, #tpu.memory_space<vmem>>) offsets(%arg9 : memref<128xi32, #tpu.memory_space<vmem>>) semaphore(%arg29 : memref<!tpu.dma_semaphore, #tpu.memory_space<semaphore_mem>>)
    %get3A_444 = arith.constant 0 : index
    %get3A_445 = tpu.vector_load %arg12[%get3A_444] {strides = array<i32>} : memref<128xi32, #tpu.memory_space<vmem>>, vector<16xi32>,
    %shift_right_logical3A_446 = arith.constant 7 : i32
    %shift_right_logical3A_447 = vector.broadcast %shift_right_logical3A_446 : i32 to vector<16xi32>
    %shift_right_logical3A_448 = arith.shrui %get3A_445, %shift_right_logical3A_447 : vector<16xi32>
    %and3A_449 = arith.constant 127 : i32
    %and3A_450 = vector.broadcast %and3A_449 : i32 to vector<16xi32>
    %and3A_451 = arith.andi %get3A_445, %and3A_450 : vector<16xi32>
    tpu.vector_store_idx %arg21[%shift_right_logical3A_448, %and3A_451], %broadcast_in_dim3A_5 {add = true} : memref<80x128xf32, #tpu.memory_space<vmem>>[vector<16xi32>, vector<16xi32>], vector<16xf32>,
    %get3A_452 = arith.constant 16 : index
    %get3A_453 = tpu.vector_load %arg12[%get3A_452] {strides = array<i32>} : memref<128xi32, #tpu.memory_space<vmem>>, vector<16xi32>,
    %shift_right_logical3A_454 = arith.constant 7 : i32
    %shift_right_logical3A_455 = vector.broadcast %shift_right_logical3A_454 : i32 to vector<16xi32>
    %shift_right_logical3A_456 = arith.shrui %get3A_453, %shift_right_logical3A_455 : vector<16xi32>
    %and3A_457 = arith.constant 127 : i32
    %and3A_458 = vector.broadcast %and3A_457 : i32 to vector<16xi32>
    %and3A_459 = arith.andi %get3A_453, %and3A_458 : vector<16xi32>
    tpu.vector_store_idx %arg21[%shift_right_logical3A_456, %and3A_459], %broadcast_in_dim3A_5 {add = true} : memref<80x128xf32, #tpu.memory_space<vmem>>[vector<16xi32>, vector<16xi32>], vector<16xf32>,
    %get3A_460 = arith.constant 32 : index
    %get3A_461 = tpu.vector_load %arg12[%get3A_460] {strides = array<i32>} : memref<128xi32, #tpu.memory_space<vmem>>, vector<16xi32>,
    %shift_right_logical3A_462 = arith.constant 7 : i32
    %shift_right_logical3A_463 = vector.broadcast %shift_right_logical3A_462 : i32 to vector<16xi32>
    %shift_right_logical3A_464 = arith.shrui %get3A_461, %shift_right_logical3A_463 : vector<16xi32>
    %and3A_465 = arith.constant 127 : i32
    %and3A_466 = vector.broadcast %and3A_465 : i32 to vector<16xi32>
    %and3A_467 = arith.andi %get3A_461, %and3A_466 : vector<16xi32>
    tpu.vector_store_idx %arg21[%shift_right_logical3A_464, %and3A_467], %broadcast_in_dim3A_5 {add = true} : memref<80x128xf32, #tpu.memory_space<vmem>>[vector<16xi32>, vector<16xi32>], vector<16xf32>,
    %get3A_468 = arith.constant 48 : index
    %get3A_469 = tpu.vector_load %arg12[%get3A_468] {strides = array<i32>} : memref<128xi32, #tpu.memory_space<vmem>>, vector<16xi32>,
    %shift_right_logical3A_470 = arith.constant 7 : i32
    %shift_right_logical3A_471 = vector.broadcast %shift_right_logical3A_470 : i32 to vector<16xi32>
    %shift_right_logical3A_472 = arith.shrui %get3A_469, %shift_right_logical3A_471 : vector<16xi32>
    %and3A_473 = arith.constant 127 : i32
    %and3A_474 = vector.broadcast %and3A_473 : i32 to vector<16xi32>
    %and3A_475 = arith.andi %get3A_469, %and3A_474 : vector<16xi32>
    tpu.vector_store_idx %arg21[%shift_right_logical3A_472, %and3A_475], %broadcast_in_dim3A_5 {add = true} : memref<80x128xf32, #tpu.memory_space<vmem>>[vector<16xi32>, vector<16xi32>], vector<16xf32>,
    %get3A_476 = arith.constant 64 : index
    %get3A_477 = tpu.vector_load %arg12[%get3A_476] {strides = array<i32>} : memref<128xi32, #tpu.memory_space<vmem>>, vector<16xi32>,
    %shift_right_logical3A_478 = arith.constant 7 : i32
    %shift_right_logical3A_479 = vector.broadcast %shift_right_logical3A_478 : i32 to vector<16xi32>
    %shift_right_logical3A_480 = arith.shrui %get3A_477, %shift_right_logical3A_479 : vector<16xi32>
    %and3A_481 = arith.constant 127 : i32
    %and3A_482 = vector.broadcast %and3A_481 : i32 to vector<16xi32>
    %and3A_483 = arith.andi %get3A_477, %and3A_482 : vector<16xi32>
    tpu.vector_store_idx %arg21[%shift_right_logical3A_480, %and3A_483], %broadcast_in_dim3A_5 {add = true} : memref<80x128xf32, #tpu.memory_space<vmem>>[vector<16xi32>, vector<16xi32>], vector<16xf32>,
    %get3A_484 = arith.constant 80 : index
    %get3A_485 = tpu.vector_load %arg12[%get3A_484] {strides = array<i32>} : memref<128xi32, #tpu.memory_space<vmem>>, vector<16xi32>,
    %shift_right_logical3A_486 = arith.constant 7 : i32
    %shift_right_logical3A_487 = vector.broadcast %shift_right_logical3A_486 : i32 to vector<16xi32>
    %shift_right_logical3A_488 = arith.shrui %get3A_485, %shift_right_logical3A_487 : vector<16xi32>
    %and3A_489 = arith.constant 127 : i32
    %and3A_490 = vector.broadcast %and3A_489 : i32 to vector<16xi32>
    %and3A_491 = arith.andi %get3A_485, %and3A_490 : vector<16xi32>
    tpu.vector_store_idx %arg21[%shift_right_logical3A_488, %and3A_491], %broadcast_in_dim3A_5 {add = true} : memref<80x128xf32, #tpu.memory_space<vmem>>[vector<16xi32>, vector<16xi32>], vector<16xf32>,
    %get3A_492 = arith.constant 96 : index
    %get3A_493 = tpu.vector_load %arg12[%get3A_492] {strides = array<i32>} : memref<128xi32, #tpu.memory_space<vmem>>, vector<16xi32>,
    %shift_right_logical3A_494 = arith.constant 7 : i32
    %shift_right_logical3A_495 = vector.broadcast %shift_right_logical3A_494 : i32 to vector<16xi32>
    %shift_right_logical3A_496 = arith.shrui %get3A_493, %shift_right_logical3A_495 : vector<16xi32>
    %and3A_497 = arith.constant 127 : i32
    %and3A_498 = vector.broadcast %and3A_497 : i32 to vector<16xi32>
    %and3A_499 = arith.andi %get3A_493, %and3A_498 : vector<16xi32>
    tpu.vector_store_idx %arg21[%shift_right_logical3A_496, %and3A_499], %broadcast_in_dim3A_5 {add = true} : memref<80x128xf32, #tpu.memory_space<vmem>>[vector<16xi32>, vector<16xi32>], vector<16xf32>,
    %get3A_500 = arith.constant 112 : index
    %get3A_501 = tpu.vector_load %arg12[%get3A_500] {strides = array<i32>} : memref<128xi32, #tpu.memory_space<vmem>>, vector<16xi32>,
    %shift_right_logical3A_502 = arith.constant 7 : i32
    %shift_right_logical3A_503 = vector.broadcast %shift_right_logical3A_502 : i32 to vector<16xi32>
    %shift_right_logical3A_504 = arith.shrui %get3A_501, %shift_right_logical3A_503 : vector<16xi32>
    %and3A_505 = arith.constant 127 : i32
    %and3A_506 = vector.broadcast %and3A_505 : i32 to vector<16xi32>
    %and3A_507 = arith.andi %get3A_501, %and3A_506 : vector<16xi32>
    tpu.vector_store_idx %arg21[%shift_right_logical3A_504, %and3A_507], %broadcast_in_dim3A_5 {add = true} : memref<80x128xf32, #tpu.memory_space<vmem>>[vector<16xi32>, vector<16xi32>], vector<16xf32>,
    %dma_wait3A_508 = arith.constant 0 : i32
    %dma_wait3A_509 = arith.constant 0 : i32
    %dma_wait3A_510 = tpu.memref_slice %arg2[%dma_wait3A_508, %dma_wait3A_509] : memref<10000x128xf32, #tpu.memory_space<hbm>> -> memref<10000x128xf32, #tpu.memory_space<hbm>>
    tpu.wait_indirect_dma semaphore(%arg29 : memref<!tpu.dma_semaphore, #tpu.memory_space<semaphore_mem>>) src(%dma_wait3A_510 : memref<10000x128xf32, #tpu.memory_space<hbm>>) dst(%arg20 : memref<128x128xf32, #tpu.memory_space<vmem>>)
    %dma_start3A_511 = arith.constant 0 : i32
    %dma_start3A_512 = arith.constant 0 : i32
    %dma_start3A_513 = tpu.memref_slice %arg22[%dma_start3A_511, %dma_start3A_512] : memref<10112x128xf32, #tpu.memory_space<vmem_shared>> -> memref<10112x128xf32, #tpu.memory_space<vmem_shared>>
    tpu.enqueue_indirect_dma source(%arg20 : memref<128x128xf32, #tpu.memory_space<vmem>>) target(%dma_start3A_513 : memref<10112x128xf32, #tpu.memory_space<vmem_shared>>) offsets(%arg13 : memref<128xi32, #tpu.memory_space<vmem>>) semaphore(%arg31 : memref<!tpu.dma_semaphore, #tpu.memory_space<semaphore_mem>>) {add = true}
    %dma_wait3A_514 = arith.constant 0 : i32
    %dma_wait3A_515 = arith.constant 0 : i32
    %dma_wait3A_516 = tpu.memref_slice %arg22[%dma_wait3A_514, %dma_wait3A_515] : memref<10112x128xf32, #tpu.memory_space<vmem_shared>> -> memref<10112x128xf32, #tpu.memory_space<vmem_shared>>
    tpu.wait_indirect_dma semaphore(%arg30 : memref<!tpu.dma_semaphore, #tpu.memory_space<semaphore_mem>>) src(%arg19 : memref<128x128xf32, #tpu.memory_space<vmem>>) dst(%dma_wait3A_516 : memref<10112x128xf32, #tpu.memory_space<vmem_shared>>)
    %get3A_517 = arith.constant 0 : index
    %get3A_518 = tpu.vector_load %arg13[%get3A_517] {strides = array<i32>} : memref<128xi32, #tpu.memory_space<vmem>>, vector<16xi32>,
    %shift_right_logical3A_519 = arith.constant 7 : i32
    %shift_right_logical3A_520 = vector.broadcast %shift_right_logical3A_519 : i32 to vector<16xi32>
    %shift_right_logical3A_521 = arith.shrui %get3A_518, %shift_right_logical3A_520 : vector<16xi32>
    %and3A_522 = arith.constant 127 : i32
    %and3A_523 = vector.broadcast %and3A_522 : i32 to vector<16xi32>
    %and3A_524 = arith.andi %get3A_518, %and3A_523 : vector<16xi32>
    tpu.vector_store_idx %arg21[%shift_right_logical3A_521, %and3A_524], %broadcast_in_dim3A_5 {add = true} : memref<80x128xf32, #tpu.memory_space<vmem>>[vector<16xi32>, vector<16xi32>], vector<16xf32>,
    %get3A_525 = arith.constant 16 : index
    %get3A_526 = tpu.vector_load %arg13[%get3A_525] {strides = array<i32>} : memref<128xi32, #tpu.memory_space<vmem>>, vector<16xi32>,
    %shift_right_logical3A_527 = arith.constant 7 : i32
    %shift_right_logical3A_528 = vector.broadcast %shift_right_logical3A_527 : i32 to vector<16xi32>
    %shift_right_logical3A_529 = arith.shrui %get3A_526, %shift_right_logical3A_528 : vector<16xi32>
    %and3A_530 = arith.constant 127 : i32
    %and3A_531 = vector.broadcast %and3A_530 : i32 to vector<16xi32>
    %and3A_532 = arith.andi %get3A_526, %and3A_531 : vector<16xi32>
    tpu.vector_store_idx %arg21[%shift_right_logical3A_529, %and3A_532], %broadcast_in_dim3A_5 {add = true} : memref<80x128xf32, #tpu.memory_space<vmem>>[vector<16xi32>, vector<16xi32>], vector<16xf32>,
    %get3A_533 = arith.constant 32 : index
    %get3A_534 = tpu.vector_load %arg13[%get3A_533] {strides = array<i32>} : memref<128xi32, #tpu.memory_space<vmem>>, vector<16xi32>,
    %shift_right_logical3A_535 = arith.constant 7 : i32
    %shift_right_logical3A_536 = vector.broadcast %shift_right_logical3A_535 : i32 to vector<16xi32>
    %shift_right_logical3A_537 = arith.shrui %get3A_534, %shift_right_logical3A_536 : vector<16xi32>
    %and3A_538 = arith.constant 127 : i32
    %and3A_539 = vector.broadcast %and3A_538 : i32 to vector<16xi32>
    %and3A_540 = arith.andi %get3A_534, %and3A_539 : vector<16xi32>
    tpu.vector_store_idx %arg21[%shift_right_logical3A_537, %and3A_540], %broadcast_in_dim3A_5 {add = true} : memref<80x128xf32, #tpu.memory_space<vmem>>[vector<16xi32>, vector<16xi32>], vector<16xf32>,
    %get3A_541 = arith.constant 48 : index
    %get3A_542 = tpu.vector_load %arg13[%get3A_541] {strides = array<i32>} : memref<128xi32, #tpu.memory_space<vmem>>, vector<16xi32>,
    %shift_right_logical3A_543 = arith.constant 7 : i32
    %shift_right_logical3A_544 = vector.broadcast %shift_right_logical3A_543 : i32 to vector<16xi32>
    %shift_right_logical3A_545 = arith.shrui %get3A_542, %shift_right_logical3A_544 : vector<16xi32>
    %and3A_546 = arith.constant 127 : i32
    %and3A_547 = vector.broadcast %and3A_546 : i32 to vector<16xi32>
    %and3A_548 = arith.andi %get3A_542, %and3A_547 : vector<16xi32>
    tpu.vector_store_idx %arg21[%shift_right_logical3A_545, %and3A_548], %broadcast_in_dim3A_5 {add = true} : memref<80x128xf32, #tpu.memory_space<vmem>>[vector<16xi32>, vector<16xi32>], vector<16xf32>,
    %get3A_549 = arith.constant 64 : index
    %get3A_550 = tpu.vector_load %arg13[%get3A_549] {strides = array<i32>} : memref<128xi32, #tpu.memory_space<vmem>>, vector<16xi32>,
    %shift_right_logical3A_551 = arith.constant 7 : i32
    %shift_right_logical3A_552 = vector.broadcast %shift_right_logical3A_551 : i32 to vector<16xi32>
    %shift_right_logical3A_553 = arith.shrui %get3A_550, %shift_right_logical3A_552 : vector<16xi32>
    %and3A_554 = arith.constant 127 : i32
    %and3A_555 = vector.broadcast %and3A_554 : i32 to vector<16xi32>
    %and3A_556 = arith.andi %get3A_550, %and3A_555 : vector<16xi32>
    tpu.vector_store_idx %arg21[%shift_right_logical3A_553, %and3A_556], %broadcast_in_dim3A_5 {add = true} : memref<80x128xf32, #tpu.memory_space<vmem>>[vector<16xi32>, vector<16xi32>], vector<16xf32>,
    %get3A_557 = arith.constant 80 : index
    %get3A_558 = tpu.vector_load %arg13[%get3A_557] {strides = array<i32>} : memref<128xi32, #tpu.memory_space<vmem>>, vector<16xi32>,
    %shift_right_logical3A_559 = arith.constant 7 : i32
    %shift_right_logical3A_560 = vector.broadcast %shift_right_logical3A_559 : i32 to vector<16xi32>
    %shift_right_logical3A_561 = arith.shrui %get3A_558, %shift_right_logical3A_560 : vector<16xi32>
    %and3A_562 = arith.constant 127 : i32
    %and3A_563 = vector.broadcast %and3A_562 : i32 to vector<16xi32>
    %and3A_564 = arith.andi %get3A_558, %and3A_563 : vector<16xi32>
    tpu.vector_store_idx %arg21[%shift_right_logical3A_561, %and3A_564], %broadcast_in_dim3A_5 {add = true} : memref<80x128xf32, #tpu.memory_space<vmem>>[vector<16xi32>, vector<16xi32>], vector<16xf32>,
    %get3A_565 = arith.constant 96 : index
    %get3A_566 = tpu.vector_load %arg13[%get3A_565] {strides = array<i32>} : memref<128xi32, #tpu.memory_space<vmem>>, vector<16xi32>,
    %shift_right_logical3A_567 = arith.constant 7 : i32
    %shift_right_logical3A_568 = vector.broadcast %shift_right_logical3A_567 : i32 to vector<16xi32>
    %shift_right_logical3A_569 = arith.shrui %get3A_566, %shift_right_logical3A_568 : vector<16xi32>
    %and3A_570 = arith.constant 127 : i32
    %and3A_571 = vector.broadcast %and3A_570 : i32 to vector<16xi32>
    %and3A_572 = arith.andi %get3A_566, %and3A_571 : vector<16xi32>
    tpu.vector_store_idx %arg21[%shift_right_logical3A_569, %and3A_572], %broadcast_in_dim3A_5 {add = true} : memref<80x128xf32, #tpu.memory_space<vmem>>[vector<16xi32>, vector<16xi32>], vector<16xf32>,
    %get3A_573 = arith.constant 112 : index
    %get3A_574 = tpu.vector_load %arg13[%get3A_573] {strides = array<i32>} : memref<128xi32, #tpu.memory_space<vmem>>, vector<16xi32>,
    %shift_right_logical3A_575 = arith.constant 7 : i32
    %shift_right_logical3A_576 = vector.broadcast %shift_right_logical3A_575 : i32 to vector<16xi32>
    %shift_right_logical3A_577 = arith.shrui %get3A_574, %shift_right_logical3A_576 : vector<16xi32>
    %and3A_578 = arith.constant 127 : i32
    %and3A_579 = vector.broadcast %and3A_578 : i32 to vector<16xi32>
    %and3A_580 = arith.andi %get3A_574, %and3A_579 : vector<16xi32>
    tpu.vector_store_idx %arg21[%shift_right_logical3A_577, %and3A_580], %broadcast_in_dim3A_5 {add = true} : memref<80x128xf32, #tpu.memory_space<vmem>>[vector<16xi32>, vector<16xi32>], vector<16xf32>,
    %add3A_581 = arith.constant 9984 : i32
    %add3A_582 = arith.addi %mul3A_2, %add3A_581 : i32
    "tpu.region"() ({
      %run_scoped3A = tpu.sem_alloc : memref<!tpu.dma_semaphore, #tpu.memory_space<semaphore_mem>>
      %dma_start3A_634 = tpu.memref_slice %arg3[%add3A_582] : memref<320000xi32, #tpu.memory_space<hbm>> -> memref<16xi32, #tpu.memory_space<hbm>>
      %dma_start3A_635 = tpu.memref_slice %arg3[%add3A_582] : memref<320000xi32, #tpu.memory_space<hbm>> -> memref<16xi32, #tpu.memory_space<hbm>>
      tpu.enqueue_dma source(%dma_start3A_635 : memref<16xi32, #tpu.memory_space<hbm>>) target(%arg16 : memref<16xi32, #tpu.memory_space<vmem>>) target_semaphore(%run_scoped3A : memref<!tpu.dma_semaphore, #tpu.memory_space<semaphore_mem>>)
      %dma_wait3A_636 = tpu.memref_slice %arg3[%add3A_582] : memref<320000xi32, #tpu.memory_space<hbm>> -> memref<16xi32, #tpu.memory_space<hbm>>
      %dma_wait3A_637 = tpu.memref_slice %arg3[%add3A_582] : memref<320000xi32, #tpu.memory_space<hbm>> -> memref<16xi32, #tpu.memory_space<hbm>>
      tpu.wait_dma2 semaphore(%run_scoped3A : memref<!tpu.dma_semaphore, #tpu.memory_space<semaphore_mem>>) src(%dma_wait3A_637 : memref<16xi32, #tpu.memory_space<hbm>>) dst(%arg16 : memref<16xi32, #tpu.memory_space<vmem>>)
      tpu.yield
    }) : () -> ()
    "tpu.region"() ({
      %run_scoped3A = tpu.sem_alloc : memref<!tpu.dma_semaphore, #tpu.memory_space<semaphore_mem>>
      %dma_start3A_634 = tpu.memref_slice %arg4[%add3A_582] : memref<320000xi32, #tpu.memory_space<hbm>> -> memref<16xi32, #tpu.memory_space<hbm>>
      %dma_start3A_635 = tpu.memref_slice %arg4[%add3A_582] : memref<320000xi32, #tpu.memory_space<hbm>> -> memref<16xi32, #tpu.memory_space<hbm>>
      tpu.enqueue_dma source(%dma_start3A_635 : memref<16xi32, #tpu.memory_space<hbm>>) target(%arg17 : memref<16xi32, #tpu.memory_space<vmem>>) target_semaphore(%run_scoped3A : memref<!tpu.dma_semaphore, #tpu.memory_space<semaphore_mem>>)
      %dma_wait3A_636 = tpu.memref_slice %arg4[%add3A_582] : memref<320000xi32, #tpu.memory_space<hbm>> -> memref<16xi32, #tpu.memory_space<hbm>>
      %dma_wait3A_637 = tpu.memref_slice %arg4[%add3A_582] : memref<320000xi32, #tpu.memory_space<hbm>> -> memref<16xi32, #tpu.memory_space<hbm>>
      tpu.wait_dma2 semaphore(%run_scoped3A : memref<!tpu.dma_semaphore, #tpu.memory_space<semaphore_mem>>) src(%dma_wait3A_637 : memref<16xi32, #tpu.memory_space<hbm>>) dst(%arg17 : memref<16xi32, #tpu.memory_space<vmem>>)
      tpu.yield
    }) : () -> ()
    %dma_start3A_583 = arith.constant 0 : i32
    %dma_start3A_584 = arith.constant 0 : i32
    %dma_start3A_585 = tpu.memref_slice %arg19[%dma_start3A_583, %dma_start3A_584] : memref<128x128xf32, #tpu.memory_space<vmem>> -> memref<16x128xf32, #tpu.memory_space<vmem>>
    %dma_start3A_586 = arith.constant 0 : i32
    %dma_start3A_587 = arith.constant 0 : i32
    %dma_start3A_588 = tpu.memref_slice %arg2[%dma_start3A_586, %dma_start3A_587] : memref<10000x128xf32, #tpu.memory_space<hbm>> -> memref<10000x128xf32, #tpu.memory_space<hbm>>
    tpu.enqueue_indirect_dma source(%dma_start3A_588 : memref<10000x128xf32, #tpu.memory_space<hbm>>) target(%dma_start3A_585 : memref<16x128xf32, #tpu.memory_space<vmem>>) offsets(%arg16 : memref<16xi32, #tpu.memory_space<vmem>>) semaphore(%arg28 : memref<!tpu.dma_semaphore, #tpu.memory_space<semaphore_mem>>)
    %dma_wait3A_589 = arith.constant 0 : i32
    %dma_wait3A_590 = arith.constant 0 : i32
    %dma_wait3A_591 = tpu.memref_slice %arg19[%dma_wait3A_589, %dma_wait3A_590] : memref<128x128xf32, #tpu.memory_space<vmem>> -> memref<16x128xf32, #tpu.memory_space<vmem>>
    %dma_wait3A_592 = arith.constant 0 : i32
    %dma_wait3A_593 = arith.constant 0 : i32
    %dma_wait3A_594 = tpu.memref_slice %arg2[%dma_wait3A_592, %dma_wait3A_593] : memref<10000x128xf32, #tpu.memory_space<hbm>> -> memref<10000x128xf32, #tpu.memory_space<hbm>>
    tpu.wait_indirect_dma semaphore(%arg28 : memref<!tpu.dma_semaphore, #tpu.memory_space<semaphore_mem>>) src(%dma_wait3A_594 : memref<10000x128xf32, #tpu.memory_space<hbm>>) dst(%dma_wait3A_591 : memref<16x128xf32, #tpu.memory_space<vmem>>)
    %dma_start3A_595 = arith.constant 0 : i32
    %dma_start3A_596 = arith.constant 0 : i32
    %dma_start3A_597 = tpu.memref_slice %arg19[%dma_start3A_595, %dma_start3A_596] : memref<128x128xf32, #tpu.memory_space<vmem>> -> memref<16x128xf32, #tpu.memory_space<vmem>>
    %dma_start3A_598 = arith.constant 0 : i32
    %dma_start3A_599 = arith.constant 0 : i32
    %dma_start3A_600 = tpu.memref_slice %arg22[%dma_start3A_598, %dma_start3A_599] : memref<10112x128xf32, #tpu.memory_space<vmem_shared>> -> memref<10112x128xf32, #tpu.memory_space<vmem_shared>>
    tpu.enqueue_indirect_dma source(%dma_start3A_597 : memref<16x128xf32, #tpu.memory_space<vmem>>) target(%dma_start3A_600 : memref<10112x128xf32, #tpu.memory_space<vmem_shared>>) offsets(%arg17 : memref<16xi32, #tpu.memory_space<vmem>>) semaphore(%arg30 : memref<!tpu.dma_semaphore, #tpu.memory_space<semaphore_mem>>) {add = true}
    %get3A_601 = arith.constant 0 : index
    %get3A_602 = tpu.vector_load %arg17[%get3A_601] {strides = array<i32>} : memref<16xi32, #tpu.memory_space<vmem>>, vector<16xi32>,
    %shift_right_logical3A_603 = arith.constant 7 : i32
    %shift_right_logical3A_604 = vector.broadcast %shift_right_logical3A_603 : i32 to vector<16xi32>
    %shift_right_logical3A_605 = arith.shrui %get3A_602, %shift_right_logical3A_604 : vector<16xi32>
    %and3A_606 = arith.constant 127 : i32
    %and3A_607 = vector.broadcast %and3A_606 : i32 to vector<16xi32>
    %and3A_608 = arith.andi %get3A_602, %and3A_607 : vector<16xi32>
    tpu.vector_store_idx %arg21[%shift_right_logical3A_605, %and3A_608], %broadcast_in_dim3A_5 {add = true} : memref<80x128xf32, #tpu.memory_space<vmem>>[vector<16xi32>, vector<16xi32>], vector<16xf32>,
    %dma_wait3A_609 = arith.constant 0 : i32
    %dma_wait3A_610 = arith.constant 0 : i32
    %dma_wait3A_611 = tpu.memref_slice %arg22[%dma_wait3A_609, %dma_wait3A_610] : memref<10112x128xf32, #tpu.memory_space<vmem_shared>> -> memref<10112x128xf32, #tpu.memory_space<vmem_shared>>
    tpu.wait_indirect_dma semaphore(%arg31 : memref<!tpu.dma_semaphore, #tpu.memory_space<semaphore_mem>>) src(%arg20 : memref<128x128xf32, #tpu.memory_space<vmem>>) dst(%dma_wait3A_611 : memref<10112x128xf32, #tpu.memory_space<vmem_shared>>)
    %dma_wait3A_612 = arith.constant 0 : i32
    %dma_wait3A_613 = arith.constant 0 : i32
    %dma_wait3A_614 = tpu.memref_slice %arg19[%dma_wait3A_612, %dma_wait3A_613] : memref<128x128xf32, #tpu.memory_space<vmem>> -> memref<16x128xf32, #tpu.memory_space<vmem>>
    %dma_wait3A_615 = arith.constant 0 : i32
    %dma_wait3A_616 = arith.constant 0 : i32
    %dma_wait3A_617 = tpu.memref_slice %arg22[%dma_wait3A_615, %dma_wait3A_616] : memref<10112x128xf32, #tpu.memory_space<vmem_shared>> -> memref<10112x128xf32, #tpu.memory_space<vmem_shared>>
    tpu.wait_indirect_dma semaphore(%arg30 : memref<!tpu.dma_semaphore, #tpu.memory_space<semaphore_mem>>) src(%dma_wait3A_614 : memref<16x128xf32, #tpu.memory_space<vmem>>) dst(%dma_wait3A_617 : memref<10112x128xf32, #tpu.memory_space<vmem_shared>>)
    "tpu.region"() ({
      %run_scoped3A = tpu.sem_alloc : memref<!tpu.dma_semaphore, #tpu.memory_space<semaphore_mem>>
      %dma_start3A_634 = arith.constant 0 : i32
      %dma_start3A_635 = arith.constant 0 : i32
      %dma_start3A_636 = tpu.memref_slice %arg23[%dma_start3A_634, %dma_start3A_635] : memref<80x128xf32, #tpu.memory_space<vmem_shared>> -> memref<80x128xf32, #tpu.memory_space<vmem_shared>>
      tpu.enqueue_indirect_dma source(%arg21 : memref<80x128xf32, #tpu.memory_space<vmem>>) target(%dma_start3A_636 : memref<80x128xf32, #tpu.memory_space<vmem_shared>>) offsets(%arg18 : memref<80xi32, #tpu.memory_space<vmem>>) semaphore(%run_scoped3A : memref<!tpu.dma_semaphore, #tpu.memory_space<semaphore_mem>>) {add = true}
      %dma_wait3A_637 = arith.constant 0 : i32
      %dma_wait3A_638 = arith.constant 0 : i32
      %dma_wait3A_639 = tpu.memref_slice %arg23[%dma_wait3A_637, %dma_wait3A_638] : memref<80x128xf32, #tpu.memory_space<vmem_shared>> -> memref<80x128xf32, #tpu.memory_space<vmem_shared>>
      tpu.wait_indirect_dma semaphore(%run_scoped3A : memref<!tpu.dma_semaphore, #tpu.memory_space<semaphore_mem>>) src(%arg21 : memref<80x128xf32, #tpu.memory_space<vmem>>) dst(%dma_wait3A_639 : memref<80x128xf32, #tpu.memory_space<vmem_shared>>)
      tpu.yield
    }) : () -> ()
    %barrier3A_618 = arith.constant 0 : index
    tpu.barrier barrier_id(%barrier3A_618)
    "tpu.region"() ({
      %run_scoped3A = tpu.sem_alloc : memref<!tpu.dma_semaphore, #tpu.memory_space<semaphore_mem>>
      %dma_start3A_634 = arith.constant 0 : i32
      %dma_start3A_635 = tpu.memref_slice %arg5[%arg0, %mul3A_23, %dma_start3A_634] : memref<2x10112x128xf32, #tpu.memory_space<hbm>> -> memref<1x632x128xf32, #tpu.memory_space<hbm>>
      %dma_start3A_636 = tpu.memref_squeeze %dma_start3A_635 : memref<1x632x128xf32, #tpu.memory_space<hbm>> -> memref<632x128xf32, #tpu.memory_space<hbm>>
      %dma_start3A_637 = arith.constant 0 : i32
      %dma_start3A_638 = tpu.memref_slice %arg22[%mul3A_23, %dma_start3A_637] : memref<10112x128xf32, #tpu.memory_space<vmem_shared>> -> memref<632x128xf32, #tpu.memory_space<vmem_shared>>
      tpu.enqueue_dma source(%dma_start3A_638 : memref<632x128xf32, #tpu.memory_space<vmem_shared>>) target(%dma_start3A_636 : memref<632x128xf32, #tpu.memory_space<hbm>>) target_semaphore(%run_scoped3A : memref<!tpu.dma_semaphore, #tpu.memory_space<semaphore_mem>>)
      %dma_wait3A_639 = arith.constant 0 : i32
      %dma_wait3A_640 = tpu.memref_slice %arg5[%arg0, %mul3A_23, %dma_wait3A_639] : memref<2x10112x128xf32, #tpu.memory_space<hbm>> -> memref<1x632x128xf32, #tpu.memory_space<hbm>>
      %dma_wait3A_641 = tpu.memref_squeeze %dma_wait3A_640 : memref<1x632x128xf32, #tpu.memory_space<hbm>> -> memref<632x128xf32, #tpu.memory_space<hbm>>
      %dma_wait3A_642 = arith.constant 0 : i32
      %dma_wait3A_643 = tpu.memref_slice %arg22[%mul3A_23, %dma_wait3A_642] : memref<10112x128xf32, #tpu.memory_space<vmem_shared>> -> memref<632x128xf32, #tpu.memory_space<vmem_shared>>
      tpu.wait_dma2 semaphore(%run_scoped3A : memref<!tpu.dma_semaphore, #tpu.memory_space<semaphore_mem>>) src(%dma_wait3A_643 : memref<632x128xf32, #tpu.memory_space<vmem_shared>>) dst(%dma_wait3A_641 : memref<632x128xf32, #tpu.memory_space<hbm>>)
      tpu.yield
    }) : () -> ()
    %lt3A = arith.constant 5 : i32
    %lt3A_619 = arith.cmpi slt, %arg1, %lt3A : i32
    %eq3A_620 = arith.constant 0 : i32
    %eq3A_621 = arith.cmpi eq, %arg0, %eq3A_620 : i32
    %and3A_622 = arith.andi %lt3A_619, %eq3A_621 : i1
    %convert_element_type3A_623 = arith.extui %and3A_622 : i1 to i32
    %cond3A_624 = arith.constant 0 : i32
    %cond3A_625 = arith.cmpi ne, %convert_element_type3A_623, %cond3A_624 : i32
    scf.if %cond3A_625 {
      %mul3A_634 = arith.constant 16 : i32
      %mul3A_635 = arith.muli %arg1, %mul3A_634 : i32
      %mul3A_636 = arith.constant 16 : i32
      %mul3A_637 = arith.muli %arg1, %mul3A_636 : i32
      "tpu.region"() ({
        %run_scoped3A = tpu.sem_alloc : memref<!tpu.dma_semaphore, #tpu.memory_space<semaphore_mem>>
        %dma_start3A_638 = arith.constant 0 : i32
        %dma_start3A_639 = tpu.memref_slice %arg6[%mul3A_637, %dma_start3A_638] : memref<80x128xf32, #tpu.memory_space<hbm>> -> memref<16x128xf32, #tpu.memory_space<hbm>>
        %dma_start3A_640 = arith.constant 0 : i32
        %dma_start3A_641 = tpu.memref_slice %arg23[%mul3A_635, %dma_start3A_640] : memref<80x128xf32, #tpu.memory_space<vmem_shared>> -> memref<16x128xf32, #tpu.memory_space<vmem_shared>>
        tpu.enqueue_dma source(%dma_start3A_641 : memref<16x128xf32, #tpu.memory_space<vmem_shared>>) target(%dma_start3A_639 : memref<16x128xf32, #tpu.memory_space<hbm>>) target_semaphore(%run_scoped3A : memref<!tpu.dma_semaphore, #tpu.memory_space<semaphore_mem>>)
        %dma_wait3A_642 = arith.constant 0 : i32
        %dma_wait3A_643 = tpu.memref_slice %arg6[%mul3A_637, %dma_wait3A_642] : memref<80x128xf32, #tpu.memory_space<hbm>> -> memref<16x128xf32, #tpu.memory_space<hbm>>
        %dma_wait3A_644 = arith.constant 0 : i32
        %dma_wait3A_645 = tpu.memref_slice %arg23[%mul3A_635, %dma_wait3A_644] : memref<80x128xf32, #tpu.memory_space<vmem_shared>> -> memref<16x128xf32, #tpu.memory_space<vmem_shared>>
        tpu.wait_dma2 semaphore(%run_scoped3A : memref<!tpu.dma_semaphore, #tpu.memory_space<semaphore_mem>>) src(%dma_wait3A_645 : memref<16x128xf32, #tpu.memory_space<vmem_shared>>) dst(%dma_wait3A_643 : memref<16x128xf32, #tpu.memory_space<hbm>>)
        tpu.yield
      }) : () -> ()
    } else {
    }
    %lt3A_626 = arith.constant 5 : i32
    %lt3A_627 = arith.cmpi slt, %arg1, %lt3A_626 : i32
    %eq3A_628 = arith.constant 1 : i32
    %eq3A_629 = arith.cmpi eq, %arg0, %eq3A_628 : i32
    %and3A_630 = arith.andi %lt3A_627, %eq3A_629 : i1
    %convert_element_type3A_631 = arith.extui %and3A_630 : i1 to i32
    %cond3A_632 = arith.constant 0 : i32
    %cond3A_633 = arith.cmpi ne, %convert_element_type3A_631, %cond3A_632 : i32
    scf.if %cond3A_633 {
      %mul3A_634 = arith.constant 16 : i32
      %mul3A_635 = arith.muli %arg1, %mul3A_634 : i32
      %mul3A_636 = arith.constant 16 : i32
      %mul3A_637 = arith.muli %arg1, %mul3A_636 : i32
      "tpu.region"() ({
        %run_scoped3A = tpu.sem_alloc : memref<!tpu.dma_semaphore, #tpu.memory_space<semaphore_mem>>
        %dma_start3A_638 = arith.constant 0 : i32
        %dma_start3A_639 = tpu.memref_slice %arg7[%mul3A_637, %dma_start3A_638] : memref<80x128xf32, #tpu.memory_space<hbm>> -> memref<16x128xf32, #tpu.memory_space<hbm>>
        %dma_start3A_640 = arith.constant 0 : i32
        %dma_start3A_641 = tpu.memref_slice %arg23[%mul3A_635, %dma_start3A_640] : memref<80x128xf32, #tpu.memory_space<vmem_shared>> -> memref<16x128xf32, #tpu.memory_space<vmem_shared>>
        tpu.enqueue_dma source(%dma_start3A_641 : memref<16x128xf32, #tpu.memory_space<vmem_shared>>) target(%dma_start3A_639 : memref<16x128xf32, #tpu.memory_space<hbm>>) target_semaphore(%run_scoped3A : memref<!tpu.dma_semaphore, #tpu.memory_space<semaphore_mem>>)
        %dma_wait3A_642 = arith.constant 0 : i32
        %dma_wait3A_643 = tpu.memref_slice %arg7[%mul3A_637, %dma_wait3A_642] : memref<80x128xf32, #tpu.memory_space<hbm>> -> memref<16x128xf32, #tpu.memory_space<hbm>>
        %dma_wait3A_644 = arith.constant 0 : i32
        %dma_wait3A_645 = tpu.memref_slice %arg23[%mul3A_635, %dma_wait3A_644] : memref<80x128xf32, #tpu.memory_space<vmem_shared>> -> memref<16x128xf32, #tpu.memory_space<vmem_shared>>
        tpu.wait_dma2 semaphore(%run_scoped3A : memref<!tpu.dma_semaphore, #tpu.memory_space<semaphore_mem>>) src(%dma_wait3A_645 : memref<16x128xf32, #tpu.memory_space<vmem_shared>>) dst(%dma_wait3A_643 : memref<16x128xf32, #tpu.memory_space<hbm>>)
        tpu.yield
      }) : () -> ()
    } else {
    }
    return
  }
}

</mosaic_0001>

<sc_bundles>
// kernel: _sc_agg.3.cloned.1.call-start
scs
__scs_entry_jumppad:
0x0: {  	(pc) =	sbr.rel $0x88, $3  }
0x1: {  	(tag) =	ssettag $0x0;
	lr =	simm.s32 $0x1  }
0x2: {  	[smem:$0x3F9E] =	sst lr;
	_ =	strace $0xD0000000  }
0x3: {  	_ = 	snop  }
0x4: {  	_ = 	snop  }
0x5: {  	_ = 	snop  }
0x6: {  	_ = 	snop  }
0x7: {  	_ = 	snop  }
__scs_overlays_trampoline_lowered:
0x8: {  	[smem:$0x3FAD] =	sst s0  }
0x9: {  	[smem:$0x3FAE] =	sst s1  }
0xa: {  	[smem:$0x3FAF] =	sst s2  }
0xb: {  	[smem:$0x3FB0] =	sst s3  }
0xc: {  	[smem:$0x3FB1] =	sst s4  }
0xd: {  	[smem:$0x3FB2] =	sst s5  }
0xe: {  	[smem:$0x3FB3] =	sst s6  }
0xf: {  	[smem:$0x3FB4] =	sst s7  }
0x10: {  	[smem:$0x3FB5] =	sst s8  }
0x11: {  	[smem:$0x3FB6] =	sst s9;
	s0 =	simm.s32 @!p0 $0x0  }
0x12: {  	s1 =	sld [smem:$0x3F9C];
	s0 =	simm.s32 @p0 $0x1  }
0x13: {  	[smem:$0x3FB7] =	sst s0;
	s0 =	simm.s32 @!p1 $0x0  }
0x14: {  	s2 =	sld [smem:$0x3F9B];
	s0 =	simm.s32 @p1 $0x1  }
0x15: {  	[smem:$0x3FB8] =	sst s0;
	s0 =	simm.s32 @!p2 $0x0  }
0x16: {  	s3 =	sld [smem:$0x3FDB];
	s0 =	simm.s32 @p2 $0x1  }
0x17: {  	s4 =	simm.s32 $0x1BF5;
	[smem:$0x3FBA] =	sst s0  }
0x18: {  	s0 =	sld [smem:$0x3F9D];
	_ =	swait.ge [sflag:s4], $0x0  }
0x19: {  	s7 =	sld [smem:$0x3F9E]  }
0x1a: {  	s8 =	sadd.s32 $0xFFFFE003, lr  }
0x1b: {  	s9 =	sadd.s32 $0xFFFFFEF7, lr;
	s5 =	simm.s32 $0xFFFFFFFF;
	p2 =	slt.u32 s8, $0xFFFFF086  }
0x1c: {  	p1 =	slt.u32 s9, $0xF7A;
	s5 =	simm.s32 @!p2 $0x0  }
0x1d: {  	s5 =	simm.s32 @p1 $0x1;
	p0 =	seq.s32 s7, s2  }
0x1e: {  	s7 =	smul.u32 @!p0 $0xF7A, s2;
	p2 =	seq.s32 @!p0 s5, $0x0  }
0x1f: {  	s9 =	smul.u32 $0xF7A, s1;
	s8 =	simm.s32 @!p0 $0x1BF5;
	p2 =	por !p2, p0  }
0x20: {  	[sflag:s8] =	ssyncset.s32 @!p0 $0xFFFFF086;
	s6 =	sadd.s32 @!p0 s3, s7;
	s7 =	simm.s32 @!p0 $0x108  }
0x21: {  	s3 =	sadd.s32 s3, s9;
	s6 =	sadd.s32 @!p0 $0x88, s6;
	s7 =	simm.s32 @p2 $0x1082  }
0x22: {  	[simem:s7], [sflag:s8] =	dma.local @!p0 [hbm:s6], $0xF7A  }
0x23: {  	s9 =	sor.u32 $0xD0000000, s2;
	s6 =	simm.s32 $0x108;
	_ =	swait.ge @!p0 [sflag:s8], $0x0  }
0x24: {  	s3 =	sadd.s32 $0x88, s3;
	s6 =	simm.s32 @!p1 $0x1082;
	[sflag:s4] =	ssyncset.s32 $0xFFFFF086  }
0x25: {  	[simem:s6], [sflag:s4] =	dma.local [hbm:s3], $0xF7A  }
0x26: {  	[smem:$0x3F9E] =	sst s1;
	(tag) =	ssettag s2;
	_ =	strace s9  }
0x27: {  	s1 =	sld [smem:$0x3FAE]  }
0x28: {  	s2 =	sld [smem:$0x3FAF]  }
0x29: {  	s4 =	sld [smem:$0x3FB1]  }
0x2a: {  	p0 =	seq.s32 s5, $0x0;
	s5 =	sld [smem:$0x3FB2]  }
0x2b: {  	s6 =	sld [smem:$0x3FB3]  }
0x2c: {  	s7 =	sld [smem:$0x3FB4]  }
0x2d: {  	s3 =	simm.s32 $0x108;
	s8 =	sld [smem:$0x3FB5]  }
0x2e: {  	s3 =	simm.s32 @!p0 $0x1082;
	s9 =	sld [smem:$0x3FB6]  }
0x2f: {  	lr =	sadd.s32 s0, s3;
	s0 =	sld [smem:$0x3FAD]  }
0x30: {  	s3 =	sld [smem:$0x3FB0]  }
0x31: {  	[smem:$0x3FB9] =	sst s10  }
0x32: {  	s10 =	sld [smem:$0x3FB7];
	_ =	sdelay $0x3  }
0x33: {  	p0 =	seq.s32 s10, $0x1;
	s10 =	sld [smem:$0x3FB9];
	_ =	sdelay $0x3  }
0x34: {  	[smem:$0x3FB9] =	sst s10  }
0x35: {  	s10 =	sld [smem:$0x3FB8];
	_ =	sdelay $0x3  }
0x36: {  	p1 =	seq.s32 s10, $0x1;
	s10 =	sld [smem:$0x3FB9];
	_ =	sdelay $0x3  }
0x37: {  	[smem:$0x3FB9] =	sst s10  }
0x38: {  	s10 =	sld [smem:$0x3FBA]  }
0x39: {  	_ = 	snop;
	(pc) =	sbr.ind lr, $3  }
0x3a: {  	_ = 	snop  }
0x3b: {  	_ = 	snop  }
0x3c: {  	p2 =	seq.s32 s10, $0x1;
	s10 =	sld [smem:$0x3FB9]  }
0x3d: {  	_ =	shalt  }
0x3e: {  	_ =	shalt  }
0x3f: {  	_ =	shalt  }
0x40: {  	_ =	shalt  }
0x41: {  	_ =	shalt  }
0x42: {  	_ =	shalt  }
0x43: {  	_ =	shalt  }
0x44: {  	_ =	shalt  }
0x45: {  	_ =	shalt  }
0x46: {  	_ =	shalt  }
0x47: {  	_ =	shalt  }
0x48: {  	_ =	shalt  }
0x49: {  	_ =	shalt  }
0x4a: {  	_ =	shalt  }
0x4b: {  	_ =	shalt  }
0x4c: {  	_ =	shalt  }
0x4d: {  	_ =	shalt  }
0x4e: {  	_ =	shalt  }
0x4f: {  	_ =	shalt  }
0x50: {  	_ =	shalt  }
0x51: {  	_ =	shalt  }
0x52: {  	_ =	shalt  }
0x53: {  	_ =	shalt  }
0x54: {  	_ =	shalt  }
0x55: {  	_ =	shalt  }
0x56: {  	_ =	shalt  }
0x57: {  	_ =	shalt  }
0x58: {  	_ =	shalt  }
0x59: {  	_ =	shalt  }
0x5a: {  	_ =	shalt  }
0x5b: {  	_ =	shalt  }
0x5c: {  	_ =	shalt  }
0x5d: {  	_ =	shalt  }
0x5e: {  	_ =	shalt  }
0x5f: {  	_ =	shalt  }
0x60: {  	_ =	shalt  }
0x61: {  	_ =	shalt  }
0x62: {  	_ =	shalt  }
0x63: {  	_ =	shalt  }
0x64: {  	_ =	shalt  }
0x65: {  	_ =	shalt  }
0x66: {  	_ =	shalt  }
0x67: {  	_ =	shalt  }
0x68: {  	_ =	shalt  }
0x69: {  	_ =	shalt  }
0x6a: {  	_ =	shalt  }
0x6b: {  	_ =	shalt  }
0x6c: {  	_ =	shalt  }
0x6d: {  	_ =	shalt  }
0x6e: {  	_ =	shalt  }
0x6f: {  	_ =	shalt  }
0x70: {  	_ =	shalt  }
0x71: {  	_ =	shalt  }
0x72: {  	_ =	shalt  }
0x73: {  	_ =	shalt  }
0x74: {  	_ =	shalt  }
0x75: {  	_ =	shalt  }
0x76: {  	_ =	shalt  }
0x77: {  	_ =	shalt  }
0x78: {  	_ =	shalt  }
0x79: {  	_ =	shalt  }
0x7a: {  	_ =	shalt  }
0x7b: {  	_ =	shalt  }
0x7c: {  	_ =	shalt  }
0x7d: {  	_ =	shalt  }
0x7e: {  	_ =	shalt  }
0x7f: {  	_ =	shalt  }
0x80: {  	_ =	shalt  }
0x81: {  	_ =	shalt  }
0x82: {  	_ =	shalt  }
0x83: {  	_ =	shalt  }
0x84: {  	_ =	shalt  }
0x85: {  	_ =	shalt  }
0x86: {  	_ =	shalt  }
0x87: {  	_ =	shalt  }
.Lfunc_end0:
.L_simem_size_0:
called_computation_lowered:
.L_overlay_start_0:
0x88: {  	s2 =	sld [smem:$0x3FD9]  }
0x89: {  	s3 =	sld [smem:$0x3FFE];
	_ =	sdelay $0x1  }
0x8a: {  	s1 =	srdreg.scid  }
0x8b: {  	s0 =	sand.u32 $0x1, s1  }
0x8c: {  	s15 =	sshll.u32 s0, $0xA;
	s2 =	sadd.s32 s3, s2  }
0x8d: {  	s2 =	sadd.s32 s2, s15  }
0x8e: {  	[smem:$0x3FC5] =	sst s2  }
0x8f: {  	_ = 	snop  }
0x90: {  	s2 =	sld [smem:$0x3FD0]  }
0x91: {  	s16 =	sld [smem:$0x3FC9]  }
0x92: {  	s4 =	sld [smem:$0x3FC8]  }
0x93: {  	s6 =	simm.s32 $0xA;
	s7 =	simm.s32 $0x10;
	s5 =	sld [smem:$0x3FC7]  }
0x94: {  	[smem:s7], [sflag:s6] =	dma.local [hbm:s2], $0x1  }
0x95: {  	_ =	swait.eq [sflag:s6], $0x1  }
0x96: {  	s17 =	sld [smem:$0x10];
	[sflag:s6] =	ssyncset.done $0x0  }
0x97: {  	s18 =	sld [smem:$0x11];
	[sflag:s6] =	ssyncadd.s32 $0xFFFFFFFF  }
0x98: {  	s19 =	sld [smem:$0x12];
	(tm) =	ssettm $0x1  }
0x99: {  	s8 =	sld [smem:$0x3FFB];
	_ =	sdelay $0x3  }
0x9a: {  	_ =	strace s8  }
0x9b: {  	s8 =	sld [smem:$0x3FFC];
	_ =	sdelay $0x3  }
0x9c: {  	_ =	strace s8  }
0x9d: {  	s8 =	sld [smem:$0x3FFD];
	_ =	sdelay $0x3  }
0x9e: {  	_ =	strace s8  }
0x9f: {  	_ =	strace $0x8FFFFFFF  }
0xa0: {  	s20 =	sld [smem:$0x3FDB];
	_ =	sdelay $0x1  }
0xa1: {  	s9 =	simm.s32 $_scs_section_size  }
0xa2: {  	s10 =	simm.s32 $_size__tile_overlayer_lowered;
	s11 =	simm.s32 $_tile_overlayer_lowered  }
0xa3: {  	s23 =	simm.s32 $0x1BFF;
	s22 =	sshll.u32 s11, $0x1;
	s8 =	sadd.s32 s9, s20  }
0xa4: {  	s12 =	simm.s32 $0x0;
	s21 =	sshll.u32 s10, $0x1;
	s10 =	sadd.s32 s22, s8  }
0xa5: {  	[timem:s12], [sflag:s23] =	dma.local [hbm:s10], s21  }
0xa6: {  	_ =	swait.ge [sflag:s23], s21  }
0xa7: {  	s9 =	ssub.s32 $0x0, s21;
	[sflag:s23] =	ssyncset.done $0x0  }
0xa8: {  	[sflag:s23] =	ssyncadd.s32 s9;
	_ =	sdelay $0x1  }
0xa9: {  	s24 =	simm.s32 $0x1B8B  }
0xaa: {  	_ =	swait.ge [sflag:s24], $0x1  }
0xab: {  	[sflag:s24] =	ssyncset.done $0x0  }
0xac: {  	s25 =	simm.s32 $0x1B8E;
	[sflag:s24] =	ssyncadd.s32 $0xFFFFFFFF  }
0xad: {  	s26 =	simm.s32 $execute0_lowered;
	[smem:$0x3FD2] =	sst s25  }
0xae: {  	s9 =	sshll.u32 s26, $0x1;
	_ =	strace $0x80000046;
	[dreg:$0x1] =	wrdreg $0xFFFFFFFF  }
0xaf: {  	s28 =	simm.s32 $_size_execute0_lowered;
	s8 =	sadd.s32 s8, s9;
	[dreg:$0x0] =	wrdreg $0x0  }
0xb0: {  	s9 =	sshll.u32 s28, $0x1;
	[dreg:$0x2] =	wrdreg s8  }
0xb1: {  	[dreg:$0x3] =	wrdreg s9  }
0xb2: {  	[dreg:$0x4] =	wrdreg $0xC0  }
0xb3: {  	_ =	task [dreg:s12], $0x5FFFF  }
0xb4: {  	[dreg:$0x1] =	wrdreg $0xFFFFFFFF  }
0xb5: {  	[dreg:$0x0] =	wrdreg $0x60  }
0xb6: {  	[dreg:$0x2] =	wrdreg s16  }
0xb7: {  	[dreg:$0x3] =	wrdreg s4  }
0xb8: {  	[dreg:$0x4] =	wrdreg s5  }
0xb9: {  	[dreg:$0x5] =	wrdreg s17  }
0xba: {  	[dreg:$0x6] =	wrdreg s18  }
0xbb: {  	[dreg:$0x7] =	wrdreg s19  }
0xbc: {  	[dreg:$0x8] =	wrdreg $0xAD800  }
0xbd: {  	[dreg:$0x9] =	wrdreg $0x1E9800  }
0xbe: {  	[dreg:$0xa] =	wrdreg $0x9  }
0xbf: {  	_ =	task.clear_ibuf [dreg:s12], $0xBFFFF;
	_ =	strace $0x90000046  }
0xc0: {  	s29 =	simm.s32 $0x9;
	_ =	strace $0x80000048  }
0xc1: {  	_ =	swait.ge [sflag:s29], $0x1  }
0xc2: {  	[sflag:s29] =	ssyncadd.s32 $0xFFFFFFFF  }
0xc3: {  	_ =	strace $0x90000048  }
0xc4: {  	_ =	sfence  }
0xc5: {  	s30 =	sld [smem:$0x0];
	_ =	sdelay $0x2  }
0xc6: {  	s31 =	sshll.u32 s1, $0xD;
	s1 =	sshrl.u32 s1, $0x2  }
0xc7: {  	s3 =	sand.u32 $0x4000, s31;
	s1 =	sadd.s32 s1, s30  }
0xc8: {  	s0 =	sor.u32 s3, s0;
	s1 =	sshll.u32 s1, $0x11  }
0xc9: {  	s0 =	sor.u32 s1, s0  }
0xca: {  	s0 =	sadd.s32 $0x8F2B, s0  }
0xcb: {  	[sflag:s0] =	ssyncadd.remote.s32 $0x1  }
0xcc: {  	_ =	sfence.sel $0xFFFF  }
0xcd: {  	[dreg:$0x0] =	wrdreg $0xFFFFFFFF;
	(pc) =	sbr.abs _section_cstart, $3  }
0xce: {  	[dreg:$0x1] =	wrdreg $0xFFFFFFFF  }
0xcf: {  	_ =	task.clear_ibuf [dreg:s12], $0x2FFFF;
	_ =	strace $0x9FFFFFFF  }
0xd0: {  	(tm) =	ssettm $0x7FFFFFFF  }
0xd1: {  	_ =	shalt  }
tec
execute0_lowered:
.L_overlay_start_1:
0x0: {  	(tag) =	ssettag $0x1  }
0x1: {  	s0 =	rddreg [dreg:$0x0]  }
0x2: {  	s1 =	rddreg [dreg:$0x1]  }
0x3: {  	s2 =	rddreg [dreg:$0x2]  }
0x4: {  	s4 =	rddreg [dreg:$0x3]  }
0x5: {  	s5 =	rddreg [dreg:$0x4]  }
0x6: {  	s6 =	rddreg [dreg:$0x5]  }
0x7: {  	s3 =	rddreg [dreg:$0x6];
	s7 =	srdreg.scid  }
0x8: {  	s17 =	stileid.u32;
	s31 =	rddreg [dreg:$0x7]  }
0x9: {  	s28 =	simm.s32 $0x4;
	s8 =	sand.u32 $0x1, s7;
	s12 =	smul.u32 $0x4F000, s17  }
0xa: {  	s9 =	sshll.u32 s17, $0x1;
	s7 =	simm.s32 $0x0;
	s14 =	smul.u32 $0x4E20, s17  }
0xb: {  	s16 =	smul.u32 $0x13C00, s17;
	p2 =	slt.u32 s17, $0x5;
	s9 =	sor.u32 s8, s9  }
0xc: {  	[smem:$0x7FF] =	sst s7;
	s10 =	ssub.s32 $0x2, s8;
	s25 =	smul.u32 $0x13C000, s8  }
0xd: {  	s29 =	smul.u32 $0x2710, s8;
	p1 =	seq.s32 s8, $0x0;
	p0 =	seq.s32 s8, $0x1  }
0xe: {  	s9 =	smul.u32 $0x2710, s9;
	_ =	strace $0x80000047;
	s11 =	sshrl.u32 s10, $0x1  }
0xf: {  	s12 =	sshrl.u32 s12, $0x2;
	p1 =	por !p2, !p1;
	p0 =	por !p2, !p0  }
0x10: {  	s10 =	ssub.s32 s10, s11;
	s12 =	sadd.s32 s12, s3;
	s11 =	sadd.s32 s16, s25  }
0x11: {  	p1 =	por !p1, !p1;
	p2 =	por !p0, !p0;
	s9 =	sshrl.u32 s9, $0x3  }
0x12: {  	p0 =	sne.s32 s17, $0x0;
	s11 =	sshrl.u32 s11, $0x3;
	s24 =	sadd.s32 s1, s9  }
0x13: {  	s13 =	sadd.s32 s2, s9;
	s26 =	sadd.s32 $0x10, s9;
	[dreg:$0xf] =	wrdreg s24  }
0x14: {  	s30 =	sadd.s32 $0x20, s9;
	s4 =	sadd.s32 s4, s11;
	[dreg:$0x10] =	wrdreg s13  }
0x15: {  	s19 =	sadd.s32 $0x30, s9;
	s15 =	sadd.s32 s1, s26;
	[dreg:$0x16] =	wrdreg s4  }
0x16: {  	s8 =	sadd.s32 $0x4C0, s9;
	s13 =	sadd.s32 s2, s26;
	[dreg:$0x11] =	wrdreg s15  }
0x17: {  	s18 =	sadd.s32 s1, s30;
	s20 =	sadd.s32 s1, s19;
	[dreg:$0x12] =	wrdreg s13  }
0x18: {  	s22 =	sadd.s32 s2, s19;
	s26 =	sshll.u32 s17, $0x8;
	[dreg:$0x13] =	wrdreg s18  }
0x19: {  	s16 =	sadd.s32 s2, s8;
	s13 =	sadd.s32 s29, s14;
	[dreg:$0x15] =	wrdreg s20  }
0x1a: {  	s15 =	sadd.s32 s2, s30;
	[dreg:$0x17] =	wrdreg s22;
	s5 =	sadd.s32 s5, s26  }
0x1b: {  	s6 =	sadd.s32 s6, s26;
	[dreg:$0x1b] =	wrdreg s16;
	s22 =	sshll.u32 s17, $0xB  }
0x1c: {  	s26 =	sadd.s32 $0x8000, s12;
	s16 =	simm.s32 $0x4580;
	[dreg:$0x14] =	wrdreg s15  }
0x1d: {  	s18 =	sadd.s32 $0x380, s13;
	s23 =	sadd.s32 $0x300, s13;
	[dreg:$0x18] =	wrdreg s5  }
0x1e: {  	s29 =	sadd.s32 $0x280, s13;
	[dreg:$0x19] =	wrdreg s6;
	s15 =	sadd.s32 $0x4D0, s9  }
0x1f: {  	[smem:$0x7FB] =	sst s26;
	s14 =	sshrl.u32 s18, $0x3;
	s19 =	sadd.s32 s1, s15  }
0x20: {  	s4 =	sshrl.u32 s23, $0x3;
	s23 =	smax.u32 s10, $0x1;
	[dreg:$0x1c] =	wrdreg s19  }
0x21: {  	s30 =	sshrl.u32 s29, $0x3;
	s29 =	sadd.s32 $0xC000, s12;
	[smem:$0x7F8] =	sst s23  }
0x22: {  	s17 =	simm.s32 $0x100;
	s21 =	sadd.s32 s14, s2;
	[smem:$0x7FC] =	sst s29  }
0x23: {  	s5 =	simm.s32 $0x0;
	s24 =	sadd.s32 s14, s1;
	[dreg:$0x9] =	wrdreg s21  }
0x24: {  	s18 =	sadd.s32 $0x4E0, s9;
	s25 =	sadd.s32 s4, s2;
	[dreg:$0xa] =	wrdreg s24  }
0x25: {  	s9 =	simm.s32 $0x280;
	s4 =	sadd.s32 s4, s1;
	[dreg:$0xb] =	wrdreg s25  }
0x26: {  	s10 =	simm.s32 $0x580;
	s6 =	sadd.s32 s30, s2;
	[dreg:$0xc] =	wrdreg s4  }
0x27: {  	s11 =	sadd.s32 s30, s1;
	s14 =	sadd.s32 s1, s8;
	[dreg:$0xd] =	wrdreg s6  }
0x28: {  	s20 =	sadd.s32 s1, s18;
	s30 =	sadd.s32 $0x10000, s12;
	[dreg:$0x1a] =	wrdreg s14  }
0x29: {  	s8 =	simm.s32 $0x80;
	s19 =	simm.s32 $0x8580;
	[dreg:$0xe] =	wrdreg s11  }
0x2a: {  	s23 =	simm.s32 $0x180;
	s4 =	sadd.s32 s2, s15;
	[dreg:$0x1e] =	wrdreg s20  }
0x2b: {  	s21 =	sadd.s32 s2, s18;
	s24 =	sadd.s32 $0x200, s13;
	s25 =	sadd.s32 $0x4000, s12  }
0x2c: {  	[smem:$0x7FD] =	sst s30;
	s6 =	simm.s32 $0x200;
	s11 =	simm.s32 $0x9  }
0x2d: {  	s13 =	simm.s32 $0x1;
	s14 =	simm.s32 $0x5;
	[dreg:$0x1d] =	wrdreg s4  }
0x2e: {  	s15 =	simm.s32 $0x2;
	s18 =	simm.s32 $0x300;
	[dreg:$0x1f] =	wrdreg s21  }
0x2f: {  	v0 =	vlaneseq.u32;
	s20 =	simm.s32 $0x6;
	s4 =	sadd.s32 s22, s31;
	[smem:$0x7F9] =	sst s24  }
0x30: {  	v1 =	vimm.f32 $0.0e+00;
	v6 =	vimm.f32 $1.000000000e+00;
	v2 =	vor.u32 $0x10, v0;
	[smem:$0x7FA] =	sst s25;
	s21 =	simm.s32 $0x7;
	s22 =	simm.s32 $0x3  }
0x31: {  	v3 =	vor.u32 $0x20, v0;
	v4 =	vor.u32 $0x30, v0;
	v5 =	vor.u32 $0x40, v0;
	s24 =	simm.s32 $0x380;
	s25 =	simm.s32 $0x8;
	[smem:$0x7F7] =	sst s4  }
.LBB2_1:
0x32: {  	s4 =	rddreg [dreg:$0xf]  }
0x33: {  	[tilespmem:s7], [sflag:$0x1] =	stream.linear.gather [hbm4b:s4+s7], $0x80, $0x38;
	[tilespmem:$0x1EC00] =	vst v63  }
0x34: {  	s26 =	rddreg [dreg:$0x10]  }
0x35: {  	[tilespmem:s6], [sflag:$0x1] =	stream.linear.gather [hbm4b:s26+s7], $0x80, $0x38;
	[tilespmem:$0x1EC00] =	vst v63  }
0x36: {  	s26 =	rddreg [dreg:$0x11]  }
0x37: {  	[tilespmem:s8], [sflag:$0x2] =	stream.linear.gather [hbm4b:s26+s7], $0x80, $0x38;
	[tilespmem:$0x1EC00] =	vst v63  }
0x38: {  	s29 =	simm.s32 $0x0;
	s30 =	simm.s32 $0x200;
	s26 =	rddreg [dreg:$0x12]  }
0x39: {  	[tilespmem:s9], [sflag:$0x2] =	stream.linear.gather [hbm4b:s26+s7], $0x80, $0x38;
	[tilespmem:$0x1EC00] =	vst v63  }
.LBB2_2:
0x3a: {  	p3 =	sne.s32 s30, $0xFE00;
	[tilespmem:s29+$0x5F0] =	vst v1  }
0x3b: {  	[tilespmem:s29+$0x580] =	vst v1  }
0x3c: {  	[tilespmem:s29+$0x590] =	vst v1  }
.Ltmp0:
0x3d: {  	[tilespmem:s29+$0x5A0] =	vst v1;
	(pc) =	sbr.rel @p3 .LBB2_2-.Ltmp0, $4  }
0x3e: {  	[tilespmem:s29+$0x5B0] =	vst v1  }
0x3f: {  	[tilespmem:s29+$0x5C0] =	vst v1  }
0x40: {  	[tilespmem:s29+$0x5D0] =	vst v1  }
0x41: {  	[tilespmem:s29+$0x5E0] =	vst v1;
	s29 =	sshra.s32 s30, $0x2;
	s30 =	sadd.s32 $0x200, s30  }
0x42: {  	[tilespmem:s29+$0x5F0] =	vst v1  }
0x43: {  	[tilespmem:s29+$0x580] =	vst v1  }
0x44: {  	[tilespmem:s29+$0x590] =	vst v1  }
0x45: {  	[tilespmem:s29+$0x5A0] =	vst v1  }
0x46: {  	[tilespmem:s29+$0x5B0] =	vst v1  }
0x47: {  	[tilespmem:s29+$0x5C0] =	vst v1  }
0x48: {  	[tilespmem:s29+$0x5D0] =	vst v1  }
0x49: {  	[tilespmem:s29+$0x5E0] =	vst v1  }
0x4a: {  	[spmem:s12] =	stream.linear.scatter [tilespmem:s10], [sflag:$0x9], $0x4000, $0x38;
	[tilespmem:$0x1EC00] =	vst v63  }
0x4b: {  	_ =	swait.ge [sflag:s11], $0x4000  }
0x4c: {  	s4 =	sld [smem:$0x7FA]  }
0x4d: {  	[sflag:s11] =	ssyncset.done $0x0  }
0x4e: {  	[sflag:s11] =	ssyncadd.s32 $0xFFFFC000  }
0x4f: {  	[spmem:s4] =	stream.linear.scatter [tilespmem:s10], [sflag:$0x9], $0x4000, $0x38;
	[tilespmem:$0x1EC00] =	vst v63  }
0x50: {  	_ =	swait.ge [sflag:s11], $0x4000  }
0x51: {  	s26 =	smov.u32 s12;
	s12 =	sld [smem:$0x7FB]  }
0x52: {  	[sflag:s11] =	ssyncset.done $0x0  }
0x53: {  	[sflag:s11] =	ssyncadd.s32 $0xFFFFC000  }
0x54: {  	[spmem:s12] =	stream.linear.scatter [tilespmem:s10], [sflag:$0x9], $0x4000, $0x38;
	[tilespmem:$0x1EC00] =	vst v63  }
0x55: {  	_ =	swait.ge [sflag:s11], $0x4000  }
0x56: {  	s12 =	sld [smem:$0x7FC]  }
0x57: {  	[sflag:s11] =	ssyncset.done $0x0  }
0x58: {  	[sflag:s11] =	ssyncadd.s32 $0xFFFFC000  }
0x59: {  	[spmem:s12] =	stream.linear.scatter [tilespmem:s10], [sflag:$0x9], $0x4000, $0x38;
	[tilespmem:$0x1EC00] =	vst v63  }
0x5a: {  	_ =	swait.ge [sflag:s11], $0x4000  }
0x5b: {  	s12 =	sld [smem:$0x7FD]  }
0x5c: {  	[sflag:s11] =	ssyncset.done $0x0  }
0x5d: {  	[sflag:s11] =	ssyncadd.s32 $0xFFFFC000  }
0x5e: {  	[spmem:s12] =	stream.linear.scatter [tilespmem:s10], [sflag:$0x9], $0x3C00, $0x38;
	[tilespmem:$0x1EC00] =	vst v63  }
0x5f: {  	_ =	swait.ge [sflag:s11], $0x3C00  }
0x60: {  	[sflag:s11] =	ssyncset.done $0x0  }
0x61: {  	s29 =	simm.s32 @!p0 $0x580;
	[sflag:s11] =	ssyncadd.s32 $0xFFFFC400  }
0x62: {  	[spmem:s31] =	stream.linear.scatter @!p0 [tilespmem:s29], [sflag:$0x9], $0x2800, $0x38;
	[tilespmem:$0x1EC00] =	vst v63  }
0x63: {  	s29 =	simm.s32 @!p0 $0x9  }
0x64: {  	_ =	swait.ge @!p0 [sflag:s29], $0x2800  }
0x65: {  	[sflag:s29] =	ssyncset.done @!p0 $0x0  }
0x66: {  	[sflag:s29] =	ssyncadd.s32 @!p0 $0xFFFFD800  }
0x67: {  	_ =	swait.ge [sflag:s13], $0x80  }
0x68: {  	[sflag:s13] =	ssyncset.done $0x0  }
0x69: {  	[sflag:s13] =	ssyncadd.s32 $0xFFFFFF80  }
0x6a: {  	_ =	swait.ge [sflag:s13], $0x80  }
0x6b: {  	[sflag:s13] =	ssyncset.done $0x0  }
0x6c: {  	s29 =	simm.s32 $0x0;
	[sflag:s13] =	ssyncadd.s32 $0xFFFFFF80  }
0x6d: {  	[tilespmem:s10], [sflag:$0x5] =	stream.indirect.gather [hbm4b:s0+s8], $0x80, s29, s8, $0xb8;
	[tilespmem:$0x1EC00] =	vst v63  }
0x6e: {  	s30 =	simm.s32 $0x200;
	s12 =	smov.u32 s31;
	s29 =	simm.s32 $0x0  }
.LBB2_4:
0x6f: {  	p3 =	sne.s32 s30, $0x9E00;
	[tilespmem:s29+$0x85F0] =	vst v1  }
0x70: {  	[tilespmem:s29+$0x8580] =	vst v1  }
0x71: {  	[tilespmem:s29+$0x8590] =	vst v1  }
.Ltmp1:
0x72: {  	[tilespmem:s29+$0x85A0] =	vst v1;
	(pc) =	sbr.rel @p3 .LBB2_4-.Ltmp1, $4  }
0x73: {  	[tilespmem:s29+$0x85B0] =	vst v1  }
0x74: {  	[tilespmem:s29+$0x85C0] =	vst v1  }
0x75: {  	[tilespmem:s29+$0x85D0] =	vst v1  }
0x76: {  	[tilespmem:s29+$0x85E0] =	vst v1;
	s29 =	sshra.s32 s30, $0x2;
	s30 =	sadd.s32 $0x200, s30  }
0x77: {  	[tilespmem:s29+$0x85F0] =	vst v1  }
0x78: {  	[tilespmem:s29+$0x8580] =	vst v1  }
0x79: {  	[tilespmem:s29+$0x8590] =	vst v1  }
0x7a: {  	[tilespmem:s29+$0x85A0] =	vst v1  }
0x7b: {  	[tilespmem:s29+$0x85B0] =	vst v1  }
0x7c: {  	[tilespmem:s29+$0x85C0] =	vst v1  }
0x7d: {  	[tilespmem:s29+$0x85D0] =	vst v1  }
0x7e: {  	[tilespmem:s29+$0x85E0] =	vst v1  }
0x7f: {  	[tilespmem:$0x500] =	vst v0  }
0x80: {  	[tilespmem:$0x510] =	vst v2  }
0x81: {  	[tilespmem:$0x520] =	vst v3  }
0x82: {  	[tilespmem:$0x530] =	vst v4  }
0x83: {  	[tilespmem:$0x540] =	vst v5  }
0x84: {  	[bflag:$0x0] =	sbarrier.arrive $0xFFFF  }
0x85: {  	_ =	swait.ge [sflag:s14], $0x4000  }
0x86: {  	[sflag:s14] =	ssyncset.done $0x0  }
0x87: {  	[sflag:s14] =	ssyncadd.s32 $0xFFFFC000  }
0x88: {  	[spmem:s3] =	stream.indirect.scatter.add.f32 [tilespmem:s10], [sflag:$0x7], $0x80, s6, s8, $0xb8;
	[tilespmem:$0x1EC00] =	vst v63  }
0x89: {  	_ =	swait.ge [sflag:s15], $0x80  }
0x8a: {  	[sflag:s15] =	ssyncset.done $0x0  }
0x8b: {  	[sflag:s15] =	ssyncadd.s32 $0xFFFFFF80  }
0x8c: {  	_ =	swait.ge [sflag:s15], $0x80  }
0x8d: {  	[sflag:s15] =	ssyncset.done $0x0  }
0x8e: {  	[sflag:s15] =	ssyncadd.s32 $0xFFFFFF80  }
0x8f: {  	[tilespmem:s16], [sflag:$0x6] =	stream.indirect.gather [hbm4b:s0+s8], $0x80, s8, s8, $0xb8;
	[tilespmem:$0x1EC00] =	vst v63  }
0x90: {  	s29 =	simm.s32 $0x0;
	s4 =	rddreg [dreg:$0x13]  }
0x91: {  	[tilespmem:s17], [sflag:$0x3] =	stream.linear.gather [hbm4b:s4+s29], $0x80, $0x38;
	[tilespmem:$0x1EC00] =	vst v63  }
0x92: {  	s31 =	rddreg [dreg:$0x14]  }
0x93: {  	[tilespmem:s18], [sflag:$0x3] =	stream.linear.gather [hbm4b:s31+s29], $0x80, $0x38;
	[tilespmem:$0x1EC00] =	vst v63  }
0x94: {  	v7 =	vld [tilespmem:$0x200];
	_ =	sdelay $0x7  }
0x95: {  	[tilespmem:v7+s19+$0x0] =	vst.idx.add.f32.msk $0xffff, v6  }
0x96: {  	v7 =	vld [tilespmem:$0x210];
	_ =	sdelay $0x7  }
0x97: {  	[tilespmem:v7+s19+$0x0] =	vst.idx.add.f32.msk $0xffff, v6  }
0x98: {  	v7 =	vld [tilespmem:$0x220];
	_ =	sdelay $0x7  }
0x99: {  	[tilespmem:v7+s19+$0x0] =	vst.idx.add.f32.msk $0xffff, v6  }
0x9a: {  	v7 =	vld [tilespmem:$0x230];
	_ =	sdelay $0x7  }
0x9b: {  	[tilespmem:v7+s19+$0x0] =	vst.idx.add.f32.msk $0xffff, v6  }
0x9c: {  	v7 =	vld [tilespmem:$0x240];
	_ =	sdelay $0x7  }
0x9d: {  	[tilespmem:v7+s19+$0x0] =	vst.idx.add.f32.msk $0xffff, v6  }
0x9e: {  	v7 =	vld [tilespmem:$0x250];
	_ =	sdelay $0x7  }
0x9f: {  	[tilespmem:v7+s19+$0x0] =	vst.idx.add.f32.msk $0xffff, v6  }
0xa0: {  	v7 =	vld [tilespmem:$0x260];
	_ =	sdelay $0x7  }
0xa1: {  	[tilespmem:v7+s19+$0x0] =	vst.idx.add.f32.msk $0xffff, v6  }
0xa2: {  	v7 =	vld [tilespmem:$0x270];
	_ =	sdelay $0x7  }
0xa3: {  	[tilespmem:v7+s19+$0x0] =	vst.idx.add.f32.msk $0xffff, v6  }
0xa4: {  	_ =	swait.ge [sflag:s20], $0x4000  }
0xa5: {  	[sflag:s20] =	ssyncset.done $0x0  }
0xa6: {  	[sflag:s20] =	ssyncadd.s32 $0xFFFFC000  }
0xa7: {  	[spmem:s3] =	stream.indirect.scatter.add.f32 [tilespmem:s16], [sflag:$0x8], $0x80, s9, s8, $0xb8;
	[tilespmem:$0x1EC00] =	vst v63  }
0xa8: {  	_ =	swait.ge [sflag:s21], $0x4000  }
0xa9: {  	[sflag:s21] =	ssyncset.done $0x0  }
0xaa: {  	[sflag:s21] =	ssyncadd.s32 $0xFFFFC000  }
0xab: {  	_ =	swait.ge [sflag:s22], $0x80  }
0xac: {  	[sflag:s22] =	ssyncset.done $0x0  }
0xad: {  	[sflag:s22] =	ssyncadd.s32 $0xFFFFFF80  }
0xae: {  	_ =	swait.ge [sflag:s22], $0x80  }
0xaf: {  	[sflag:s22] =	ssyncset.done $0x0  }
0xb0: {  	[sflag:s22] =	ssyncadd.s32 $0xFFFFFF80  }
0xb1: {  	[tilespmem:s10], [sflag:$0x5] =	stream.indirect.gather [hbm4b:s0+s8], $0x80, s17, s8, $0xb8;
	[tilespmem:$0x1EC00] =	vst v63  }
0xb2: {  	s31 =	rddreg [dreg:$0x15]  }
0xb3: {  	[tilespmem:s23], [sflag:$0x4] =	stream.linear.gather [hbm4b:s31+s29], $0x80, $0x38;
	[tilespmem:$0x1EC00] =	vst v63  }
0xb4: {  	s31 =	rddreg [dreg:$0x17]  }
0xb5: {  	[tilespmem:s24], [sflag:$0x4] =	stream.linear.gather [hbm4b:s31+s29], $0x80, $0x38;
	[tilespmem:$0x1EC00] =	vst v63  }
0xb6: {  	v7 =	vld [tilespmem:$0x280];
	_ =	sdelay $0x7  }
0xb7: {  	[tilespmem:v7+s19+$0x0] =	vst.idx.add.f32.msk $0xffff, v6  }
0xb8: {  	v7 =	vld [tilespmem:$0x290];
	_ =	sdelay $0x7  }
0xb9: {  	[tilespmem:v7+s19+$0x0] =	vst.idx.add.f32.msk $0xffff, v6  }
0xba: {  	v7 =	vld [tilespmem:$0x2A0];
	_ =	sdelay $0x7  }
0xbb: {  	[tilespmem:v7+s19+$0x0] =	vst.idx.add.f32.msk $0xffff, v6  }
0xbc: {  	v7 =	vld [tilespmem:$0x2B0];
	_ =	sdelay $0x7  }
0xbd: {  	[tilespmem:v7+s19+$0x0] =	vst.idx.add.f32.msk $0xffff, v6  }
0xbe: {  	v7 =	vld [tilespmem:$0x2C0];
	_ =	sdelay $0x7  }
0xbf: {  	[tilespmem:v7+s19+$0x0] =	vst.idx.add.f32.msk $0xffff, v6  }
0xc0: {  	v7 =	vld [tilespmem:$0x2D0];
	_ =	sdelay $0x7  }
0xc1: {  	[tilespmem:v7+s19+$0x0] =	vst.idx.add.f32.msk $0xffff, v6  }
0xc2: {  	v7 =	vld [tilespmem:$0x2E0];
	_ =	sdelay $0x7  }
0xc3: {  	[tilespmem:v7+s19+$0x0] =	vst.idx.add.f32.msk $0xffff, v6  }
0xc4: {  	v7 =	vld [tilespmem:$0x2F0];
	_ =	sdelay $0x7  }
0xc5: {  	s30 =	sld [smem:$0x7F9];
	[tilespmem:v7+s19+$0x0] =	vst.idx.add.f32.msk $0xffff, v6  }
.LBB2_6:
0xc6: {  	_ =	swait.ge [sflag:s14], $0x4000  }
0xc7: {  	[sflag:s14] =	ssyncset.done $0x0  }
0xc8: {  	[sflag:s14] =	ssyncadd.s32 $0xFFFFC000  }
0xc9: {  	[spmem:s3] =	stream.indirect.scatter.add.f32 [tilespmem:s10], [sflag:$0x7], $0x80, s18, s8, $0xb8;
	[tilespmem:$0x1EC00] =	vst v63  }
0xca: {  	_ =	swait.ge [sflag:s25], $0x4000  }
0xcb: {  	[sflag:s25] =	ssyncset.done $0x0  }
0xcc: {  	[sflag:s25] =	ssyncadd.s32 $0xFFFFC000  }
0xcd: {  	_ =	swait.ge [sflag:s28], $0x80  }
0xce: {  	[sflag:s28] =	ssyncset.done $0x0  }
0xcf: {  	[sflag:s28] =	ssyncadd.s32 $0xFFFFFF80  }
0xd0: {  	_ =	swait.ge [sflag:s28], $0x80  }
0xd1: {  	[sflag:s28] =	ssyncset.done $0x0  }
0xd2: {  	s31 =	sshrl.u32 s30, $0x3;
	[sflag:s28] =	ssyncadd.s32 $0xFFFFFF80  }
0xd3: {  	[tilespmem:s16], [sflag:$0x6] =	stream.indirect.gather [hbm4b:s0+s8], $0x80, s23, s8, $0xb8;
	[tilespmem:$0x1EC00] =	vst v63  }
0xd4: {  	s4 =	sadd.s32 s1, s31  }
0xd5: {  	[tilespmem:s7], [sflag:$0x1] =	stream.linear.gather [hbm4b:s4+s7], $0x80, $0x38;
	[tilespmem:$0x1EC00] =	vst v63  }
0xd6: {  	s31 =	sadd.s32 s2, s31  }
0xd7: {  	[tilespmem:s6], [sflag:$0x1] =	stream.linear.gather [hbm4b:s31+s7], $0x80, $0x38;
	[tilespmem:$0x1EC00] =	vst v63  }
0xd8: {  	v7 =	vld [tilespmem:$0x300];
	_ =	sdelay $0x7  }
0xd9: {  	[tilespmem:v7+s19+$0x0] =	vst.idx.add.f32.msk $0xffff, v6  }
0xda: {  	v7 =	vld [tilespmem:$0x310];
	_ =	sdelay $0x7  }
0xdb: {  	[tilespmem:v7+s19+$0x0] =	vst.idx.add.f32.msk $0xffff, v6  }
0xdc: {  	v7 =	vld [tilespmem:$0x320];
	_ =	sdelay $0x7  }
0xdd: {  	[tilespmem:v7+s19+$0x0] =	vst.idx.add.f32.msk $0xffff, v6  }
0xde: {  	v7 =	vld [tilespmem:$0x330];
	_ =	sdelay $0x7  }
0xdf: {  	[tilespmem:v7+s19+$0x0] =	vst.idx.add.f32.msk $0xffff, v6  }
0xe0: {  	v7 =	vld [tilespmem:$0x340];
	_ =	sdelay $0x7  }
0xe1: {  	[tilespmem:v7+s19+$0x0] =	vst.idx.add.f32.msk $0xffff, v6  }
0xe2: {  	v7 =	vld [tilespmem:$0x350];
	_ =	sdelay $0x7  }
0xe3: {  	[tilespmem:v7+s19+$0x0] =	vst.idx.add.f32.msk $0xffff, v6  }
0xe4: {  	v7 =	vld [tilespmem:$0x360];
	_ =	sdelay $0x7  }
0xe5: {  	[tilespmem:v7+s19+$0x0] =	vst.idx.add.f32.msk $0xffff, v6  }
0xe6: {  	v7 =	vld [tilespmem:$0x370];
	_ =	sdelay $0x7  }
0xe7: {  	[tilespmem:v7+s19+$0x0] =	vst.idx.add.f32.msk $0xffff, v6  }
0xe8: {  	_ =	swait.ge [sflag:s20], $0x4000  }
0xe9: {  	[sflag:s20] =	ssyncset.done $0x0  }
0xea: {  	[sflag:s20] =	ssyncadd.s32 $0xFFFFC000  }
0xeb: {  	[spmem:s3] =	stream.indirect.scatter.add.f32 [tilespmem:s16], [sflag:$0x8], $0x80, s24, s8, $0xb8;
	[tilespmem:$0x1EC00] =	vst v63  }
0xec: {  	_ =	swait.ge [sflag:s21], $0x4000  }
0xed: {  	[sflag:s21] =	ssyncset.done $0x0  }
0xee: {  	[sflag:s21] =	ssyncadd.s32 $0xFFFFC000  }
0xef: {  	_ =	swait.ge [sflag:s13], $0x80  }
0xf0: {  	[sflag:s13] =	ssyncset.done $0x0  }
0xf1: {  	[sflag:s13] =	ssyncadd.s32 $0xFFFFFF80  }
0xf2: {  	_ =	swait.ge [sflag:s13], $0x80  }
0xf3: {  	[sflag:s13] =	ssyncset.done $0x0  }
0xf4: {  	s4 =	rddreg [dreg:$0xe];
	[sflag:s13] =	ssyncadd.s32 $0xFFFFFF80  }
0xf5: {  	[tilespmem:s10], [sflag:$0x5] =	stream.indirect.gather [hbm4b:s0+s8], $0x80, s7, s8, $0xb8;
	[tilespmem:$0x1EC00] =	vst v63  }
0xf6: {  	s31 =	rddreg [dreg:$0xd];
	s4 =	sadd.s32 s29, s4  }
0xf7: {  	[tilespmem:s8], [sflag:$0x2] =	stream.linear.gather [hbm4b:s4+s7], $0x80, $0x38;
	[tilespmem:$0x1EC00] =	vst v63  }
0xf8: {  	s31 =	sadd.s32 s29, s31  }
0xf9: {  	[tilespmem:s9], [sflag:$0x2] =	stream.linear.gather [hbm4b:s31+s7], $0x80, $0x38;
	[tilespmem:$0x1EC00] =	vst v63  }
0xfa: {  	v7 =	vld [tilespmem:$0x380];
	_ =	sdelay $0x7  }
0xfb: {  	[tilespmem:v7+s19+$0x0] =	vst.idx.add.f32.msk $0xffff, v6  }
0xfc: {  	v7 =	vld [tilespmem:$0x390];
	_ =	sdelay $0x7  }
0xfd: {  	[tilespmem:v7+s19+$0x0] =	vst.idx.add.f32.msk $0xffff, v6  }
0xfe: {  	v7 =	vld [tilespmem:$0x3A0];
	_ =	sdelay $0x7  }
0xff: {  	[tilespmem:v7+s19+$0x0] =	vst.idx.add.f32.msk $0xffff, v6  }
0x100: {  	v7 =	vld [tilespmem:$0x3B0];
	_ =	sdelay $0x7  }
0x101: {  	[tilespmem:v7+s19+$0x0] =	vst.idx.add.f32.msk $0xffff, v6  }
0x102: {  	v7 =	vld [tilespmem:$0x3C0];
	_ =	sdelay $0x7  }
0x103: {  	[tilespmem:v7+s19+$0x0] =	vst.idx.add.f32.msk $0xffff, v6  }
0x104: {  	v7 =	vld [tilespmem:$0x3D0];
	_ =	sdelay $0x7  }
0x105: {  	[tilespmem:v7+s19+$0x0] =	vst.idx.add.f32.msk $0xffff, v6  }
0x106: {  	v7 =	vld [tilespmem:$0x3E0];
	_ =	sdelay $0x7  }
0x107: {  	[tilespmem:v7+s19+$0x0] =	vst.idx.add.f32.msk $0xffff, v6  }
0x108: {  	v7 =	vld [tilespmem:$0x3F0];
	_ =	sdelay $0x7  }
0x109: {  	[tilespmem:v7+s19+$0x0] =	vst.idx.add.f32.msk $0xffff, v6  }
0x10a: {  	_ =	swait.ge [sflag:s14], $0x4000  }
0x10b: {  	[sflag:s14] =	ssyncset.done $0x0  }
0x10c: {  	[sflag:s14] =	ssyncadd.s32 $0xFFFFC000  }
0x10d: {  	[spmem:s3] =	stream.indirect.scatter.add.f32 [tilespmem:s10], [sflag:$0x7], $0x80, s6, s8, $0xb8;
	[tilespmem:$0x1EC00] =	vst v63  }
0x10e: {  	_ =	swait.ge [sflag:s25], $0x4000  }
0x10f: {  	[sflag:s25] =	ssyncset.done $0x0  }
0x110: {  	[sflag:s25] =	ssyncadd.s32 $0xFFFFC000  }
0x111: {  	_ =	swait.ge [sflag:s15], $0x80  }
0x112: {  	[sflag:s15] =	ssyncset.done $0x0  }
0x113: {  	[sflag:s15] =	ssyncadd.s32 $0xFFFFFF80  }
0x114: {  	_ =	swait.ge [sflag:s15], $0x80  }
0x115: {  	[sflag:s15] =	ssyncset.done $0x0  }
0x116: {  	s4 =	rddreg [dreg:$0xc];
	[sflag:s15] =	ssyncadd.s32 $0xFFFFFF80  }
0x117: {  	[tilespmem:s16], [sflag:$0x6] =	stream.indirect.gather [hbm4b:s0+s8], $0x80, s8, s8, $0xb8;
	[tilespmem:$0x1EC00] =	vst v63  }
0x118: {  	s31 =	rddreg [dreg:$0xb];
	s4 =	sadd.s32 s29, s4  }
0x119: {  	[tilespmem:s17], [sflag:$0x3] =	stream.linear.gather [hbm4b:s4+s7], $0x80, $0x38;
	[tilespmem:$0x1EC00] =	vst v63  }
0x11a: {  	s31 =	sadd.s32 s29, s31  }
0x11b: {  	[tilespmem:s18], [sflag:$0x3] =	stream.linear.gather [hbm4b:s31+s7], $0x80, $0x38;
	[tilespmem:$0x1EC00] =	vst v63  }
0x11c: {  	v7 =	vld [tilespmem:$0x200];
	_ =	sdelay $0x7  }
0x11d: {  	[tilespmem:v7+s19+$0x0] =	vst.idx.add.f32.msk $0xffff, v6  }
0x11e: {  	v7 =	vld [tilespmem:$0x210];
	_ =	sdelay $0x7  }
0x11f: {  	[tilespmem:v7+s19+$0x0] =	vst.idx.add.f32.msk $0xffff, v6  }
0x120: {  	v7 =	vld [tilespmem:$0x220];
	_ =	sdelay $0x7  }
0x121: {  	[tilespmem:v7+s19+$0x0] =	vst.idx.add.f32.msk $0xffff, v6  }
0x122: {  	v7 =	vld [tilespmem:$0x230];
	_ =	sdelay $0x7  }
0x123: {  	[tilespmem:v7+s19+$0x0] =	vst.idx.add.f32.msk $0xffff, v6  }
0x124: {  	v7 =	vld [tilespmem:$0x240];
	_ =	sdelay $0x7  }
0x125: {  	[tilespmem:v7+s19+$0x0] =	vst.idx.add.f32.msk $0xffff, v6  }
0x126: {  	v7 =	vld [tilespmem:$0x250];
	_ =	sdelay $0x7  }
0x127: {  	[tilespmem:v7+s19+$0x0] =	vst.idx.add.f32.msk $0xffff, v6  }
0x128: {  	v7 =	vld [tilespmem:$0x260];
	_ =	sdelay $0x7  }
0x129: {  	[tilespmem:v7+s19+$0x0] =	vst.idx.add.f32.msk $0xffff, v6  }
0x12a: {  	v7 =	vld [tilespmem:$0x270];
	_ =	sdelay $0x7  }
0x12b: {  	[tilespmem:v7+s19+$0x0] =	vst.idx.add.f32.msk $0xffff, v6  }
0x12c: {  	_ =	swait.ge [sflag:s20], $0x4000  }
0x12d: {  	[sflag:s20] =	ssyncset.done $0x0  }
0x12e: {  	[sflag:s20] =	ssyncadd.s32 $0xFFFFC000  }
0x12f: {  	[spmem:s3] =	stream.indirect.scatter.add.f32 [tilespmem:s16], [sflag:$0x8], $0x80, s9, s8, $0xb8;
	[tilespmem:$0x1EC00] =	vst v63  }
0x130: {  	_ =	swait.ge [sflag:s21], $0x4000  }
0x131: {  	[sflag:s21] =	ssyncset.done $0x0  }
0x132: {  	[sflag:s21] =	ssyncadd.s32 $0xFFFFC000  }
0x133: {  	_ =	swait.ge [sflag:s22], $0x80  }
0x134: {  	[sflag:s22] =	ssyncset.done $0x0  }
0x135: {  	[sflag:s22] =	ssyncadd.s32 $0xFFFFFF80  }
0x136: {  	_ =	swait.ge [sflag:s22], $0x80  }
0x137: {  	[sflag:s22] =	ssyncset.done $0x0  }
0x138: {  	s4 =	rddreg [dreg:$0xa];
	[sflag:s22] =	ssyncadd.s32 $0xFFFFFF80  }
0x139: {  	[tilespmem:s10], [sflag:$0x5] =	stream.indirect.gather [hbm4b:s0+s8], $0x80, s17, s8, $0xb8;
	[tilespmem:$0x1EC00] =	vst v63  }
0x13a: {  	s31 =	rddreg [dreg:$0x9];
	s4 =	sadd.s32 s29, s4  }
0x13b: {  	[tilespmem:s23], [sflag:$0x4] =	stream.linear.gather [hbm4b:s4+s7], $0x80, $0x38;
	[tilespmem:$0x1EC00] =	vst v63  }
0x13c: {  	s31 =	sadd.s32 s29, s31  }
0x13d: {  	[tilespmem:s24], [sflag:$0x4] =	stream.linear.gather [hbm4b:s31+s7], $0x80, $0x38;
	[tilespmem:$0x1EC00] =	vst v63  }
0x13e: {  	v7 =	vld [tilespmem:$0x280];
	_ =	sdelay $0x7  }
0x13f: {  	[tilespmem:v7+s19+$0x0] =	vst.idx.add.f32.msk $0xffff, v6  }
0x140: {  	v7 =	vld [tilespmem:$0x290];
	_ =	sdelay $0x7  }
0x141: {  	[tilespmem:v7+s19+$0x0] =	vst.idx.add.f32.msk $0xffff, v6  }
0x142: {  	v7 =	vld [tilespmem:$0x2A0];
	_ =	sdelay $0x7  }
0x143: {  	[tilespmem:v7+s19+$0x0] =	vst.idx.add.f32.msk $0xffff, v6  }
0x144: {  	v7 =	vld [tilespmem:$0x2B0];
	_ =	sdelay $0x7  }
0x145: {  	[tilespmem:v7+s19+$0x0] =	vst.idx.add.f32.msk $0xffff, v6  }
0x146: {  	v7 =	vld [tilespmem:$0x2C0];
	_ =	sdelay $0x7  }
0x147: {  	[tilespmem:v7+s19+$0x0] =	vst.idx.add.f32.msk $0xffff, v6  }
0x148: {  	v7 =	vld [tilespmem:$0x2D0];
	_ =	sdelay $0x7  }
0x149: {  	[tilespmem:v7+s19+$0x0] =	vst.idx.add.f32.msk $0xffff, v6  }
0x14a: {  	v7 =	vld [tilespmem:$0x2E0];
	_ =	sdelay $0x7  }
0x14b: {  	[tilespmem:v7+s19+$0x0] =	vst.idx.add.f32.msk $0xffff, v6  }
0x14c: {  	v7 =	vld [tilespmem:$0x2F0];
	_ =	sdelay $0x2  }
0x14d: {  	p3 =	sne.s32 s29, $0x440  }
.Ltmp2:
0x14e: {  	_ = 	snop;
	(pc) =	sbr.rel @p3 .LBB2_6-.Ltmp2, $2  }
0x14f: {  	_ =	sdelay $0x2  }
0x150: {  	s30 =	sadd.s32 $0x200, s30;
	s29 =	sadd.s32 $0x40, s29;
	[tilespmem:v7+s19+$0x0] =	vst.idx.add.f32.msk $0xffff, v6  }
0x151: {  	_ =	swait.ge [sflag:s14], $0x4000  }
0x152: {  	[sflag:s14] =	ssyncset.done $0x0  }
0x153: {  	[sflag:s14] =	ssyncadd.s32 $0xFFFFC000  }
0x154: {  	[spmem:s3] =	stream.indirect.scatter.add.f32 [tilespmem:s10], [sflag:$0x7], $0x80, s18, s8, $0xb8;
	[tilespmem:$0x1EC00] =	vst v63  }
0x155: {  	_ =	swait.ge [sflag:s25], $0x4000  }
0x156: {  	[sflag:s25] =	ssyncset.done $0x0  }
0x157: {  	[sflag:s25] =	ssyncadd.s32 $0xFFFFC000  }
0x158: {  	_ =	swait.ge [sflag:s28], $0x80  }
0x159: {  	[sflag:s28] =	ssyncset.done $0x0  }
0x15a: {  	[sflag:s28] =	ssyncadd.s32 $0xFFFFFF80  }
0x15b: {  	_ =	swait.ge [sflag:s28], $0x80  }
0x15c: {  	[sflag:s28] =	ssyncset.done $0x0  }
0x15d: {  	[sflag:s28] =	ssyncadd.s32 $0xFFFFFF80  }
0x15e: {  	[tilespmem:s16], [sflag:$0x6] =	stream.indirect.gather [hbm4b:s0+s8], $0x80, s23, s8, $0xb8;
	[tilespmem:$0x1EC00] =	vst v63  }
0x15f: {  	s4 =	rddreg [dreg:$0x1a]  }
0x160: {  	[tilespmem:s7], [sflag:$0x1] =	stream.linear.gather [hbm4b:s4+s7], $0x80, $0x38;
	[tilespmem:$0x1EC00] =	vst v63  }
0x161: {  	s29 =	rddreg [dreg:$0x1b]  }
0x162: {  	[tilespmem:s6], [sflag:$0x1] =	stream.linear.gather [hbm4b:s29+s7], $0x80, $0x38;
	[tilespmem:$0x1EC00] =	vst v63  }
0x163: {  	v7 =	vld [tilespmem:$0x300];
	_ =	sdelay $0x7  }
0x164: {  	[tilespmem:v7+s19+$0x0] =	vst.idx.add.f32.msk $0xffff, v6  }
0x165: {  	v7 =	vld [tilespmem:$0x310];
	_ =	sdelay $0x7  }
0x166: {  	[tilespmem:v7+s19+$0x0] =	vst.idx.add.f32.msk $0xffff, v6  }
0x167: {  	v7 =	vld [tilespmem:$0x320];
	_ =	sdelay $0x7  }
0x168: {  	[tilespmem:v7+s19+$0x0] =	vst.idx.add.f32.msk $0xffff, v6  }
0x169: {  	v7 =	vld [tilespmem:$0x330];
	_ =	sdelay $0x7  }
0x16a: {  	[tilespmem:v7+s19+$0x0] =	vst.idx.add.f32.msk $0xffff, v6  }
0x16b: {  	v7 =	vld [tilespmem:$0x340];
	_ =	sdelay $0x7  }
0x16c: {  	[tilespmem:v7+s19+$0x0] =	vst.idx.add.f32.msk $0xffff, v6  }
0x16d: {  	v7 =	vld [tilespmem:$0x350];
	_ =	sdelay $0x7  }
0x16e: {  	[tilespmem:v7+s19+$0x0] =	vst.idx.add.f32.msk $0xffff, v6  }
0x16f: {  	v7 =	vld [tilespmem:$0x360];
	_ =	sdelay $0x7  }
0x170: {  	[tilespmem:v7+s19+$0x0] =	vst.idx.add.f32.msk $0xffff, v6  }
0x171: {  	v7 =	vld [tilespmem:$0x370];
	_ =	sdelay $0x7  }
0x172: {  	[tilespmem:v7+s19+$0x0] =	vst.idx.add.f32.msk $0xffff, v6  }
0x173: {  	_ =	swait.ge [sflag:s20], $0x4000  }
0x174: {  	[sflag:s20] =	ssyncset.done $0x0  }
0x175: {  	[sflag:s20] =	ssyncadd.s32 $0xFFFFC000  }
0x176: {  	[spmem:s3] =	stream.indirect.scatter.add.f32 [tilespmem:s16], [sflag:$0x8], $0x80, s24, s8, $0xb8;
	[tilespmem:$0x1EC00] =	vst v63  }
0x177: {  	_ =	swait.ge [sflag:s21], $0x4000  }
0x178: {  	[sflag:s21] =	ssyncset.done $0x0  }
0x179: {  	[sflag:s21] =	ssyncadd.s32 $0xFFFFC000  }
0x17a: {  	_ =	swait.ge [sflag:s13], $0x80  }
0x17b: {  	[sflag:s13] =	ssyncset.done $0x0  }
0x17c: {  	[sflag:s13] =	ssyncadd.s32 $0xFFFFFF80  }
0x17d: {  	_ =	swait.ge [sflag:s13], $0x80  }
0x17e: {  	[sflag:s13] =	ssyncset.done $0x0  }
0x17f: {  	[sflag:s13] =	ssyncadd.s32 $0xFFFFFF80  }
0x180: {  	[tilespmem:s10], [sflag:$0x5] =	stream.indirect.gather [hbm4b:s0+s8], $0x80, s7, s8, $0xb8;
	[tilespmem:$0x1EC00] =	vst v63  }
0x181: {  	s30 =	rddreg [dreg:$0x1c]  }
0x182: {  	[tilespmem:s8], [sflag:$0x2] =	stream.linear.gather [hbm4b:s30+s7], $0x80, $0x38;
	[tilespmem:$0x1EC00] =	vst v63  }
0x183: {  	s29 =	rddreg [dreg:$0x1d]  }
0x184: {  	[tilespmem:s9], [sflag:$0x2] =	stream.linear.gather [hbm4b:s29+s7], $0x80, $0x38;
	[tilespmem:$0x1EC00] =	vst v63  }
0x185: {  	v7 =	vld [tilespmem:$0x380];
	_ =	sdelay $0x7  }
0x186: {  	[tilespmem:v7+s19+$0x0] =	vst.idx.add.f32.msk $0xffff, v6  }
0x187: {  	v7 =	vld [tilespmem:$0x390];
	_ =	sdelay $0x7  }
0x188: {  	[tilespmem:v7+s19+$0x0] =	vst.idx.add.f32.msk $0xffff, v6  }
0x189: {  	v7 =	vld [tilespmem:$0x3A0];
	_ =	sdelay $0x7  }
0x18a: {  	[tilespmem:v7+s19+$0x0] =	vst.idx.add.f32.msk $0xffff, v6  }
0x18b: {  	v7 =	vld [tilespmem:$0x3B0];
	_ =	sdelay $0x7  }
0x18c: {  	[tilespmem:v7+s19+$0x0] =	vst.idx.add.f32.msk $0xffff, v6  }
0x18d: {  	v7 =	vld [tilespmem:$0x3C0];
	_ =	sdelay $0x7  }
0x18e: {  	[tilespmem:v7+s19+$0x0] =	vst.idx.add.f32.msk $0xffff, v6  }
0x18f: {  	v7 =	vld [tilespmem:$0x3D0];
	_ =	sdelay $0x7  }
0x190: {  	[tilespmem:v7+s19+$0x0] =	vst.idx.add.f32.msk $0xffff, v6  }
0x191: {  	v7 =	vld [tilespmem:$0x3E0];
	_ =	sdelay $0x7  }
0x192: {  	[tilespmem:v7+s19+$0x0] =	vst.idx.add.f32.msk $0xffff, v6  }
0x193: {  	v7 =	vld [tilespmem:$0x3F0];
	_ =	sdelay $0x7  }
0x194: {  	[tilespmem:v7+s19+$0x0] =	vst.idx.add.f32.msk $0xffff, v6  }
0x195: {  	_ =	swait.ge [sflag:s14], $0x4000  }
0x196: {  	[sflag:s14] =	ssyncset.done $0x0  }
0x197: {  	[sflag:s14] =	ssyncadd.s32 $0xFFFFC000  }
0x198: {  	[spmem:s3] =	stream.indirect.scatter.add.f32 [tilespmem:s10], [sflag:$0x7], $0x80, s6, s8, $0xb8;
	[tilespmem:$0x1EC00] =	vst v63  }
0x199: {  	_ =	swait.ge [sflag:s25], $0x4000  }
0x19a: {  	[sflag:s25] =	ssyncset.done $0x0  }
0x19b: {  	[sflag:s25] =	ssyncadd.s32 $0xFFFFC000  }
0x19c: {  	_ =	swait.ge [sflag:s15], $0x80  }
0x19d: {  	[sflag:s15] =	ssyncset.done $0x0  }
0x19e: {  	[sflag:s15] =	ssyncadd.s32 $0xFFFFFF80  }
0x19f: {  	_ =	swait.ge [sflag:s15], $0x80  }
0x1a0: {  	[sflag:s15] =	ssyncset.done $0x0  }
0x1a1: {  	[sflag:s15] =	ssyncadd.s32 $0xFFFFFF80  }
0x1a2: {  	[tilespmem:s16], [sflag:$0x6] =	stream.indirect.gather [hbm4b:s0+s8], $0x80, s8, s8, $0xb8;
	[tilespmem:$0x1EC00] =	vst v63  }
0x1a3: {  	v7 =	vld [tilespmem:$0x200];
	_ =	sdelay $0x7  }
0x1a4: {  	[tilespmem:v7+s19+$0x0] =	vst.idx.add.f32.msk $0xffff, v6  }
0x1a5: {  	v7 =	vld [tilespmem:$0x210];
	_ =	sdelay $0x7  }
0x1a6: {  	[tilespmem:v7+s19+$0x0] =	vst.idx.add.f32.msk $0xffff, v6  }
0x1a7: {  	v7 =	vld [tilespmem:$0x220];
	_ =	sdelay $0x7  }
0x1a8: {  	[tilespmem:v7+s19+$0x0] =	vst.idx.add.f32.msk $0xffff, v6  }
0x1a9: {  	v7 =	vld [tilespmem:$0x230];
	_ =	sdelay $0x7  }
0x1aa: {  	[tilespmem:v7+s19+$0x0] =	vst.idx.add.f32.msk $0xffff, v6  }
0x1ab: {  	v7 =	vld [tilespmem:$0x240];
	_ =	sdelay $0x7  }
0x1ac: {  	[tilespmem:v7+s19+$0x0] =	vst.idx.add.f32.msk $0xffff, v6  }
0x1ad: {  	v7 =	vld [tilespmem:$0x250];
	_ =	sdelay $0x7  }
0x1ae: {  	[tilespmem:v7+s19+$0x0] =	vst.idx.add.f32.msk $0xffff, v6  }
0x1af: {  	v7 =	vld [tilespmem:$0x260];
	_ =	sdelay $0x7  }
0x1b0: {  	[tilespmem:v7+s19+$0x0] =	vst.idx.add.f32.msk $0xffff, v6  }
0x1b1: {  	v7 =	vld [tilespmem:$0x270];
	_ =	sdelay $0x7  }
0x1b2: {  	[tilespmem:v7+s19+$0x0] =	vst.idx.add.f32.msk $0xffff, v6  }
0x1b3: {  	_ =	swait.ge [sflag:s20], $0x4000  }
0x1b4: {  	[sflag:s20] =	ssyncset.done $0x0  }
0x1b5: {  	[sflag:s20] =	ssyncadd.s32 $0xFFFFC000  }
0x1b6: {  	[spmem:s3] =	stream.indirect.scatter.add.f32 [tilespmem:s16], [sflag:$0x8], $0x80, s9, s8, $0xb8;
	[tilespmem:$0x1EC00] =	vst v63  }
0x1b7: {  	_ =	swait.ge [sflag:s21], $0x4000  }
0x1b8: {  	[sflag:s21] =	ssyncset.done $0x0  }
0x1b9: {  	[sflag:s21] =	ssyncadd.s32 $0xFFFFC000  }
0x1ba: {  	v7 =	vld [tilespmem:$0x280];
	_ =	sdelay $0x7  }
0x1bb: {  	[tilespmem:v7+s19+$0x0] =	vst.idx.add.f32.msk $0xffff, v6  }
0x1bc: {  	v7 =	vld [tilespmem:$0x290];
	_ =	sdelay $0x7  }
0x1bd: {  	[tilespmem:v7+s19+$0x0] =	vst.idx.add.f32.msk $0xffff, v6  }
0x1be: {  	v7 =	vld [tilespmem:$0x2A0];
	_ =	sdelay $0x7  }
0x1bf: {  	[tilespmem:v7+s19+$0x0] =	vst.idx.add.f32.msk $0xffff, v6  }
0x1c0: {  	v7 =	vld [tilespmem:$0x2B0];
	_ =	sdelay $0x7  }
0x1c1: {  	[tilespmem:v7+s19+$0x0] =	vst.idx.add.f32.msk $0xffff, v6  }
0x1c2: {  	v7 =	vld [tilespmem:$0x2C0];
	_ =	sdelay $0x7  }
0x1c3: {  	[tilespmem:v7+s19+$0x0] =	vst.idx.add.f32.msk $0xffff, v6  }
0x1c4: {  	v7 =	vld [tilespmem:$0x2D0];
	_ =	sdelay $0x7  }
0x1c5: {  	[tilespmem:v7+s19+$0x0] =	vst.idx.add.f32.msk $0xffff, v6  }
0x1c6: {  	v7 =	vld [tilespmem:$0x2E0];
	_ =	sdelay $0x7  }
0x1c7: {  	[tilespmem:v7+s19+$0x0] =	vst.idx.add.f32.msk $0xffff, v6  }
0x1c8: {  	v7 =	vld [tilespmem:$0x2F0];
	_ =	sdelay $0x7  }
0x1c9: {  	s29 =	simm.s32 $0x400;
	s30 =	rddreg [dreg:$0x1e];
	[tilespmem:v7+s19+$0x0] =	vst.idx.add.f32.msk $0xffff, v6  }
0x1ca: {  	[tilespmem:s29], [sflag:$0x9] =	stream.linear.gather [hbm4b:s30+s7], $0x10, $0x38;
	[tilespmem:$0x1EC00] =	vst v63  }
0x1cb: {  	_ =	swait.ge [sflag:s11], $0x10  }
0x1cc: {  	[sflag:s11] =	ssyncset.done $0x0  }
0x1cd: {  	s30 =	simm.s32 $0x480;
	s4 =	rddreg [dreg:$0x1f];
	[sflag:s11] =	ssyncadd.s32 $0xFFFFFFF0  }
0x1ce: {  	[tilespmem:s30], [sflag:$0x9] =	stream.linear.gather [hbm4b:s4+s7], $0x10, $0x38;
	[tilespmem:$0x1EC00] =	vst v63  }
0x1cf: {  	_ =	swait.ge [sflag:s11], $0x10  }
0x1d0: {  	[sflag:s11] =	ssyncset.done $0x0  }
0x1d1: {  	s4 =	simm.s32 $0x10;
	[sflag:s11] =	ssyncadd.s32 $0xFFFFFFF0  }
0x1d2: {  	[tilespmem:s10], [sflag:$0x5] =	stream.indirect.gather [hbm4b:s0+s4], $0x80, s29, s4, $0xb8;
	[tilespmem:$0x1EC00] =	vst v63  }
0x1d3: {  	_ =	swait.ge [sflag:s14], $0x800  }
0x1d4: {  	[sflag:s14] =	ssyncset.done $0x0  }
0x1d5: {  	[sflag:s14] =	ssyncadd.s32 $0xFFFFF800  }
0x1d6: {  	[spmem:s3] =	stream.indirect.scatter.add.f32 [tilespmem:s10], [sflag:$0x7], $0x80, s30, s4, $0xb8;
	[tilespmem:$0x1EC00] =	vst v63  }
0x1d7: {  	v7 =	vld [tilespmem:$0x480];
	_ =	sdelay $0x7  }
0x1d8: {  	[tilespmem:v7+s19+$0x0] =	vst.idx.add.f32.msk $0xffff, v6  }
0x1d9: {  	_ =	swait.ge [sflag:s25], $0x4000  }
0x1da: {  	[sflag:s25] =	ssyncset.done $0x0  }
0x1db: {  	[sflag:s25] =	ssyncadd.s32 $0xFFFFC000  }
0x1dc: {  	_ =	swait.ge [sflag:s21], $0x800  }
0x1dd: {  	s31 =	smov.u32 s12;
	[sflag:s21] =	ssyncset.done $0x0  }
0x1de: {  	s29 =	simm.s32 $0x50;
	s30 =	simm.s32 $0x500;
	[sflag:s21] =	ssyncadd.s32 $0xFFFFF800  }
0x1df: {  	[spmem:s31] =	stream.indirect.scatter.add.f32 [tilespmem:s19], [sflag:$0x9], $0x80, s30, s29, $0xb8;
	[tilespmem:$0x1EC00] =	vst v63  }
0x1e0: {  	_ =	swait.ge [sflag:s11], $0x2800  }
0x1e1: {  	[sflag:s11] =	ssyncset.done $0x0  }
0x1e2: {  	s12 =	stileid.u32;
	[sflag:s11] =	ssyncadd.s32 $0xFFFFD800  }
0x1e3: {  	s4 =	sshll.u32 s12, $0x6;
	s12 =	smov.u32 s26;
	[bflag:$0x0] =	sbarrier.arrive $0xFFFF  }
0x1e4: {  	s26 =	sshrl.u32 s26, $0x3;
	s4 =	sor.u32 $0x1C09, s4;
	s30 =	rddreg [dreg:$0x16]  }
0x1e5: {  	[hbm:s30], [sflag:s4] =	dma.local [spmem:s26], $0x2780  }
0x1e6: {  	_ =	swait.ge [sflag:s11], $0x2780  }
0x1e7: {  	s30 =	sld [smem:$0x7F7];
	_ =	sdelay $0x1  }
0x1e8: {  	[sflag:s11] =	ssyncset.done $0x0  }
0x1e9: {  	s26 =	rddreg [dreg:$0x18];
	[sflag:s11] =	ssyncadd.s32 $0xFFFFD880;
	s29 =	sshrl.u32 @p1 s30, $0x3  }
0x1ea: {  	[hbm:s26], [sflag:s4] =	dma.local @p1 [spmem:s29], $0x100  }
0x1eb: {  	s29 =	simm.s32 @p1 $0x9  }
0x1ec: {  	_ =	swait.ge @p1 [sflag:s29], $0x100  }
0x1ed: {  	[sflag:s29] =	ssyncset.done @p1 $0x0  }
0x1ee: {  	s26 =	rddreg [dreg:$0x19];
	[sflag:s29] =	ssyncadd.s32 @p1 $0xFFFFFF00;
	s29 =	sshrl.u32 @p2 s30, $0x3  }
0x1ef: {  	[hbm:s26], [sflag:s4] =	dma.local @p2 [spmem:s29], $0x100  }
0x1f0: {  	s4 =	simm.s32 @p2 $0x9  }
0x1f1: {  	_ =	swait.ge @p2 [sflag:s4], $0x100  }
0x1f2: {  	s30 =	sld [smem:$0x7F8];
	_ =	sdelay $0x1  }
0x1f3: {  	s5 =	sadd.s32 $0x1, s5  }
0x1f4: {  	p3 =	sne.s32 s5, s30  }
.Ltmp3:
0x1f5: {  	_ = 	snop;
	(pc) =	sbr.rel @p3 .LBB2_1-.Ltmp3, $3  }
0x1f6: {  	_ =	sdelay $0x1  }
0x1f7: {  	[sflag:s4] =	ssyncset.done @p2 $0x0  }
0x1f8: {  	[sflag:s4] =	ssyncadd.s32 @p2 $0xFFFFFF00  }
0x1f9: {  	_ =	sfence.sel $0x180000  }
0x1fa: {  	[bflag:$0x0] =	sbarrier.arrive $0xFFFF  }
0x1fb: {  	_ =	strace $0x90000047  }
0x1fc: {  	[bflag:$0x2] =	sbarrier.arrive $0xFFFF  }
0x1fd: {  	s0 =	rddreg [dreg:$0x8]  }
0x1fe: {  	s0 =	sadd.s32 @!p0 $0x100000, s0  }
0x1ff: {  	[sflag:s0] =	ssyncadd.tile.s32 @!p0 $0x1;
	_ =	shalt  }
.Lfunc_end2:
_tile_overlayer_lowered:
.L_overlay_start_2:
0x200: {  	(tag) =	ssettag $0x2  }
0x201: {  	s0 =	rddreg [dreg:$0x0];
	s2 =	stileid.u32  }
0x202: {  	s1 =	rddreg [dreg:$0x1];
	p0 =	sne.s32 s2, $0x0  }
0x203: {  	s3 =	rddreg [dreg:$0x2];
	[bflag:$0x3] =	sbarrier.arrive $0xFFFF;
	s2 =	simm.s32 @!p0 $0x1C09  }
0x204: {  	[timem:s3], [sflag:s2] =	dma.local @!p0 [hbm:s0], s1  }
0x205: {  	s0 =	simm.s32 @!p0 $0x9  }
0x206: {  	_ =	swait.ge @!p0 [sflag:s0], s1  }
0x207: {  	s1 =	ssub.s32 @!p0 $0x0, s1;
	[sflag:s0] =	ssyncset.done @!p0 $0x0  }
0x208: {  	[sflag:s0] =	ssyncadd.s32 @!p0 s1  }
0x209: {  	[bflag:$0x3] =	sbarrier.arrive $0xFFFF  }
0x20a: {  	_ =	shalt  }

</sc_bundles>
